<compile_context>
chip_gen: v7x
topology: tpu7x:2x2x1
jax: 0.10.2.dev20260603
libtpu: 0.0.44.dev20260713+nightly
codegen_flags: <defaults>
</compile_context>

<pallas_src>
import functools

import jax
import jax.numpy as jnp
from jax import lax
from jax.experimental import pallas as pl
from jax.experimental.pallas import tpu as pltpu
from jax.experimental.pallas import tpu_sc as plsc

OUT_DIM = 256
SEG = 20
NBINS = 256
LANES = 16


def _sc_hist(xf, W, pw, half, nunits, num_cores, num_subcores):
    nw = num_cores * num_subcores
    per_w = nunits // nw
    rows_w = W // LANES
    unit_sz = half * W
    mesh = plsc.VectorSubcoreMesh(core_axis_name="c", subcore_axis_name="s")

    @functools.partial(
        pl.kernel,
        mesh=mesh,
        out_type=jax.ShapeDtypeStruct((nunits, pw, NBINS), jnp.int32),
        scratch_types=[
            pltpu.VMEM((per_w * unit_sz,), jnp.float32),
            pltpu.VMEM((per_w, pw, NBINS), jnp.int32),
            pltpu.SemaphoreType.DMA,
            pltpu.SemaphoreType.DMA,
        ],
        compiler_params=pltpu.CompilerParams(
            use_tc_tiling_on_sc=False, needs_layout_passes=False
        ),
    )
    def hist_kernel(xf_hbm, cum_hbm, xv, hist, sem_in, sem_out):
        wid = lax.axis_index("s") * num_cores + lax.axis_index("c")
        base = wid * per_w

        in_copies = [
            pltpu.async_copy(
                xf_hbm.at[pl.ds((base + u) * unit_sz, unit_sz)],
                xv.at[pl.ds(u * unit_sz, unit_sz)],
                sem_in,
            )
            for u in range(per_w)
        ]

        lanes_iota = lax.iota(jnp.int32, LANES)
        ones = jnp.ones((LANES,), jnp.int32)
        zeros = jnp.zeros((LANES,), jnp.int32)

        def zero_u(u, carry):
            def zero_p(p, c):
                def zero_chunk(j, c2):
                    hist[u, p, pl.ds(j * LANES, LANES)] = zeros
                    return c2

                return lax.fori_loop(0, NBINS // LANES, zero_chunk, c, unroll=4)

            return lax.fori_loop(0, pw, zero_p, carry)

        lax.fori_loop(0, per_w, zero_u, 0)

        out_copies = []
        for u in range(per_w):
            in_copies[u].wait()
            uvec = jnp.full((LANES,), u, jnp.int32)

            def col_body(j, c, u=u, uvec=uvec):
                wvec = j * LANES + lanes_iota
                pvec = lax.shift_right_logical(wvec * 3277, 16)

                @plsc.parallel_loop(0, half, unroll=10)
                def row_body(r):
                    v = xv[pl.ds(u * unit_sz + r * W + j * LANES, LANES)]
                    idx = (v * 255.0).astype(jnp.int32)
                    plsc.addupdate_scatter(hist, [uvec, pvec, idx], ones)

                return c

            lax.fori_loop(0, rows_w, col_body, 0)
            out_copies.append(
                pltpu.async_copy(hist.at[u], cum_hbm.at[base + u], sem_out)
            )
        for cp in out_copies:
            cp.wait()

    return hist_kernel(xf)


def _tc_finish(cum, emb, pos_emb, temp_emb, T, C, hn, wn, inv_n):
    S = hn * wn

    def body(cum_ref, emb_ref, pos_ref, temp_ref, out_ref):
        cumf = cum_ref[...].astype(jnp.float32)
        c6 = cumf.reshape(T, C, hn, 2, wn, NBINS)
        hist = c6.sum(axis=3).sum(axis=1).reshape(S * T, NBINS)
        res = jnp.dot(hist, emb_ref[...], preferred_element_type=jnp.float32)
        res = res * inv_n
        res = res.reshape(T, S, OUT_DIM) + pos_ref[...][None, :, :]
        cls = jnp.zeros((T, 1, OUT_DIM), jnp.float32)
        out = jnp.concatenate([cls, res], axis=1)
        out_ref[...] = out + temp_ref[0:T, :][:, None, :]

    return pl.pallas_call(
        body,
        out_shape=jax.ShapeDtypeStruct((T, S + 1, OUT_DIM), jnp.float32),
    )(cum, emb, pos_emb, temp_emb)


def kernel(x, emb, pos_emb, temp_emb):
    B, T, C, H, W = x.shape
    hn, wn = H // SEG, W // SEG
    S = hn * wn
    vals = C * SEG * SEG
    xf = x.reshape(B * T * C * H * W)
    half = SEG // 2
    nunits = B * T * C * hn * 2

    info = plsc.get_sparse_core_info()
    cum = _sc_hist(xf, W, wn, half, nunits, info.num_cores, info.num_subcores)
    out = _tc_finish(cum, emb, pos_emb, temp_emb, B * T, C, hn, wn, 1.0 / vals)
    return out.reshape(B, T, S + 1, OUT_DIM)

# --- scband reference (transcript-rebuilt; emitter-appended) ---
"""Pipeline reference for scband-video-embedding-80178449482037 (READ-ONLY COPY).

The authoritative reference and input builder live on the scoring server;
editing this copy changes nothing except your own understanding.
"""

import jax, jax.numpy as jnp
import numpy as np

SEGMENT_SIZE = 20
OUT_DIM = 256

def setup_inputs(seed: int = 0) -> dict:
    key = jax.random.key(seed)
    k1, k2, k3, k4 = jax.random.split(key, 4)
    x = jax.random.uniform(k1, (1, 4, 3, 240, 240), dtype=jnp.float32)
    emb = jax.random.normal(k2, (256, OUT_DIM), dtype=jnp.float32) * 0.02
    pos_emb = jax.random.normal(k3, (144, OUT_DIM), dtype=jnp.float32) * 0.02
    temp_emb = jax.random.normal(k4, (20, OUT_DIM), dtype=jnp.float32) * 0.02
    return {"x": x, "emb": emb, "pos_emb": pos_emb, "temp_emb": temp_emb}

def _segment_image(x, s):
    # faithful to torch segment_image: patches ordered row-major (y outer, x inner),
    # each patch keeps (channels, s, s) layout
    B, F, C, H, W = x.shape
    xs = x.reshape(B, F, C, H // s, s, W // s, s)
    xs = jnp.transpose(xs, (0, 1, 3, 5, 2, 4, 6))  # B,F,Hn,Wn,C,s,s
    return xs.reshape(B, F, (H // s) * (W // s), C, s, s)

def reference(x, emb, pos_emb, temp_emb):
    s = SEGMENT_SIZE
    xs = _segment_image(x, s)
    B, T, S, C, _, _ = xs.shape
    seg = C * s * s
    xs = xs.reshape(B, T, S, seg)
    idx = (xs * 255.0).astype(jnp.int32)  # truncation, same as torch .int()
    e = jnp.take(emb, idx, axis=0)        # [B, T, S, seg, D]
    e = e.mean(axis=3)                    # [B, T, S, D]
    p = jnp.take(pos_emb, jnp.arange(144), axis=0)  # [144, D]
    e = e + p[None, None, :, :]
    cls = jnp.zeros((B, T, 1, OUT_DIM), dtype=e.dtype)
    e = jnp.concatenate((cls, e), axis=2)  # [B, T, S+1, D]
    t = jnp.take(temp_emb, jnp.arange(T), axis=0)  # [T, D]
    e = e + t[None, :, None, :]
    return e.reshape(B, T, S + 1, OUT_DIM)

if __name__ == "__main__":
    import jax
    _d = setup_inputs()
    print(jax.jit(kernel)(*tuple(_d.values())))

</pallas_src>

<mosaic_0001>
#map = affine_map<(d0, d1) -> (0)>
#map1 = affine_map<(d0, d1) -> (0, 0, 0)>
module attributes {stable_mosaic.version = 14 : i64} {
  func.func @hist_kernel(%arg0: i32, %arg1: i32, %arg2: memref<691200xf32, #tpu.memory_space<hbm>>, %arg3: memref<288x12x256xi32, #tpu.memory_space<hbm>>, %arg4: memref<21600xf32, #tpu.memory_space<vmem>>, %arg5: memref<9x12x256xi32, #tpu.memory_space<vmem>>, %arg6: memref<!tpu.dma_semaphore, #tpu.memory_space<semaphore_mem>>, %arg7: memref<!tpu.dma_semaphore, #tpu.memory_space<semaphore_mem>>) attributes {dimension_semantics = [#tpu.dimension_semantics<core_parallel>, #tpu.dimension_semantics<subcore_parallel>], iteration_bounds = array<i64: 2, 16>, scalar_prefetch = 0 : i64, scratch_operands = 4 : i64, tpu.core_type = #tpu.core_type<sc_vector_subcore>, window_params = [{transform_indices = #map}, {transform_indices = #map1}]} {
    %mul3A = arith.constant 2 : i32
    %mul3A_0 = arith.muli %arg1, %mul3A : i32
    %add3A = arith.addi %mul3A_0, %arg0 : i32
    %mul3A_1 = arith.constant 9 : i32
    %mul3A_2 = arith.muli %add3A, %mul3A_1 : i32
    %add3A_3 = arith.constant 0 : i32
    %add3A_4 = arith.addi %mul3A_2, %add3A_3 : i32
    %mul3A_5 = arith.constant 2400 : i32
    %mul3A_6 = arith.muli %add3A_4, %mul3A_5 : i32
    %dma_start3A = arith.constant 0 : i32
    %dma_start3A_7 = tpu.memref_slice %arg4[%dma_start3A] : memref<21600xf32, #tpu.memory_space<vmem>> -> memref<2400xf32, #tpu.memory_space<vmem>>
    %dma_start3A_8 = tpu.memref_slice %arg2[%mul3A_6] : memref<691200xf32, #tpu.memory_space<hbm>> -> memref<2400xf32, #tpu.memory_space<hbm>>
    %dma_start3A_9 = arith.constant 0 : i32
    %dma_start3A_10 = tpu.memref_slice %arg4[%dma_start3A_9] : memref<21600xf32, #tpu.memory_space<vmem>> -> memref<2400xf32, #tpu.memory_space<vmem>>
    %dma_start3A_11 = tpu.memref_slice %arg2[%mul3A_6] : memref<691200xf32, #tpu.memory_space<hbm>> -> memref<2400xf32, #tpu.memory_space<hbm>>
    tpu.enqueue_dma source(%dma_start3A_11 : memref<2400xf32, #tpu.memory_space<hbm>>) target(%dma_start3A_10 : memref<2400xf32, #tpu.memory_space<vmem>>) target_semaphore(%arg6 : memref<!tpu.dma_semaphore, #tpu.memory_space<semaphore_mem>>)
    %add3A_12 = arith.constant 1 : i32
    %add3A_13 = arith.addi %mul3A_2, %add3A_12 : i32
    %mul3A_14 = arith.constant 2400 : i32
    %mul3A_15 = arith.muli %add3A_13, %mul3A_14 : i32
    %dma_start3A_16 = arith.constant 2400 : i32
    %dma_start3A_17 = tpu.memref_slice %arg4[%dma_start3A_16] : memref<21600xf32, #tpu.memory_space<vmem>> -> memref<2400xf32, #tpu.memory_space<vmem>>
    %dma_start3A_18 = tpu.memref_slice %arg2[%mul3A_15] : memref<691200xf32, #tpu.memory_space<hbm>> -> memref<2400xf32, #tpu.memory_space<hbm>>
    %dma_start3A_19 = arith.constant 2400 : i32
    %dma_start3A_20 = tpu.memref_slice %arg4[%dma_start3A_19] : memref<21600xf32, #tpu.memory_space<vmem>> -> memref<2400xf32, #tpu.memory_space<vmem>>
    %dma_start3A_21 = tpu.memref_slice %arg2[%mul3A_15] : memref<691200xf32, #tpu.memory_space<hbm>> -> memref<2400xf32, #tpu.memory_space<hbm>>
    tpu.enqueue_dma source(%dma_start3A_21 : memref<2400xf32, #tpu.memory_space<hbm>>) target(%dma_start3A_20 : memref<2400xf32, #tpu.memory_space<vmem>>) target_semaphore(%arg6 : memref<!tpu.dma_semaphore, #tpu.memory_space<semaphore_mem>>)
    %add3A_22 = arith.constant 2 : i32
    %add3A_23 = arith.addi %mul3A_2, %add3A_22 : i32
    %mul3A_24 = arith.constant 2400 : i32
    %mul3A_25 = arith.muli %add3A_23, %mul3A_24 : i32
    %dma_start3A_26 = arith.constant 4800 : i32
    %dma_start3A_27 = tpu.memref_slice %arg4[%dma_start3A_26] : memref<21600xf32, #tpu.memory_space<vmem>> -> memref<2400xf32, #tpu.memory_space<vmem>>
    %dma_start3A_28 = tpu.memref_slice %arg2[%mul3A_25] : memref<691200xf32, #tpu.memory_space<hbm>> -> memref<2400xf32, #tpu.memory_space<hbm>>
    %dma_start3A_29 = arith.constant 4800 : i32
    %dma_start3A_30 = tpu.memref_slice %arg4[%dma_start3A_29] : memref<21600xf32, #tpu.memory_space<vmem>> -> memref<2400xf32, #tpu.memory_space<vmem>>
    %dma_start3A_31 = tpu.memref_slice %arg2[%mul3A_25] : memref<691200xf32, #tpu.memory_space<hbm>> -> memref<2400xf32, #tpu.memory_space<hbm>>
    tpu.enqueue_dma source(%dma_start3A_31 : memref<2400xf32, #tpu.memory_space<hbm>>) target(%dma_start3A_30 : memref<2400xf32, #tpu.memory_space<vmem>>) target_semaphore(%arg6 : memref<!tpu.dma_semaphore, #tpu.memory_space<semaphore_mem>>)
    %add3A_32 = arith.constant 3 : i32
    %add3A_33 = arith.addi %mul3A_2, %add3A_32 : i32
    %mul3A_34 = arith.constant 2400 : i32
    %mul3A_35 = arith.muli %add3A_33, %mul3A_34 : i32
    %dma_start3A_36 = arith.constant 7200 : i32
    %dma_start3A_37 = tpu.memref_slice %arg4[%dma_start3A_36] : memref<21600xf32, #tpu.memory_space<vmem>> -> memref<2400xf32, #tpu.memory_space<vmem>>
    %dma_start3A_38 = tpu.memref_slice %arg2[%mul3A_35] : memref<691200xf32, #tpu.memory_space<hbm>> -> memref<2400xf32, #tpu.memory_space<hbm>>
    %dma_start3A_39 = arith.constant 7200 : i32
    %dma_start3A_40 = tpu.memref_slice %arg4[%dma_start3A_39] : memref<21600xf32, #tpu.memory_space<vmem>> -> memref<2400xf32, #tpu.memory_space<vmem>>
    %dma_start3A_41 = tpu.memref_slice %arg2[%mul3A_35] : memref<691200xf32, #tpu.memory_space<hbm>> -> memref<2400xf32, #tpu.memory_space<hbm>>
    tpu.enqueue_dma source(%dma_start3A_41 : memref<2400xf32, #tpu.memory_space<hbm>>) target(%dma_start3A_40 : memref<2400xf32, #tpu.memory_space<vmem>>) target_semaphore(%arg6 : memref<!tpu.dma_semaphore, #tpu.memory_space<semaphore_mem>>)
    %add3A_42 = arith.constant 4 : i32
    %add3A_43 = arith.addi %mul3A_2, %add3A_42 : i32
    %mul3A_44 = arith.constant 2400 : i32
    %mul3A_45 = arith.muli %add3A_43, %mul3A_44 : i32
    %dma_start3A_46 = arith.constant 9600 : i32
    %dma_start3A_47 = tpu.memref_slice %arg4[%dma_start3A_46] : memref<21600xf32, #tpu.memory_space<vmem>> -> memref<2400xf32, #tpu.memory_space<vmem>>
    %dma_start3A_48 = tpu.memref_slice %arg2[%mul3A_45] : memref<691200xf32, #tpu.memory_space<hbm>> -> memref<2400xf32, #tpu.memory_space<hbm>>
    %dma_start3A_49 = arith.constant 9600 : i32
    %dma_start3A_50 = tpu.memref_slice %arg4[%dma_start3A_49] : memref<21600xf32, #tpu.memory_space<vmem>> -> memref<2400xf32, #tpu.memory_space<vmem>>
    %dma_start3A_51 = tpu.memref_slice %arg2[%mul3A_45] : memref<691200xf32, #tpu.memory_space<hbm>> -> memref<2400xf32, #tpu.memory_space<hbm>>
    tpu.enqueue_dma source(%dma_start3A_51 : memref<2400xf32, #tpu.memory_space<hbm>>) target(%dma_start3A_50 : memref<2400xf32, #tpu.memory_space<vmem>>) target_semaphore(%arg6 : memref<!tpu.dma_semaphore, #tpu.memory_space<semaphore_mem>>)
    %add3A_52 = arith.constant 5 : i32
    %add3A_53 = arith.addi %mul3A_2, %add3A_52 : i32
    %mul3A_54 = arith.constant 2400 : i32
    %mul3A_55 = arith.muli %add3A_53, %mul3A_54 : i32
    %dma_start3A_56 = arith.constant 12000 : i32
    %dma_start3A_57 = tpu.memref_slice %arg4[%dma_start3A_56] : memref<21600xf32, #tpu.memory_space<vmem>> -> memref<2400xf32, #tpu.memory_space<vmem>>
    %dma_start3A_58 = tpu.memref_slice %arg2[%mul3A_55] : memref<691200xf32, #tpu.memory_space<hbm>> -> memref<2400xf32, #tpu.memory_space<hbm>>
    %dma_start3A_59 = arith.constant 12000 : i32
    %dma_start3A_60 = tpu.memref_slice %arg4[%dma_start3A_59] : memref<21600xf32, #tpu.memory_space<vmem>> -> memref<2400xf32, #tpu.memory_space<vmem>>
    %dma_start3A_61 = tpu.memref_slice %arg2[%mul3A_55] : memref<691200xf32, #tpu.memory_space<hbm>> -> memref<2400xf32, #tpu.memory_space<hbm>>
    tpu.enqueue_dma source(%dma_start3A_61 : memref<2400xf32, #tpu.memory_space<hbm>>) target(%dma_start3A_60 : memref<2400xf32, #tpu.memory_space<vmem>>) target_semaphore(%arg6 : memref<!tpu.dma_semaphore, #tpu.memory_space<semaphore_mem>>)
    %add3A_62 = arith.constant 6 : i32
    %add3A_63 = arith.addi %mul3A_2, %add3A_62 : i32
    %mul3A_64 = arith.constant 2400 : i32
    %mul3A_65 = arith.muli %add3A_63, %mul3A_64 : i32
    %dma_start3A_66 = arith.constant 14400 : i32
    %dma_start3A_67 = tpu.memref_slice %arg4[%dma_start3A_66] : memref<21600xf32, #tpu.memory_space<vmem>> -> memref<2400xf32, #tpu.memory_space<vmem>>
    %dma_start3A_68 = tpu.memref_slice %arg2[%mul3A_65] : memref<691200xf32, #tpu.memory_space<hbm>> -> memref<2400xf32, #tpu.memory_space<hbm>>
    %dma_start3A_69 = arith.constant 14400 : i32
    %dma_start3A_70 = tpu.memref_slice %arg4[%dma_start3A_69] : memref<21600xf32, #tpu.memory_space<vmem>> -> memref<2400xf32, #tpu.memory_space<vmem>>
    %dma_start3A_71 = tpu.memref_slice %arg2[%mul3A_65] : memref<691200xf32, #tpu.memory_space<hbm>> -> memref<2400xf32, #tpu.memory_space<hbm>>
    tpu.enqueue_dma source(%dma_start3A_71 : memref<2400xf32, #tpu.memory_space<hbm>>) target(%dma_start3A_70 : memref<2400xf32, #tpu.memory_space<vmem>>) target_semaphore(%arg6 : memref<!tpu.dma_semaphore, #tpu.memory_space<semaphore_mem>>)
    %add3A_72 = arith.constant 7 : i32
    %add3A_73 = arith.addi %mul3A_2, %add3A_72 : i32
    %mul3A_74 = arith.constant 2400 : i32
    %mul3A_75 = arith.muli %add3A_73, %mul3A_74 : i32
    %dma_start3A_76 = arith.constant 16800 : i32
    %dma_start3A_77 = tpu.memref_slice %arg4[%dma_start3A_76] : memref<21600xf32, #tpu.memory_space<vmem>> -> memref<2400xf32, #tpu.memory_space<vmem>>
    %dma_start3A_78 = tpu.memref_slice %arg2[%mul3A_75] : memref<691200xf32, #tpu.memory_space<hbm>> -> memref<2400xf32, #tpu.memory_space<hbm>>
    %dma_start3A_79 = arith.constant 16800 : i32
    %dma_start3A_80 = tpu.memref_slice %arg4[%dma_start3A_79] : memref<21600xf32, #tpu.memory_space<vmem>> -> memref<2400xf32, #tpu.memory_space<vmem>>
    %dma_start3A_81 = tpu.memref_slice %arg2[%mul3A_75] : memref<691200xf32, #tpu.memory_space<hbm>> -> memref<2400xf32, #tpu.memory_space<hbm>>
    tpu.enqueue_dma source(%dma_start3A_81 : memref<2400xf32, #tpu.memory_space<hbm>>) target(%dma_start3A_80 : memref<2400xf32, #tpu.memory_space<vmem>>) target_semaphore(%arg6 : memref<!tpu.dma_semaphore, #tpu.memory_space<semaphore_mem>>)
    %add3A_82 = arith.constant 8 : i32
    %add3A_83 = arith.addi %mul3A_2, %add3A_82 : i32
    %mul3A_84 = arith.constant 2400 : i32
    %mul3A_85 = arith.muli %add3A_83, %mul3A_84 : i32
    %dma_start3A_86 = arith.constant 19200 : i32
    %dma_start3A_87 = tpu.memref_slice %arg4[%dma_start3A_86] : memref<21600xf32, #tpu.memory_space<vmem>> -> memref<2400xf32, #tpu.memory_space<vmem>>
    %dma_start3A_88 = tpu.memref_slice %arg2[%mul3A_85] : memref<691200xf32, #tpu.memory_space<hbm>> -> memref<2400xf32, #tpu.memory_space<hbm>>
    %dma_start3A_89 = arith.constant 19200 : i32
    %dma_start3A_90 = tpu.memref_slice %arg4[%dma_start3A_89] : memref<21600xf32, #tpu.memory_space<vmem>> -> memref<2400xf32, #tpu.memory_space<vmem>>
    %dma_start3A_91 = tpu.memref_slice %arg2[%mul3A_85] : memref<691200xf32, #tpu.memory_space<hbm>> -> memref<2400xf32, #tpu.memory_space<hbm>>
    tpu.enqueue_dma source(%dma_start3A_91 : memref<2400xf32, #tpu.memory_space<hbm>>) target(%dma_start3A_90 : memref<2400xf32, #tpu.memory_space<vmem>>) target_semaphore(%arg6 : memref<!tpu.dma_semaphore, #tpu.memory_space<semaphore_mem>>)
    %iota3A = tpu.iota {dimensions = array<i32: 0>} : vector<16xi32>
    %broadcast_in_dim3A = arith.constant 1 : i32
    %broadcast_in_dim3A_92 = vector.broadcast %broadcast_in_dim3A : i32 to vector<16xi32>
    %broadcast_in_dim3A_93 = arith.constant 0 : i32
    %broadcast_in_dim3A_94 = vector.broadcast %broadcast_in_dim3A_93 : i32 to vector<16xi32>
    %scan3A = arith.constant 0 : i32
    %scan3A_95 = arith.constant 0 : i32
    %scan3A_96 = arith.constant 9 : i32
    %scan3A_97 = arith.addi %scan3A_95, %scan3A_96 : i32
    %scan3A_98 = arith.constant 1 : i32
    scf.for %scan3A_549 = %scan3A_95 to %scan3A_97 step %scan3A_98  : i32 {
      %scan3A_550 = arith.constant 0 : i32
      %scan3A_551 = arith.constant 12 : i32
      %scan3A_552 = arith.addi %scan3A_550, %scan3A_551 : i32
      %scan3A_553 = arith.constant 1 : i32
      scf.for %scan3A_555 = %scan3A_550 to %scan3A_552 step %scan3A_553  : i32 {
        %scan3A_556 = arith.constant 0 : i32
        %scan3A_557 = arith.constant 16 : i32
        %scan3A_558 = arith.addi %scan3A_556, %scan3A_557 : i32
        %scan3A_559 = arith.constant 4 : i32
        scf.for %scan3A_561 = %scan3A_556 to %scan3A_558 step %scan3A_559  : i32 {
          %mul3A_562 = arith.constant 16 : i32
          %mul3A_563 = arith.muli %scan3A_561, %mul3A_562 : i32
          %swap3A = arith.index_cast %scan3A_549 : i32 to index
          %swap3A_564 = arith.index_cast %scan3A_555 : i32 to index
          %swap3A_565 = arith.index_cast %mul3A_563 : i32 to index
          %swap3A_566 = tpu.vector_load %arg5[%swap3A, %swap3A_564, %swap3A_565] {strides = array<i32>} : memref<9x12x256xi32, #tpu.memory_space<vmem>>, vector<16xi32>,
          tpu.vector_store %arg5[%swap3A, %swap3A_564, %swap3A_565], %broadcast_in_dim3A_94 {strides = array<i32>} : memref<9x12x256xi32, #tpu.memory_space<vmem>>, vector<16xi32>,
          %scan3A_567 = arith.constant 1 : i32
          %scan3A_568 = arith.addi %scan3A_561, %scan3A_567 : i32
          %mul3A_569 = arith.constant 16 : i32
          %mul3A_570 = arith.muli %scan3A_568, %mul3A_569 : i32
          %swap3A_571 = arith.index_cast %scan3A_549 : i32 to index
          %swap3A_572 = arith.index_cast %scan3A_555 : i32 to index
          %swap3A_573 = arith.index_cast %mul3A_570 : i32 to index
          %swap3A_574 = tpu.vector_load %arg5[%swap3A_571, %swap3A_572, %swap3A_573] {strides = array<i32>} : memref<9x12x256xi32, #tpu.memory_space<vmem>>, vector<16xi32>,
          tpu.vector_store %arg5[%swap3A_571, %swap3A_572, %swap3A_573], %broadcast_in_dim3A_94 {strides = array<i32>} : memref<9x12x256xi32, #tpu.memory_space<vmem>>, vector<16xi32>,
          %scan3A_575 = arith.constant 2 : i32
          %scan3A_576 = arith.addi %scan3A_561, %scan3A_575 : i32
          %mul3A_577 = arith.constant 16 : i32
          %mul3A_578 = arith.muli %scan3A_576, %mul3A_577 : i32
          %swap3A_579 = arith.index_cast %scan3A_549 : i32 to index
          %swap3A_580 = arith.index_cast %scan3A_555 : i32 to index
          %swap3A_581 = arith.index_cast %mul3A_578 : i32 to index
          %swap3A_582 = tpu.vector_load %arg5[%swap3A_579, %swap3A_580, %swap3A_581] {strides = array<i32>} : memref<9x12x256xi32, #tpu.memory_space<vmem>>, vector<16xi32>,
          tpu.vector_store %arg5[%swap3A_579, %swap3A_580, %swap3A_581], %broadcast_in_dim3A_94 {strides = array<i32>} : memref<9x12x256xi32, #tpu.memory_space<vmem>>, vector<16xi32>,
          %scan3A_583 = arith.constant 3 : i32
          %scan3A_584 = arith.addi %scan3A_561, %scan3A_583 : i32
          %mul3A_585 = arith.constant 16 : i32
          %mul3A_586 = arith.muli %scan3A_584, %mul3A_585 : i32
          %swap3A_587 = arith.index_cast %scan3A_549 : i32 to index
          %swap3A_588 = arith.index_cast %scan3A_555 : i32 to index
          %swap3A_589 = arith.index_cast %mul3A_586 : i32 to index
          %swap3A_590 = tpu.vector_load %arg5[%swap3A_587, %swap3A_588, %swap3A_589] {strides = array<i32>} : memref<9x12x256xi32, #tpu.memory_space<vmem>>, vector<16xi32>,
          tpu.vector_store %arg5[%swap3A_587, %swap3A_588, %swap3A_589], %broadcast_in_dim3A_94 {strides = array<i32>} : memref<9x12x256xi32, #tpu.memory_space<vmem>>, vector<16xi32>,
        }
        %scan3A_560 = arith.constant 16 : i32
      }
      %scan3A_554 = arith.constant 12 : i32
    }
    %scan3A_99 = arith.constant 9 : i32
    %dma_wait3A = arith.constant 0 : i32
    %dma_wait3A_100 = tpu.memref_slice %arg4[%dma_wait3A] : memref<21600xf32, #tpu.memory_space<vmem>> -> memref<2400xf32, #tpu.memory_space<vmem>>
    %dma_wait3A_101 = tpu.memref_slice %arg2[%mul3A_6] : memref<691200xf32, #tpu.memory_space<hbm>> -> memref<2400xf32, #tpu.memory_space<hbm>>
    %dma_wait3A_102 = arith.constant 0 : i32
    %dma_wait3A_103 = tpu.memref_slice %arg4[%dma_wait3A_102] : memref<21600xf32, #tpu.memory_space<vmem>> -> memref<2400xf32, #tpu.memory_space<vmem>>
    %dma_wait3A_104 = tpu.memref_slice %arg2[%mul3A_6] : memref<691200xf32, #tpu.memory_space<hbm>> -> memref<2400xf32, #tpu.memory_space<hbm>>
    tpu.wait_dma2 semaphore(%arg6 : memref<!tpu.dma_semaphore, #tpu.memory_space<semaphore_mem>>) src(%dma_wait3A_104 : memref<2400xf32, #tpu.memory_space<hbm>>) dst(%dma_wait3A_103 : memref<2400xf32, #tpu.memory_space<vmem>>)
    %broadcast_in_dim3A_105 = arith.constant 0 : i32
    %broadcast_in_dim3A_106 = vector.broadcast %broadcast_in_dim3A_105 : i32 to vector<16xi32>
    %scan3A_107 = arith.constant 0 : i32
    %scan3A_108 = arith.constant 0 : i32
    %scan3A_109 = arith.constant 15 : i32
    %scan3A_110 = arith.addi %scan3A_108, %scan3A_109 : i32
    %scan3A_111 = arith.constant 1 : i32
    scf.for %scan3A_549 = %scan3A_108 to %scan3A_110 step %scan3A_111  : i32 {
      %mul3A_550 = arith.constant 16 : i32
      %mul3A_551 = arith.muli %scan3A_549, %mul3A_550 : i32
      %add3A_552 = vector.broadcast %mul3A_551 : i32 to vector<16xi32>
      %add3A_553 = arith.addi %add3A_552, %iota3A : vector<16xi32>
      %mul3A_554 = arith.constant 3277 : i32
      %mul3A_555 = vector.broadcast %mul3A_554 : i32 to vector<16xi32>
      %mul3A_556 = arith.muli %add3A_553, %mul3A_555 : vector<16xi32>
      %shift_right_logical3A = arith.constant 16 : i32
      %shift_right_logical3A_557 = vector.broadcast %shift_right_logical3A : i32 to vector<16xi32>
      %shift_right_logical3A_558 = arith.shrui %mul3A_556, %shift_right_logical3A_557 : vector<16xi32>
      %parallel_loop3A = arith.constant 0 : i32
      %parallel_loop3A_559 = arith.constant 10 : i32
      %parallel_loop3A_560 = arith.constant 1 : i32
      scf.for %parallel_loop3A_561 = %parallel_loop3A to %parallel_loop3A_559 step %parallel_loop3A_560  : i32 {
        %parallel_loop3A_562 = arith.constant 240 : i32
        %parallel_loop3A_563 = arith.muli %parallel_loop3A_561, %parallel_loop3A_562 : i32
        %parallel_loop3A_564 = arith.constant 0 : i32
        %parallel_loop3A_565 = arith.addi %parallel_loop3A_564, %parallel_loop3A_563 : i32
        %parallel_loop3A_566 = arith.constant 16 : i32
        %parallel_loop3A_567 = arith.muli %scan3A_549, %parallel_loop3A_566 : i32
        %parallel_loop3A_568 = arith.addi %parallel_loop3A_565, %parallel_loop3A_567 : i32
        %parallel_loop3A_569 = arith.index_cast %parallel_loop3A_568 : i32 to index
        %parallel_loop3A_570 = tpu.vector_load %arg4[%parallel_loop3A_569] {strides = array<i32>} : memref<21600xf32, #tpu.memory_space<vmem>>, vector<16xf32>,
        %parallel_loop3A_571 = arith.constant 2.550000e+02 : f32
        %parallel_loop3A_572 = vector.broadcast %parallel_loop3A_571 : f32 to vector<16xf32>
        %parallel_loop3A_573 = arith.mulf %parallel_loop3A_570, %parallel_loop3A_572 : vector<16xf32>
        %parallel_loop3A_574 = arith.fptosi %parallel_loop3A_573 : vector<16xf32> to vector<16xi32>
        tpu.vector_store_idx %arg5[%broadcast_in_dim3A_106, %shift_right_logical3A_558, %parallel_loop3A_574], %broadcast_in_dim3A_92 {add = true} : memref<9x12x256xi32, #tpu.memory_space<vmem>>[vector<16xi32>, vector<16xi32>, vector<16xi32>], vector<16xi32>,
      } {sc.loop_unroll_factor = 10 : i64, sc.parallel_access}
    }
    %scan3A_112 = arith.constant 15 : i32
    %add3A_113 = arith.constant 0 : i32
    %add3A_114 = arith.addi %mul3A_2, %add3A_113 : i32
    %dma_start3A_115 = arith.constant 0 : i32
    %dma_start3A_116 = arith.constant 0 : i32
    %dma_start3A_117 = arith.constant 0 : i32
    %dma_start3A_118 = tpu.memref_slice %arg5[%dma_start3A_115, %dma_start3A_116, %dma_start3A_117] : memref<9x12x256xi32, #tpu.memory_space<vmem>> -> memref<1x12x256xi32, #tpu.memory_space<vmem>>
    %dma_start3A_119 = tpu.memref_squeeze %dma_start3A_118 : memref<1x12x256xi32, #tpu.memory_space<vmem>> -> memref<12x256xi32, #tpu.memory_space<vmem>>
    %dma_start3A_120 = arith.constant 0 : i32
    %dma_start3A_121 = arith.constant 0 : i32
    %dma_start3A_122 = tpu.memref_slice %arg3[%add3A_114, %dma_start3A_120, %dma_start3A_121] : memref<288x12x256xi32, #tpu.memory_space<hbm>> -> memref<1x12x256xi32, #tpu.memory_space<hbm>>
    %dma_start3A_123 = tpu.memref_squeeze %dma_start3A_122 : memref<1x12x256xi32, #tpu.memory_space<hbm>> -> memref<12x256xi32, #tpu.memory_space<hbm>>
    %dma_start3A_124 = arith.constant 0 : i32
    %dma_start3A_125 = arith.constant 0 : i32
    %dma_start3A_126 = tpu.memref_slice %arg3[%add3A_114, %dma_start3A_124, %dma_start3A_125] : memref<288x12x256xi32, #tpu.memory_space<hbm>> -> memref<1x12x256xi32, #tpu.memory_space<hbm>>
    %dma_start3A_127 = tpu.memref_squeeze %dma_start3A_126 : memref<1x12x256xi32, #tpu.memory_space<hbm>> -> memref<12x256xi32, #tpu.memory_space<hbm>>
    %dma_start3A_128 = arith.constant 0 : i32
    %dma_start3A_129 = arith.constant 0 : i32
    %dma_start3A_130 = tpu.memref_slice %arg5[%dma_start3A_115, %dma_start3A_128, %dma_start3A_129] : memref<9x12x256xi32, #tpu.memory_space<vmem>> -> memref<1x12x256xi32, #tpu.memory_space<vmem>>
    %dma_start3A_131 = tpu.memref_squeeze %dma_start3A_130 : memref<1x12x256xi32, #tpu.memory_space<vmem>> -> memref<12x256xi32, #tpu.memory_space<vmem>>
    tpu.enqueue_dma source(%dma_start3A_131 : memref<12x256xi32, #tpu.memory_space<vmem>>) target(%dma_start3A_127 : memref<12x256xi32, #tpu.memory_space<hbm>>) target_semaphore(%arg7 : memref<!tpu.dma_semaphore, #tpu.memory_space<semaphore_mem>>)
    %dma_wait3A_132 = arith.constant 2400 : i32
    %dma_wait3A_133 = tpu.memref_slice %arg4[%dma_wait3A_132] : memref<21600xf32, #tpu.memory_space<vmem>> -> memref<2400xf32, #tpu.memory_space<vmem>>
    %dma_wait3A_134 = tpu.memref_slice %arg2[%mul3A_15] : memref<691200xf32, #tpu.memory_space<hbm>> -> memref<2400xf32, #tpu.memory_space<hbm>>
    %dma_wait3A_135 = arith.constant 2400 : i32
    %dma_wait3A_136 = tpu.memref_slice %arg4[%dma_wait3A_135] : memref<21600xf32, #tpu.memory_space<vmem>> -> memref<2400xf32, #tpu.memory_space<vmem>>
    %dma_wait3A_137 = tpu.memref_slice %arg2[%mul3A_15] : memref<691200xf32, #tpu.memory_space<hbm>> -> memref<2400xf32, #tpu.memory_space<hbm>>
    tpu.wait_dma2 semaphore(%arg6 : memref<!tpu.dma_semaphore, #tpu.memory_space<semaphore_mem>>) src(%dma_wait3A_137 : memref<2400xf32, #tpu.memory_space<hbm>>) dst(%dma_wait3A_136 : memref<2400xf32, #tpu.memory_space<vmem>>)
    %broadcast_in_dim3A_138 = arith.constant 1 : i32
    %broadcast_in_dim3A_139 = vector.broadcast %broadcast_in_dim3A_138 : i32 to vector<16xi32>
    %scan3A_140 = arith.constant 0 : i32
    %scan3A_141 = arith.constant 0 : i32
    %scan3A_142 = arith.constant 15 : i32
    %scan3A_143 = arith.addi %scan3A_141, %scan3A_142 : i32
    %scan3A_144 = arith.constant 1 : i32
    scf.for %scan3A_549 = %scan3A_141 to %scan3A_143 step %scan3A_144  : i32 {
      %mul3A_550 = arith.constant 16 : i32
      %mul3A_551 = arith.muli %scan3A_549, %mul3A_550 : i32
      %add3A_552 = vector.broadcast %mul3A_551 : i32 to vector<16xi32>
      %add3A_553 = arith.addi %add3A_552, %iota3A : vector<16xi32>
      %mul3A_554 = arith.constant 3277 : i32
      %mul3A_555 = vector.broadcast %mul3A_554 : i32 to vector<16xi32>
      %mul3A_556 = arith.muli %add3A_553, %mul3A_555 : vector<16xi32>
      %shift_right_logical3A = arith.constant 16 : i32
      %shift_right_logical3A_557 = vector.broadcast %shift_right_logical3A : i32 to vector<16xi32>
      %shift_right_logical3A_558 = arith.shrui %mul3A_556, %shift_right_logical3A_557 : vector<16xi32>
      %parallel_loop3A = arith.constant 0 : i32
      %parallel_loop3A_559 = arith.constant 10 : i32
      %parallel_loop3A_560 = arith.constant 1 : i32
      scf.for %parallel_loop3A_561 = %parallel_loop3A to %parallel_loop3A_559 step %parallel_loop3A_560  : i32 {
        %parallel_loop3A_562 = arith.constant 240 : i32
        %parallel_loop3A_563 = arith.muli %parallel_loop3A_561, %parallel_loop3A_562 : i32
        %parallel_loop3A_564 = arith.constant 2400 : i32
        %parallel_loop3A_565 = arith.addi %parallel_loop3A_564, %parallel_loop3A_563 : i32
        %parallel_loop3A_566 = arith.constant 16 : i32
        %parallel_loop3A_567 = arith.muli %scan3A_549, %parallel_loop3A_566 : i32
        %parallel_loop3A_568 = arith.addi %parallel_loop3A_565, %parallel_loop3A_567 : i32
        %parallel_loop3A_569 = arith.index_cast %parallel_loop3A_568 : i32 to index
        %parallel_loop3A_570 = tpu.vector_load %arg4[%parallel_loop3A_569] {strides = array<i32>} : memref<21600xf32, #tpu.memory_space<vmem>>, vector<16xf32>,
        %parallel_loop3A_571 = arith.constant 2.550000e+02 : f32
        %parallel_loop3A_572 = vector.broadcast %parallel_loop3A_571 : f32 to vector<16xf32>
        %parallel_loop3A_573 = arith.mulf %parallel_loop3A_570, %parallel_loop3A_572 : vector<16xf32>
        %parallel_loop3A_574 = arith.fptosi %parallel_loop3A_573 : vector<16xf32> to vector<16xi32>
        tpu.vector_store_idx %arg5[%broadcast_in_dim3A_139, %shift_right_logical3A_558, %parallel_loop3A_574], %broadcast_in_dim3A_92 {add = true} : memref<9x12x256xi32, #tpu.memory_space<vmem>>[vector<16xi32>, vector<16xi32>, vector<16xi32>], vector<16xi32>,
      } {sc.loop_unroll_factor = 10 : i64, sc.parallel_access}
    }
    %scan3A_145 = arith.constant 15 : i32
    %add3A_146 = arith.constant 1 : i32
    %add3A_147 = arith.addi %mul3A_2, %add3A_146 : i32
    %dma_start3A_148 = arith.constant 1 : i32
    %dma_start3A_149 = arith.constant 0 : i32
    %dma_start3A_150 = arith.constant 0 : i32
    %dma_start3A_151 = tpu.memref_slice %arg5[%dma_start3A_148, %dma_start3A_149, %dma_start3A_150] : memref<9x12x256xi32, #tpu.memory_space<vmem>> -> memref<1x12x256xi32, #tpu.memory_space<vmem>>
    %dma_start3A_152 = tpu.memref_squeeze %dma_start3A_151 : memref<1x12x256xi32, #tpu.memory_space<vmem>> -> memref<12x256xi32, #tpu.memory_space<vmem>>
    %dma_start3A_153 = arith.constant 0 : i32
    %dma_start3A_154 = arith.constant 0 : i32
    %dma_start3A_155 = tpu.memref_slice %arg3[%add3A_147, %dma_start3A_153, %dma_start3A_154] : memref<288x12x256xi32, #tpu.memory_space<hbm>> -> memref<1x12x256xi32, #tpu.memory_space<hbm>>
    %dma_start3A_156 = tpu.memref_squeeze %dma_start3A_155 : memref<1x12x256xi32, #tpu.memory_space<hbm>> -> memref<12x256xi32, #tpu.memory_space<hbm>>
    %dma_start3A_157 = arith.constant 0 : i32
    %dma_start3A_158 = arith.constant 0 : i32
    %dma_start3A_159 = tpu.memref_slice %arg3[%add3A_147, %dma_start3A_157, %dma_start3A_158] : memref<288x12x256xi32, #tpu.memory_space<hbm>> -> memref<1x12x256xi32, #tpu.memory_space<hbm>>
    %dma_start3A_160 = tpu.memref_squeeze %dma_start3A_159 : memref<1x12x256xi32, #tpu.memory_space<hbm>> -> memref<12x256xi32, #tpu.memory_space<hbm>>
    %dma_start3A_161 = arith.constant 0 : i32
    %dma_start3A_162 = arith.constant 0 : i32
    %dma_start3A_163 = tpu.memref_slice %arg5[%dma_start3A_148, %dma_start3A_161, %dma_start3A_162] : memref<9x12x256xi32, #tpu.memory_space<vmem>> -> memref<1x12x256xi32, #tpu.memory_space<vmem>>
    %dma_start3A_164 = tpu.memref_squeeze %dma_start3A_163 : memref<1x12x256xi32, #tpu.memory_space<vmem>> -> memref<12x256xi32, #tpu.memory_space<vmem>>
    tpu.enqueue_dma source(%dma_start3A_164 : memref<12x256xi32, #tpu.memory_space<vmem>>) target(%dma_start3A_160 : memref<12x256xi32, #tpu.memory_space<hbm>>) target_semaphore(%arg7 : memref<!tpu.dma_semaphore, #tpu.memory_space<semaphore_mem>>)
    %dma_wait3A_165 = arith.constant 4800 : i32
    %dma_wait3A_166 = tpu.memref_slice %arg4[%dma_wait3A_165] : memref<21600xf32, #tpu.memory_space<vmem>> -> memref<2400xf32, #tpu.memory_space<vmem>>
    %dma_wait3A_167 = tpu.memref_slice %arg2[%mul3A_25] : memref<691200xf32, #tpu.memory_space<hbm>> -> memref<2400xf32, #tpu.memory_space<hbm>>
    %dma_wait3A_168 = arith.constant 4800 : i32
    %dma_wait3A_169 = tpu.memref_slice %arg4[%dma_wait3A_168] : memref<21600xf32, #tpu.memory_space<vmem>> -> memref<2400xf32, #tpu.memory_space<vmem>>
    %dma_wait3A_170 = tpu.memref_slice %arg2[%mul3A_25] : memref<691200xf32, #tpu.memory_space<hbm>> -> memref<2400xf32, #tpu.memory_space<hbm>>
    tpu.wait_dma2 semaphore(%arg6 : memref<!tpu.dma_semaphore, #tpu.memory_space<semaphore_mem>>) src(%dma_wait3A_170 : memref<2400xf32, #tpu.memory_space<hbm>>) dst(%dma_wait3A_169 : memref<2400xf32, #tpu.memory_space<vmem>>)
    %broadcast_in_dim3A_171 = arith.constant 2 : i32
    %broadcast_in_dim3A_172 = vector.broadcast %broadcast_in_dim3A_171 : i32 to vector<16xi32>
    %scan3A_173 = arith.constant 0 : i32
    %scan3A_174 = arith.constant 0 : i32
    %scan3A_175 = arith.constant 15 : i32
    %scan3A_176 = arith.addi %scan3A_174, %scan3A_175 : i32
    %scan3A_177 = arith.constant 1 : i32
    scf.for %scan3A_549 = %scan3A_174 to %scan3A_176 step %scan3A_177  : i32 {
      %mul3A_550 = arith.constant 16 : i32
      %mul3A_551 = arith.muli %scan3A_549, %mul3A_550 : i32
      %add3A_552 = vector.broadcast %mul3A_551 : i32 to vector<16xi32>
      %add3A_553 = arith.addi %add3A_552, %iota3A : vector<16xi32>
      %mul3A_554 = arith.constant 3277 : i32
      %mul3A_555 = vector.broadcast %mul3A_554 : i32 to vector<16xi32>
      %mul3A_556 = arith.muli %add3A_553, %mul3A_555 : vector<16xi32>
      %shift_right_logical3A = arith.constant 16 : i32
      %shift_right_logical3A_557 = vector.broadcast %shift_right_logical3A : i32 to vector<16xi32>
      %shift_right_logical3A_558 = arith.shrui %mul3A_556, %shift_right_logical3A_557 : vector<16xi32>
      %parallel_loop3A = arith.constant 0 : i32
      %parallel_loop3A_559 = arith.constant 10 : i32
      %parallel_loop3A_560 = arith.constant 1 : i32
      scf.for %parallel_loop3A_561 = %parallel_loop3A to %parallel_loop3A_559 step %parallel_loop3A_560  : i32 {
        %parallel_loop3A_562 = arith.constant 240 : i32
        %parallel_loop3A_563 = arith.muli %parallel_loop3A_561, %parallel_loop3A_562 : i32
        %parallel_loop3A_564 = arith.constant 4800 : i32
        %parallel_loop3A_565 = arith.addi %parallel_loop3A_564, %parallel_loop3A_563 : i32
        %parallel_loop3A_566 = arith.constant 16 : i32
        %parallel_loop3A_567 = arith.muli %scan3A_549, %parallel_loop3A_566 : i32
        %parallel_loop3A_568 = arith.addi %parallel_loop3A_565, %parallel_loop3A_567 : i32
        %parallel_loop3A_569 = arith.index_cast %parallel_loop3A_568 : i32 to index
        %parallel_loop3A_570 = tpu.vector_load %arg4[%parallel_loop3A_569] {strides = array<i32>} : memref<21600xf32, #tpu.memory_space<vmem>>, vector<16xf32>,
        %parallel_loop3A_571 = arith.constant 2.550000e+02 : f32
        %parallel_loop3A_572 = vector.broadcast %parallel_loop3A_571 : f32 to vector<16xf32>
        %parallel_loop3A_573 = arith.mulf %parallel_loop3A_570, %parallel_loop3A_572 : vector<16xf32>
        %parallel_loop3A_574 = arith.fptosi %parallel_loop3A_573 : vector<16xf32> to vector<16xi32>
        tpu.vector_store_idx %arg5[%broadcast_in_dim3A_172, %shift_right_logical3A_558, %parallel_loop3A_574], %broadcast_in_dim3A_92 {add = true} : memref<9x12x256xi32, #tpu.memory_space<vmem>>[vector<16xi32>, vector<16xi32>, vector<16xi32>], vector<16xi32>,
      } {sc.loop_unroll_factor = 10 : i64, sc.parallel_access}
    }
    %scan3A_178 = arith.constant 15 : i32
    %add3A_179 = arith.constant 2 : i32
    %add3A_180 = arith.addi %mul3A_2, %add3A_179 : i32
    %dma_start3A_181 = arith.constant 2 : i32
    %dma_start3A_182 = arith.constant 0 : i32
    %dma_start3A_183 = arith.constant 0 : i32
    %dma_start3A_184 = tpu.memref_slice %arg5[%dma_start3A_181, %dma_start3A_182, %dma_start3A_183] : memref<9x12x256xi32, #tpu.memory_space<vmem>> -> memref<1x12x256xi32, #tpu.memory_space<vmem>>
    %dma_start3A_185 = tpu.memref_squeeze %dma_start3A_184 : memref<1x12x256xi32, #tpu.memory_space<vmem>> -> memref<12x256xi32, #tpu.memory_space<vmem>>
    %dma_start3A_186 = arith.constant 0 : i32
    %dma_start3A_187 = arith.constant 0 : i32
    %dma_start3A_188 = tpu.memref_slice %arg3[%add3A_180, %dma_start3A_186, %dma_start3A_187] : memref<288x12x256xi32, #tpu.memory_space<hbm>> -> memref<1x12x256xi32, #tpu.memory_space<hbm>>
    %dma_start3A_189 = tpu.memref_squeeze %dma_start3A_188 : memref<1x12x256xi32, #tpu.memory_space<hbm>> -> memref<12x256xi32, #tpu.memory_space<hbm>>
    %dma_start3A_190 = arith.constant 0 : i32
    %dma_start3A_191 = arith.constant 0 : i32
    %dma_start3A_192 = tpu.memref_slice %arg3[%add3A_180, %dma_start3A_190, %dma_start3A_191] : memref<288x12x256xi32, #tpu.memory_space<hbm>> -> memref<1x12x256xi32, #tpu.memory_space<hbm>>
    %dma_start3A_193 = tpu.memref_squeeze %dma_start3A_192 : memref<1x12x256xi32, #tpu.memory_space<hbm>> -> memref<12x256xi32, #tpu.memory_space<hbm>>
    %dma_start3A_194 = arith.constant 0 : i32
    %dma_start3A_195 = arith.constant 0 : i32
    %dma_start3A_196 = tpu.memref_slice %arg5[%dma_start3A_181, %dma_start3A_194, %dma_start3A_195] : memref<9x12x256xi32, #tpu.memory_space<vmem>> -> memref<1x12x256xi32, #tpu.memory_space<vmem>>
    %dma_start3A_197 = tpu.memref_squeeze %dma_start3A_196 : memref<1x12x256xi32, #tpu.memory_space<vmem>> -> memref<12x256xi32, #tpu.memory_space<vmem>>
    tpu.enqueue_dma source(%dma_start3A_197 : memref<12x256xi32, #tpu.memory_space<vmem>>) target(%dma_start3A_193 : memref<12x256xi32, #tpu.memory_space<hbm>>) target_semaphore(%arg7 : memref<!tpu.dma_semaphore, #tpu.memory_space<semaphore_mem>>)
    %dma_wait3A_198 = arith.constant 7200 : i32
    %dma_wait3A_199 = tpu.memref_slice %arg4[%dma_wait3A_198] : memref<21600xf32, #tpu.memory_space<vmem>> -> memref<2400xf32, #tpu.memory_space<vmem>>
    %dma_wait3A_200 = tpu.memref_slice %arg2[%mul3A_35] : memref<691200xf32, #tpu.memory_space<hbm>> -> memref<2400xf32, #tpu.memory_space<hbm>>
    %dma_wait3A_201 = arith.constant 7200 : i32
    %dma_wait3A_202 = tpu.memref_slice %arg4[%dma_wait3A_201] : memref<21600xf32, #tpu.memory_space<vmem>> -> memref<2400xf32, #tpu.memory_space<vmem>>
    %dma_wait3A_203 = tpu.memref_slice %arg2[%mul3A_35] : memref<691200xf32, #tpu.memory_space<hbm>> -> memref<2400xf32, #tpu.memory_space<hbm>>
    tpu.wait_dma2 semaphore(%arg6 : memref<!tpu.dma_semaphore, #tpu.memory_space<semaphore_mem>>) src(%dma_wait3A_203 : memref<2400xf32, #tpu.memory_space<hbm>>) dst(%dma_wait3A_202 : memref<2400xf32, #tpu.memory_space<vmem>>)
    %broadcast_in_dim3A_204 = arith.constant 3 : i32
    %broadcast_in_dim3A_205 = vector.broadcast %broadcast_in_dim3A_204 : i32 to vector<16xi32>
    %scan3A_206 = arith.constant 0 : i32
    %scan3A_207 = arith.constant 0 : i32
    %scan3A_208 = arith.constant 15 : i32
    %scan3A_209 = arith.addi %scan3A_207, %scan3A_208 : i32
    %scan3A_210 = arith.constant 1 : i32
    scf.for %scan3A_549 = %scan3A_207 to %scan3A_209 step %scan3A_210  : i32 {
      %mul3A_550 = arith.constant 16 : i32
      %mul3A_551 = arith.muli %scan3A_549, %mul3A_550 : i32
      %add3A_552 = vector.broadcast %mul3A_551 : i32 to vector<16xi32>
      %add3A_553 = arith.addi %add3A_552, %iota3A : vector<16xi32>
      %mul3A_554 = arith.constant 3277 : i32
      %mul3A_555 = vector.broadcast %mul3A_554 : i32 to vector<16xi32>
      %mul3A_556 = arith.muli %add3A_553, %mul3A_555 : vector<16xi32>
      %shift_right_logical3A = arith.constant 16 : i32
      %shift_right_logical3A_557 = vector.broadcast %shift_right_logical3A : i32 to vector<16xi32>
      %shift_right_logical3A_558 = arith.shrui %mul3A_556, %shift_right_logical3A_557 : vector<16xi32>
      %parallel_loop3A = arith.constant 0 : i32
      %parallel_loop3A_559 = arith.constant 10 : i32
      %parallel_loop3A_560 = arith.constant 1 : i32
      scf.for %parallel_loop3A_561 = %parallel_loop3A to %parallel_loop3A_559 step %parallel_loop3A_560  : i32 {
        %parallel_loop3A_562 = arith.constant 240 : i32
        %parallel_loop3A_563 = arith.muli %parallel_loop3A_561, %parallel_loop3A_562 : i32
        %parallel_loop3A_564 = arith.constant 7200 : i32
        %parallel_loop3A_565 = arith.addi %parallel_loop3A_564, %parallel_loop3A_563 : i32
        %parallel_loop3A_566 = arith.constant 16 : i32
        %parallel_loop3A_567 = arith.muli %scan3A_549, %parallel_loop3A_566 : i32
        %parallel_loop3A_568 = arith.addi %parallel_loop3A_565, %parallel_loop3A_567 : i32
        %parallel_loop3A_569 = arith.index_cast %parallel_loop3A_568 : i32 to index
        %parallel_loop3A_570 = tpu.vector_load %arg4[%parallel_loop3A_569] {strides = array<i32>} : memref<21600xf32, #tpu.memory_space<vmem>>, vector<16xf32>,
        %parallel_loop3A_571 = arith.constant 2.550000e+02 : f32
        %parallel_loop3A_572 = vector.broadcast %parallel_loop3A_571 : f32 to vector<16xf32>
        %parallel_loop3A_573 = arith.mulf %parallel_loop3A_570, %parallel_loop3A_572 : vector<16xf32>
        %parallel_loop3A_574 = arith.fptosi %parallel_loop3A_573 : vector<16xf32> to vector<16xi32>
        tpu.vector_store_idx %arg5[%broadcast_in_dim3A_205, %shift_right_logical3A_558, %parallel_loop3A_574], %broadcast_in_dim3A_92 {add = true} : memref<9x12x256xi32, #tpu.memory_space<vmem>>[vector<16xi32>, vector<16xi32>, vector<16xi32>], vector<16xi32>,
      } {sc.loop_unroll_factor = 10 : i64, sc.parallel_access}
    }
    %scan3A_211 = arith.constant 15 : i32
    %add3A_212 = arith.constant 3 : i32
    %add3A_213 = arith.addi %mul3A_2, %add3A_212 : i32
    %dma_start3A_214 = arith.constant 3 : i32
    %dma_start3A_215 = arith.constant 0 : i32
    %dma_start3A_216 = arith.constant 0 : i32
    %dma_start3A_217 = tpu.memref_slice %arg5[%dma_start3A_214, %dma_start3A_215, %dma_start3A_216] : memref<9x12x256xi32, #tpu.memory_space<vmem>> -> memref<1x12x256xi32, #tpu.memory_space<vmem>>
    %dma_start3A_218 = tpu.memref_squeeze %dma_start3A_217 : memref<1x12x256xi32, #tpu.memory_space<vmem>> -> memref<12x256xi32, #tpu.memory_space<vmem>>
    %dma_start3A_219 = arith.constant 0 : i32
    %dma_start3A_220 = arith.constant 0 : i32
    %dma_start3A_221 = tpu.memref_slice %arg3[%add3A_213, %dma_start3A_219, %dma_start3A_220] : memref<288x12x256xi32, #tpu.memory_space<hbm>> -> memref<1x12x256xi32, #tpu.memory_space<hbm>>
    %dma_start3A_222 = tpu.memref_squeeze %dma_start3A_221 : memref<1x12x256xi32, #tpu.memory_space<hbm>> -> memref<12x256xi32, #tpu.memory_space<hbm>>
    %dma_start3A_223 = arith.constant 0 : i32
    %dma_start3A_224 = arith.constant 0 : i32
    %dma_start3A_225 = tpu.memref_slice %arg3[%add3A_213, %dma_start3A_223, %dma_start3A_224] : memref<288x12x256xi32, #tpu.memory_space<hbm>> -> memref<1x12x256xi32, #tpu.memory_space<hbm>>
    %dma_start3A_226 = tpu.memref_squeeze %dma_start3A_225 : memref<1x12x256xi32, #tpu.memory_space<hbm>> -> memref<12x256xi32, #tpu.memory_space<hbm>>
    %dma_start3A_227 = arith.constant 0 : i32
    %dma_start3A_228 = arith.constant 0 : i32
    %dma_start3A_229 = tpu.memref_slice %arg5[%dma_start3A_214, %dma_start3A_227, %dma_start3A_228] : memref<9x12x256xi32, #tpu.memory_space<vmem>> -> memref<1x12x256xi32, #tpu.memory_space<vmem>>
    %dma_start3A_230 = tpu.memref_squeeze %dma_start3A_229 : memref<1x12x256xi32, #tpu.memory_space<vmem>> -> memref<12x256xi32, #tpu.memory_space<vmem>>
    tpu.enqueue_dma source(%dma_start3A_230 : memref<12x256xi32, #tpu.memory_space<vmem>>) target(%dma_start3A_226 : memref<12x256xi32, #tpu.memory_space<hbm>>) target_semaphore(%arg7 : memref<!tpu.dma_semaphore, #tpu.memory_space<semaphore_mem>>)
    %dma_wait3A_231 = arith.constant 9600 : i32
    %dma_wait3A_232 = tpu.memref_slice %arg4[%dma_wait3A_231] : memref<21600xf32, #tpu.memory_space<vmem>> -> memref<2400xf32, #tpu.memory_space<vmem>>
    %dma_wait3A_233 = tpu.memref_slice %arg2[%mul3A_45] : memref<691200xf32, #tpu.memory_space<hbm>> -> memref<2400xf32, #tpu.memory_space<hbm>>
    %dma_wait3A_234 = arith.constant 9600 : i32
    %dma_wait3A_235 = tpu.memref_slice %arg4[%dma_wait3A_234] : memref<21600xf32, #tpu.memory_space<vmem>> -> memref<2400xf32, #tpu.memory_space<vmem>>
    %dma_wait3A_236 = tpu.memref_slice %arg2[%mul3A_45] : memref<691200xf32, #tpu.memory_space<hbm>> -> memref<2400xf32, #tpu.memory_space<hbm>>
    tpu.wait_dma2 semaphore(%arg6 : memref<!tpu.dma_semaphore, #tpu.memory_space<semaphore_mem>>) src(%dma_wait3A_236 : memref<2400xf32, #tpu.memory_space<hbm>>) dst(%dma_wait3A_235 : memref<2400xf32, #tpu.memory_space<vmem>>)
    %broadcast_in_dim3A_237 = arith.constant 4 : i32
    %broadcast_in_dim3A_238 = vector.broadcast %broadcast_in_dim3A_237 : i32 to vector<16xi32>
    %scan3A_239 = arith.constant 0 : i32
    %scan3A_240 = arith.constant 0 : i32
    %scan3A_241 = arith.constant 15 : i32
    %scan3A_242 = arith.addi %scan3A_240, %scan3A_241 : i32
    %scan3A_243 = arith.constant 1 : i32
    scf.for %scan3A_549 = %scan3A_240 to %scan3A_242 step %scan3A_243  : i32 {
      %mul3A_550 = arith.constant 16 : i32
      %mul3A_551 = arith.muli %scan3A_549, %mul3A_550 : i32
      %add3A_552 = vector.broadcast %mul3A_551 : i32 to vector<16xi32>
      %add3A_553 = arith.addi %add3A_552, %iota3A : vector<16xi32>
      %mul3A_554 = arith.constant 3277 : i32
      %mul3A_555 = vector.broadcast %mul3A_554 : i32 to vector<16xi32>
      %mul3A_556 = arith.muli %add3A_553, %mul3A_555 : vector<16xi32>
      %shift_right_logical3A = arith.constant 16 : i32
      %shift_right_logical3A_557 = vector.broadcast %shift_right_logical3A : i32 to vector<16xi32>
      %shift_right_logical3A_558 = arith.shrui %mul3A_556, %shift_right_logical3A_557 : vector<16xi32>
      %parallel_loop3A = arith.constant 0 : i32
      %parallel_loop3A_559 = arith.constant 10 : i32
      %parallel_loop3A_560 = arith.constant 1 : i32
      scf.for %parallel_loop3A_561 = %parallel_loop3A to %parallel_loop3A_559 step %parallel_loop3A_560  : i32 {
        %parallel_loop3A_562 = arith.constant 240 : i32
        %parallel_loop3A_563 = arith.muli %parallel_loop3A_561, %parallel_loop3A_562 : i32
        %parallel_loop3A_564 = arith.constant 9600 : i32
        %parallel_loop3A_565 = arith.addi %parallel_loop3A_564, %parallel_loop3A_563 : i32
        %parallel_loop3A_566 = arith.constant 16 : i32
        %parallel_loop3A_567 = arith.muli %scan3A_549, %parallel_loop3A_566 : i32
        %parallel_loop3A_568 = arith.addi %parallel_loop3A_565, %parallel_loop3A_567 : i32
        %parallel_loop3A_569 = arith.index_cast %parallel_loop3A_568 : i32 to index
        %parallel_loop3A_570 = tpu.vector_load %arg4[%parallel_loop3A_569] {strides = array<i32>} : memref<21600xf32, #tpu.memory_space<vmem>>, vector<16xf32>,
        %parallel_loop3A_571 = arith.constant 2.550000e+02 : f32
        %parallel_loop3A_572 = vector.broadcast %parallel_loop3A_571 : f32 to vector<16xf32>
        %parallel_loop3A_573 = arith.mulf %parallel_loop3A_570, %parallel_loop3A_572 : vector<16xf32>
        %parallel_loop3A_574 = arith.fptosi %parallel_loop3A_573 : vector<16xf32> to vector<16xi32>
        tpu.vector_store_idx %arg5[%broadcast_in_dim3A_238, %shift_right_logical3A_558, %parallel_loop3A_574], %broadcast_in_dim3A_92 {add = true} : memref<9x12x256xi32, #tpu.memory_space<vmem>>[vector<16xi32>, vector<16xi32>, vector<16xi32>], vector<16xi32>,
      } {sc.loop_unroll_factor = 10 : i64, sc.parallel_access}
    }
    %scan3A_244 = arith.constant 15 : i32
    %add3A_245 = arith.constant 4 : i32
    %add3A_246 = arith.addi %mul3A_2, %add3A_245 : i32
    %dma_start3A_247 = arith.constant 4 : i32
    %dma_start3A_248 = arith.constant 0 : i32
    %dma_start3A_249 = arith.constant 0 : i32
    %dma_start3A_250 = tpu.memref_slice %arg5[%dma_start3A_247, %dma_start3A_248, %dma_start3A_249] : memref<9x12x256xi32, #tpu.memory_space<vmem>> -> memref<1x12x256xi32, #tpu.memory_space<vmem>>
    %dma_start3A_251 = tpu.memref_squeeze %dma_start3A_250 : memref<1x12x256xi32, #tpu.memory_space<vmem>> -> memref<12x256xi32, #tpu.memory_space<vmem>>
    %dma_start3A_252 = arith.constant 0 : i32
    %dma_start3A_253 = arith.constant 0 : i32
    %dma_start3A_254 = tpu.memref_slice %arg3[%add3A_246, %dma_start3A_252, %dma_start3A_253] : memref<288x12x256xi32, #tpu.memory_space<hbm>> -> memref<1x12x256xi32, #tpu.memory_space<hbm>>
    %dma_start3A_255 = tpu.memref_squeeze %dma_start3A_254 : memref<1x12x256xi32, #tpu.memory_space<hbm>> -> memref<12x256xi32, #tpu.memory_space<hbm>>
    %dma_start3A_256 = arith.constant 0 : i32
    %dma_start3A_257 = arith.constant 0 : i32
    %dma_start3A_258 = tpu.memref_slice %arg3[%add3A_246, %dma_start3A_256, %dma_start3A_257] : memref<288x12x256xi32, #tpu.memory_space<hbm>> -> memref<1x12x256xi32, #tpu.memory_space<hbm>>
    %dma_start3A_259 = tpu.memref_squeeze %dma_start3A_258 : memref<1x12x256xi32, #tpu.memory_space<hbm>> -> memref<12x256xi32, #tpu.memory_space<hbm>>
    %dma_start3A_260 = arith.constant 0 : i32
    %dma_start3A_261 = arith.constant 0 : i32
    %dma_start3A_262 = tpu.memref_slice %arg5[%dma_start3A_247, %dma_start3A_260, %dma_start3A_261] : memref<9x12x256xi32, #tpu.memory_space<vmem>> -> memref<1x12x256xi32, #tpu.memory_space<vmem>>
    %dma_start3A_263 = tpu.memref_squeeze %dma_start3A_262 : memref<1x12x256xi32, #tpu.memory_space<vmem>> -> memref<12x256xi32, #tpu.memory_space<vmem>>
    tpu.enqueue_dma source(%dma_start3A_263 : memref<12x256xi32, #tpu.memory_space<vmem>>) target(%dma_start3A_259 : memref<12x256xi32, #tpu.memory_space<hbm>>) target_semaphore(%arg7 : memref<!tpu.dma_semaphore, #tpu.memory_space<semaphore_mem>>)
    %dma_wait3A_264 = arith.constant 12000 : i32
    %dma_wait3A_265 = tpu.memref_slice %arg4[%dma_wait3A_264] : memref<21600xf32, #tpu.memory_space<vmem>> -> memref<2400xf32, #tpu.memory_space<vmem>>
    %dma_wait3A_266 = tpu.memref_slice %arg2[%mul3A_55] : memref<691200xf32, #tpu.memory_space<hbm>> -> memref<2400xf32, #tpu.memory_space<hbm>>
    %dma_wait3A_267 = arith.constant 12000 : i32
    %dma_wait3A_268 = tpu.memref_slice %arg4[%dma_wait3A_267] : memref<21600xf32, #tpu.memory_space<vmem>> -> memref<2400xf32, #tpu.memory_space<vmem>>
    %dma_wait3A_269 = tpu.memref_slice %arg2[%mul3A_55] : memref<691200xf32, #tpu.memory_space<hbm>> -> memref<2400xf32, #tpu.memory_space<hbm>>
    tpu.wait_dma2 semaphore(%arg6 : memref<!tpu.dma_semaphore, #tpu.memory_space<semaphore_mem>>) src(%dma_wait3A_269 : memref<2400xf32, #tpu.memory_space<hbm>>) dst(%dma_wait3A_268 : memref<2400xf32, #tpu.memory_space<vmem>>)
    %broadcast_in_dim3A_270 = arith.constant 5 : i32
    %broadcast_in_dim3A_271 = vector.broadcast %broadcast_in_dim3A_270 : i32 to vector<16xi32>
    %scan3A_272 = arith.constant 0 : i32
    %scan3A_273 = arith.constant 0 : i32
    %scan3A_274 = arith.constant 15 : i32
    %scan3A_275 = arith.addi %scan3A_273, %scan3A_274 : i32
    %scan3A_276 = arith.constant 1 : i32
    scf.for %scan3A_549 = %scan3A_273 to %scan3A_275 step %scan3A_276  : i32 {
      %mul3A_550 = arith.constant 16 : i32
      %mul3A_551 = arith.muli %scan3A_549, %mul3A_550 : i32
      %add3A_552 = vector.broadcast %mul3A_551 : i32 to vector<16xi32>
      %add3A_553 = arith.addi %add3A_552, %iota3A : vector<16xi32>
      %mul3A_554 = arith.constant 3277 : i32
      %mul3A_555 = vector.broadcast %mul3A_554 : i32 to vector<16xi32>
      %mul3A_556 = arith.muli %add3A_553, %mul3A_555 : vector<16xi32>
      %shift_right_logical3A = arith.constant 16 : i32
      %shift_right_logical3A_557 = vector.broadcast %shift_right_logical3A : i32 to vector<16xi32>
      %shift_right_logical3A_558 = arith.shrui %mul3A_556, %shift_right_logical3A_557 : vector<16xi32>
      %parallel_loop3A = arith.constant 0 : i32
      %parallel_loop3A_559 = arith.constant 10 : i32
      %parallel_loop3A_560 = arith.constant 1 : i32
      scf.for %parallel_loop3A_561 = %parallel_loop3A to %parallel_loop3A_559 step %parallel_loop3A_560  : i32 {
        %parallel_loop3A_562 = arith.constant 240 : i32
        %parallel_loop3A_563 = arith.muli %parallel_loop3A_561, %parallel_loop3A_562 : i32
        %parallel_loop3A_564 = arith.constant 12000 : i32
        %parallel_loop3A_565 = arith.addi %parallel_loop3A_564, %parallel_loop3A_563 : i32
        %parallel_loop3A_566 = arith.constant 16 : i32
        %parallel_loop3A_567 = arith.muli %scan3A_549, %parallel_loop3A_566 : i32
        %parallel_loop3A_568 = arith.addi %parallel_loop3A_565, %parallel_loop3A_567 : i32
        %parallel_loop3A_569 = arith.index_cast %parallel_loop3A_568 : i32 to index
        %parallel_loop3A_570 = tpu.vector_load %arg4[%parallel_loop3A_569] {strides = array<i32>} : memref<21600xf32, #tpu.memory_space<vmem>>, vector<16xf32>,
        %parallel_loop3A_571 = arith.constant 2.550000e+02 : f32
        %parallel_loop3A_572 = vector.broadcast %parallel_loop3A_571 : f32 to vector<16xf32>
        %parallel_loop3A_573 = arith.mulf %parallel_loop3A_570, %parallel_loop3A_572 : vector<16xf32>
        %parallel_loop3A_574 = arith.fptosi %parallel_loop3A_573 : vector<16xf32> to vector<16xi32>
        tpu.vector_store_idx %arg5[%broadcast_in_dim3A_271, %shift_right_logical3A_558, %parallel_loop3A_574], %broadcast_in_dim3A_92 {add = true} : memref<9x12x256xi32, #tpu.memory_space<vmem>>[vector<16xi32>, vector<16xi32>, vector<16xi32>], vector<16xi32>,
      } {sc.loop_unroll_factor = 10 : i64, sc.parallel_access}
    }
    %scan3A_277 = arith.constant 15 : i32
    %add3A_278 = arith.constant 5 : i32
    %add3A_279 = arith.addi %mul3A_2, %add3A_278 : i32
    %dma_start3A_280 = arith.constant 5 : i32
    %dma_start3A_281 = arith.constant 0 : i32
    %dma_start3A_282 = arith.constant 0 : i32
    %dma_start3A_283 = tpu.memref_slice %arg5[%dma_start3A_280, %dma_start3A_281, %dma_start3A_282] : memref<9x12x256xi32, #tpu.memory_space<vmem>> -> memref<1x12x256xi32, #tpu.memory_space<vmem>>
    %dma_start3A_284 = tpu.memref_squeeze %dma_start3A_283 : memref<1x12x256xi32, #tpu.memory_space<vmem>> -> memref<12x256xi32, #tpu.memory_space<vmem>>
    %dma_start3A_285 = arith.constant 0 : i32
    %dma_start3A_286 = arith.constant 0 : i32
    %dma_start3A_287 = tpu.memref_slice %arg3[%add3A_279, %dma_start3A_285, %dma_start3A_286] : memref<288x12x256xi32, #tpu.memory_space<hbm>> -> memref<1x12x256xi32, #tpu.memory_space<hbm>>
    %dma_start3A_288 = tpu.memref_squeeze %dma_start3A_287 : memref<1x12x256xi32, #tpu.memory_space<hbm>> -> memref<12x256xi32, #tpu.memory_space<hbm>>
    %dma_start3A_289 = arith.constant 0 : i32
    %dma_start3A_290 = arith.constant 0 : i32
    %dma_start3A_291 = tpu.memref_slice %arg3[%add3A_279, %dma_start3A_289, %dma_start3A_290] : memref<288x12x256xi32, #tpu.memory_space<hbm>> -> memref<1x12x256xi32, #tpu.memory_space<hbm>>
    %dma_start3A_292 = tpu.memref_squeeze %dma_start3A_291 : memref<1x12x256xi32, #tpu.memory_space<hbm>> -> memref<12x256xi32, #tpu.memory_space<hbm>>
    %dma_start3A_293 = arith.constant 0 : i32
    %dma_start3A_294 = arith.constant 0 : i32
    %dma_start3A_295 = tpu.memref_slice %arg5[%dma_start3A_280, %dma_start3A_293, %dma_start3A_294] : memref<9x12x256xi32, #tpu.memory_space<vmem>> -> memref<1x12x256xi32, #tpu.memory_space<vmem>>
    %dma_start3A_296 = tpu.memref_squeeze %dma_start3A_295 : memref<1x12x256xi32, #tpu.memory_space<vmem>> -> memref<12x256xi32, #tpu.memory_space<vmem>>
    tpu.enqueue_dma source(%dma_start3A_296 : memref<12x256xi32, #tpu.memory_space<vmem>>) target(%dma_start3A_292 : memref<12x256xi32, #tpu.memory_space<hbm>>) target_semaphore(%arg7 : memref<!tpu.dma_semaphore, #tpu.memory_space<semaphore_mem>>)
    %dma_wait3A_297 = arith.constant 14400 : i32
    %dma_wait3A_298 = tpu.memref_slice %arg4[%dma_wait3A_297] : memref<21600xf32, #tpu.memory_space<vmem>> -> memref<2400xf32, #tpu.memory_space<vmem>>
    %dma_wait3A_299 = tpu.memref_slice %arg2[%mul3A_65] : memref<691200xf32, #tpu.memory_space<hbm>> -> memref<2400xf32, #tpu.memory_space<hbm>>
    %dma_wait3A_300 = arith.constant 14400 : i32
    %dma_wait3A_301 = tpu.memref_slice %arg4[%dma_wait3A_300] : memref<21600xf32, #tpu.memory_space<vmem>> -> memref<2400xf32, #tpu.memory_space<vmem>>
    %dma_wait3A_302 = tpu.memref_slice %arg2[%mul3A_65] : memref<691200xf32, #tpu.memory_space<hbm>> -> memref<2400xf32, #tpu.memory_space<hbm>>
    tpu.wait_dma2 semaphore(%arg6 : memref<!tpu.dma_semaphore, #tpu.memory_space<semaphore_mem>>) src(%dma_wait3A_302 : memref<2400xf32, #tpu.memory_space<hbm>>) dst(%dma_wait3A_301 : memref<2400xf32, #tpu.memory_space<vmem>>)
    %broadcast_in_dim3A_303 = arith.constant 6 : i32
    %broadcast_in_dim3A_304 = vector.broadcast %broadcast_in_dim3A_303 : i32 to vector<16xi32>
    %scan3A_305 = arith.constant 0 : i32
    %scan3A_306 = arith.constant 0 : i32
    %scan3A_307 = arith.constant 15 : i32
    %scan3A_308 = arith.addi %scan3A_306, %scan3A_307 : i32
    %scan3A_309 = arith.constant 1 : i32
    scf.for %scan3A_549 = %scan3A_306 to %scan3A_308 step %scan3A_309  : i32 {
      %mul3A_550 = arith.constant 16 : i32
      %mul3A_551 = arith.muli %scan3A_549, %mul3A_550 : i32
      %add3A_552 = vector.broadcast %mul3A_551 : i32 to vector<16xi32>
      %add3A_553 = arith.addi %add3A_552, %iota3A : vector<16xi32>
      %mul3A_554 = arith.constant 3277 : i32
      %mul3A_555 = vector.broadcast %mul3A_554 : i32 to vector<16xi32>
      %mul3A_556 = arith.muli %add3A_553, %mul3A_555 : vector<16xi32>
      %shift_right_logical3A = arith.constant 16 : i32
      %shift_right_logical3A_557 = vector.broadcast %shift_right_logical3A : i32 to vector<16xi32>
      %shift_right_logical3A_558 = arith.shrui %mul3A_556, %shift_right_logical3A_557 : vector<16xi32>
      %parallel_loop3A = arith.constant 0 : i32
      %parallel_loop3A_559 = arith.constant 10 : i32
      %parallel_loop3A_560 = arith.constant 1 : i32
      scf.for %parallel_loop3A_561 = %parallel_loop3A to %parallel_loop3A_559 step %parallel_loop3A_560  : i32 {
        %parallel_loop3A_562 = arith.constant 240 : i32
        %parallel_loop3A_563 = arith.muli %parallel_loop3A_561, %parallel_loop3A_562 : i32
        %parallel_loop3A_564 = arith.constant 14400 : i32
        %parallel_loop3A_565 = arith.addi %parallel_loop3A_564, %parallel_loop3A_563 : i32
        %parallel_loop3A_566 = arith.constant 16 : i32
        %parallel_loop3A_567 = arith.muli %scan3A_549, %parallel_loop3A_566 : i32
        %parallel_loop3A_568 = arith.addi %parallel_loop3A_565, %parallel_loop3A_567 : i32
        %parallel_loop3A_569 = arith.index_cast %parallel_loop3A_568 : i32 to index
        %parallel_loop3A_570 = tpu.vector_load %arg4[%parallel_loop3A_569] {strides = array<i32>} : memref<21600xf32, #tpu.memory_space<vmem>>, vector<16xf32>,
        %parallel_loop3A_571 = arith.constant 2.550000e+02 : f32
        %parallel_loop3A_572 = vector.broadcast %parallel_loop3A_571 : f32 to vector<16xf32>
        %parallel_loop3A_573 = arith.mulf %parallel_loop3A_570, %parallel_loop3A_572 : vector<16xf32>
        %parallel_loop3A_574 = arith.fptosi %parallel_loop3A_573 : vector<16xf32> to vector<16xi32>
        tpu.vector_store_idx %arg5[%broadcast_in_dim3A_304, %shift_right_logical3A_558, %parallel_loop3A_574], %broadcast_in_dim3A_92 {add = true} : memref<9x12x256xi32, #tpu.memory_space<vmem>>[vector<16xi32>, vector<16xi32>, vector<16xi32>], vector<16xi32>,
      } {sc.loop_unroll_factor = 10 : i64, sc.parallel_access}
    }
    %scan3A_310 = arith.constant 15 : i32
    %add3A_311 = arith.constant 6 : i32
    %add3A_312 = arith.addi %mul3A_2, %add3A_311 : i32
    %dma_start3A_313 = arith.constant 6 : i32
    %dma_start3A_314 = arith.constant 0 : i32
    %dma_start3A_315 = arith.constant 0 : i32
    %dma_start3A_316 = tpu.memref_slice %arg5[%dma_start3A_313, %dma_start3A_314, %dma_start3A_315] : memref<9x12x256xi32, #tpu.memory_space<vmem>> -> memref<1x12x256xi32, #tpu.memory_space<vmem>>
    %dma_start3A_317 = tpu.memref_squeeze %dma_start3A_316 : memref<1x12x256xi32, #tpu.memory_space<vmem>> -> memref<12x256xi32, #tpu.memory_space<vmem>>
    %dma_start3A_318 = arith.constant 0 : i32
    %dma_start3A_319 = arith.constant 0 : i32
    %dma_start3A_320 = tpu.memref_slice %arg3[%add3A_312, %dma_start3A_318, %dma_start3A_319] : memref<288x12x256xi32, #tpu.memory_space<hbm>> -> memref<1x12x256xi32, #tpu.memory_space<hbm>>
    %dma_start3A_321 = tpu.memref_squeeze %dma_start3A_320 : memref<1x12x256xi32, #tpu.memory_space<hbm>> -> memref<12x256xi32, #tpu.memory_space<hbm>>
    %dma_start3A_322 = arith.constant 0 : i32
    %dma_start3A_323 = arith.constant 0 : i32
    %dma_start3A_324 = tpu.memref_slice %arg3[%add3A_312, %dma_start3A_322, %dma_start3A_323] : memref<288x12x256xi32, #tpu.memory_space<hbm>> -> memref<1x12x256xi32, #tpu.memory_space<hbm>>
    %dma_start3A_325 = tpu.memref_squeeze %dma_start3A_324 : memref<1x12x256xi32, #tpu.memory_space<hbm>> -> memref<12x256xi32, #tpu.memory_space<hbm>>
    %dma_start3A_326 = arith.constant 0 : i32
    %dma_start3A_327 = arith.constant 0 : i32
    %dma_start3A_328 = tpu.memref_slice %arg5[%dma_start3A_313, %dma_start3A_326, %dma_start3A_327] : memref<9x12x256xi32, #tpu.memory_space<vmem>> -> memref<1x12x256xi32, #tpu.memory_space<vmem>>
    %dma_start3A_329 = tpu.memref_squeeze %dma_start3A_328 : memref<1x12x256xi32, #tpu.memory_space<vmem>> -> memref<12x256xi32, #tpu.memory_space<vmem>>
    tpu.enqueue_dma source(%dma_start3A_329 : memref<12x256xi32, #tpu.memory_space<vmem>>) target(%dma_start3A_325 : memref<12x256xi32, #tpu.memory_space<hbm>>) target_semaphore(%arg7 : memref<!tpu.dma_semaphore, #tpu.memory_space<semaphore_mem>>)
    %dma_wait3A_330 = arith.constant 16800 : i32
    %dma_wait3A_331 = tpu.memref_slice %arg4[%dma_wait3A_330] : memref<21600xf32, #tpu.memory_space<vmem>> -> memref<2400xf32, #tpu.memory_space<vmem>>
    %dma_wait3A_332 = tpu.memref_slice %arg2[%mul3A_75] : memref<691200xf32, #tpu.memory_space<hbm>> -> memref<2400xf32, #tpu.memory_space<hbm>>
    %dma_wait3A_333 = arith.constant 16800 : i32
    %dma_wait3A_334 = tpu.memref_slice %arg4[%dma_wait3A_333] : memref<21600xf32, #tpu.memory_space<vmem>> -> memref<2400xf32, #tpu.memory_space<vmem>>
    %dma_wait3A_335 = tpu.memref_slice %arg2[%mul3A_75] : memref<691200xf32, #tpu.memory_space<hbm>> -> memref<2400xf32, #tpu.memory_space<hbm>>
    tpu.wait_dma2 semaphore(%arg6 : memref<!tpu.dma_semaphore, #tpu.memory_space<semaphore_mem>>) src(%dma_wait3A_335 : memref<2400xf32, #tpu.memory_space<hbm>>) dst(%dma_wait3A_334 : memref<2400xf32, #tpu.memory_space<vmem>>)
    %broadcast_in_dim3A_336 = arith.constant 7 : i32
    %broadcast_in_dim3A_337 = vector.broadcast %broadcast_in_dim3A_336 : i32 to vector<16xi32>
    %scan3A_338 = arith.constant 0 : i32
    %scan3A_339 = arith.constant 0 : i32
    %scan3A_340 = arith.constant 15 : i32
    %scan3A_341 = arith.addi %scan3A_339, %scan3A_340 : i32
    %scan3A_342 = arith.constant 1 : i32
    scf.for %scan3A_549 = %scan3A_339 to %scan3A_341 step %scan3A_342  : i32 {
      %mul3A_550 = arith.constant 16 : i32
      %mul3A_551 = arith.muli %scan3A_549, %mul3A_550 : i32
      %add3A_552 = vector.broadcast %mul3A_551 : i32 to vector<16xi32>
      %add3A_553 = arith.addi %add3A_552, %iota3A : vector<16xi32>
      %mul3A_554 = arith.constant 3277 : i32
      %mul3A_555 = vector.broadcast %mul3A_554 : i32 to vector<16xi32>
      %mul3A_556 = arith.muli %add3A_553, %mul3A_555 : vector<16xi32>
      %shift_right_logical3A = arith.constant 16 : i32
      %shift_right_logical3A_557 = vector.broadcast %shift_right_logical3A : i32 to vector<16xi32>
      %shift_right_logical3A_558 = arith.shrui %mul3A_556, %shift_right_logical3A_557 : vector<16xi32>
      %parallel_loop3A = arith.constant 0 : i32
      %parallel_loop3A_559 = arith.constant 10 : i32
      %parallel_loop3A_560 = arith.constant 1 : i32
      scf.for %parallel_loop3A_561 = %parallel_loop3A to %parallel_loop3A_559 step %parallel_loop3A_560  : i32 {
        %parallel_loop3A_562 = arith.constant 240 : i32
        %parallel_loop3A_563 = arith.muli %parallel_loop3A_561, %parallel_loop3A_562 : i32
        %parallel_loop3A_564 = arith.constant 16800 : i32
        %parallel_loop3A_565 = arith.addi %parallel_loop3A_564, %parallel_loop3A_563 : i32
        %parallel_loop3A_566 = arith.constant 16 : i32
        %parallel_loop3A_567 = arith.muli %scan3A_549, %parallel_loop3A_566 : i32
        %parallel_loop3A_568 = arith.addi %parallel_loop3A_565, %parallel_loop3A_567 : i32
        %parallel_loop3A_569 = arith.index_cast %parallel_loop3A_568 : i32 to index
        %parallel_loop3A_570 = tpu.vector_load %arg4[%parallel_loop3A_569] {strides = array<i32>} : memref<21600xf32, #tpu.memory_space<vmem>>, vector<16xf32>,
        %parallel_loop3A_571 = arith.constant 2.550000e+02 : f32
        %parallel_loop3A_572 = vector.broadcast %parallel_loop3A_571 : f32 to vector<16xf32>
        %parallel_loop3A_573 = arith.mulf %parallel_loop3A_570, %parallel_loop3A_572 : vector<16xf32>
        %parallel_loop3A_574 = arith.fptosi %parallel_loop3A_573 : vector<16xf32> to vector<16xi32>
        tpu.vector_store_idx %arg5[%broadcast_in_dim3A_337, %shift_right_logical3A_558, %parallel_loop3A_574], %broadcast_in_dim3A_92 {add = true} : memref<9x12x256xi32, #tpu.memory_space<vmem>>[vector<16xi32>, vector<16xi32>, vector<16xi32>], vector<16xi32>,
      } {sc.loop_unroll_factor = 10 : i64, sc.parallel_access}
    }
    %scan3A_343 = arith.constant 15 : i32
    %add3A_344 = arith.constant 7 : i32
    %add3A_345 = arith.addi %mul3A_2, %add3A_344 : i32
    %dma_start3A_346 = arith.constant 7 : i32
    %dma_start3A_347 = arith.constant 0 : i32
    %dma_start3A_348 = arith.constant 0 : i32
    %dma_start3A_349 = tpu.memref_slice %arg5[%dma_start3A_346, %dma_start3A_347, %dma_start3A_348] : memref<9x12x256xi32, #tpu.memory_space<vmem>> -> memref<1x12x256xi32, #tpu.memory_space<vmem>>
    %dma_start3A_350 = tpu.memref_squeeze %dma_start3A_349 : memref<1x12x256xi32, #tpu.memory_space<vmem>> -> memref<12x256xi32, #tpu.memory_space<vmem>>
    %dma_start3A_351 = arith.constant 0 : i32
    %dma_start3A_352 = arith.constant 0 : i32
    %dma_start3A_353 = tpu.memref_slice %arg3[%add3A_345, %dma_start3A_351, %dma_start3A_352] : memref<288x12x256xi32, #tpu.memory_space<hbm>> -> memref<1x12x256xi32, #tpu.memory_space<hbm>>
    %dma_start3A_354 = tpu.memref_squeeze %dma_start3A_353 : memref<1x12x256xi32, #tpu.memory_space<hbm>> -> memref<12x256xi32, #tpu.memory_space<hbm>>
    %dma_start3A_355 = arith.constant 0 : i32
    %dma_start3A_356 = arith.constant 0 : i32
    %dma_start3A_357 = tpu.memref_slice %arg3[%add3A_345, %dma_start3A_355, %dma_start3A_356] : memref<288x12x256xi32, #tpu.memory_space<hbm>> -> memref<1x12x256xi32, #tpu.memory_space<hbm>>
    %dma_start3A_358 = tpu.memref_squeeze %dma_start3A_357 : memref<1x12x256xi32, #tpu.memory_space<hbm>> -> memref<12x256xi32, #tpu.memory_space<hbm>>
    %dma_start3A_359 = arith.constant 0 : i32
    %dma_start3A_360 = arith.constant 0 : i32
    %dma_start3A_361 = tpu.memref_slice %arg5[%dma_start3A_346, %dma_start3A_359, %dma_start3A_360] : memref<9x12x256xi32, #tpu.memory_space<vmem>> -> memref<1x12x256xi32, #tpu.memory_space<vmem>>
    %dma_start3A_362 = tpu.memref_squeeze %dma_start3A_361 : memref<1x12x256xi32, #tpu.memory_space<vmem>> -> memref<12x256xi32, #tpu.memory_space<vmem>>
    tpu.enqueue_dma source(%dma_start3A_362 : memref<12x256xi32, #tpu.memory_space<vmem>>) target(%dma_start3A_358 : memref<12x256xi32, #tpu.memory_space<hbm>>) target_semaphore(%arg7 : memref<!tpu.dma_semaphore, #tpu.memory_space<semaphore_mem>>)
    %dma_wait3A_363 = arith.constant 19200 : i32
    %dma_wait3A_364 = tpu.memref_slice %arg4[%dma_wait3A_363] : memref<21600xf32, #tpu.memory_space<vmem>> -> memref<2400xf32, #tpu.memory_space<vmem>>
    %dma_wait3A_365 = tpu.memref_slice %arg2[%mul3A_85] : memref<691200xf32, #tpu.memory_space<hbm>> -> memref<2400xf32, #tpu.memory_space<hbm>>
    %dma_wait3A_366 = arith.constant 19200 : i32
    %dma_wait3A_367 = tpu.memref_slice %arg4[%dma_wait3A_366] : memref<21600xf32, #tpu.memory_space<vmem>> -> memref<2400xf32, #tpu.memory_space<vmem>>
    %dma_wait3A_368 = tpu.memref_slice %arg2[%mul3A_85] : memref<691200xf32, #tpu.memory_space<hbm>> -> memref<2400xf32, #tpu.memory_space<hbm>>
    tpu.wait_dma2 semaphore(%arg6 : memref<!tpu.dma_semaphore, #tpu.memory_space<semaphore_mem>>) src(%dma_wait3A_368 : memref<2400xf32, #tpu.memory_space<hbm>>) dst(%dma_wait3A_367 : memref<2400xf32, #tpu.memory_space<vmem>>)
    %broadcast_in_dim3A_369 = arith.constant 8 : i32
    %broadcast_in_dim3A_370 = vector.broadcast %broadcast_in_dim3A_369 : i32 to vector<16xi32>
    %scan3A_371 = arith.constant 0 : i32
    %scan3A_372 = arith.constant 0 : i32
    %scan3A_373 = arith.constant 15 : i32
    %scan3A_374 = arith.addi %scan3A_372, %scan3A_373 : i32
    %scan3A_375 = arith.constant 1 : i32
    scf.for %scan3A_549 = %scan3A_372 to %scan3A_374 step %scan3A_375  : i32 {
      %mul3A_550 = arith.constant 16 : i32
      %mul3A_551 = arith.muli %scan3A_549, %mul3A_550 : i32
      %add3A_552 = vector.broadcast %mul3A_551 : i32 to vector<16xi32>
      %add3A_553 = arith.addi %add3A_552, %iota3A : vector<16xi32>
      %mul3A_554 = arith.constant 3277 : i32
      %mul3A_555 = vector.broadcast %mul3A_554 : i32 to vector<16xi32>
      %mul3A_556 = arith.muli %add3A_553, %mul3A_555 : vector<16xi32>
      %shift_right_logical3A = arith.constant 16 : i32
      %shift_right_logical3A_557 = vector.broadcast %shift_right_logical3A : i32 to vector<16xi32>
      %shift_right_logical3A_558 = arith.shrui %mul3A_556, %shift_right_logical3A_557 : vector<16xi32>
      %parallel_loop3A = arith.constant 0 : i32
      %parallel_loop3A_559 = arith.constant 10 : i32
      %parallel_loop3A_560 = arith.constant 1 : i32
      scf.for %parallel_loop3A_561 = %parallel_loop3A to %parallel_loop3A_559 step %parallel_loop3A_560  : i32 {
        %parallel_loop3A_562 = arith.constant 240 : i32
        %parallel_loop3A_563 = arith.muli %parallel_loop3A_561, %parallel_loop3A_562 : i32
        %parallel_loop3A_564 = arith.constant 19200 : i32
        %parallel_loop3A_565 = arith.addi %parallel_loop3A_564, %parallel_loop3A_563 : i32
        %parallel_loop3A_566 = arith.constant 16 : i32
        %parallel_loop3A_567 = arith.muli %scan3A_549, %parallel_loop3A_566 : i32
        %parallel_loop3A_568 = arith.addi %parallel_loop3A_565, %parallel_loop3A_567 : i32
        %parallel_loop3A_569 = arith.index_cast %parallel_loop3A_568 : i32 to index
        %parallel_loop3A_570 = tpu.vector_load %arg4[%parallel_loop3A_569] {strides = array<i32>} : memref<21600xf32, #tpu.memory_space<vmem>>, vector<16xf32>,
        %parallel_loop3A_571 = arith.constant 2.550000e+02 : f32
        %parallel_loop3A_572 = vector.broadcast %parallel_loop3A_571 : f32 to vector<16xf32>
        %parallel_loop3A_573 = arith.mulf %parallel_loop3A_570, %parallel_loop3A_572 : vector<16xf32>
        %parallel_loop3A_574 = arith.fptosi %parallel_loop3A_573 : vector<16xf32> to vector<16xi32>
        tpu.vector_store_idx %arg5[%broadcast_in_dim3A_370, %shift_right_logical3A_558, %parallel_loop3A_574], %broadcast_in_dim3A_92 {add = true} : memref<9x12x256xi32, #tpu.memory_space<vmem>>[vector<16xi32>, vector<16xi32>, vector<16xi32>], vector<16xi32>,
      } {sc.loop_unroll_factor = 10 : i64, sc.parallel_access}
    }
    %scan3A_376 = arith.constant 15 : i32
    %add3A_377 = arith.constant 8 : i32
    %add3A_378 = arith.addi %mul3A_2, %add3A_377 : i32
    %dma_start3A_379 = arith.constant 8 : i32
    %dma_start3A_380 = arith.constant 0 : i32
    %dma_start3A_381 = arith.constant 0 : i32
    %dma_start3A_382 = tpu.memref_slice %arg5[%dma_start3A_379, %dma_start3A_380, %dma_start3A_381] : memref<9x12x256xi32, #tpu.memory_space<vmem>> -> memref<1x12x256xi32, #tpu.memory_space<vmem>>
    %dma_start3A_383 = tpu.memref_squeeze %dma_start3A_382 : memref<1x12x256xi32, #tpu.memory_space<vmem>> -> memref<12x256xi32, #tpu.memory_space<vmem>>
    %dma_start3A_384 = arith.constant 0 : i32
    %dma_start3A_385 = arith.constant 0 : i32
    %dma_start3A_386 = tpu.memref_slice %arg3[%add3A_378, %dma_start3A_384, %dma_start3A_385] : memref<288x12x256xi32, #tpu.memory_space<hbm>> -> memref<1x12x256xi32, #tpu.memory_space<hbm>>
    %dma_start3A_387 = tpu.memref_squeeze %dma_start3A_386 : memref<1x12x256xi32, #tpu.memory_space<hbm>> -> memref<12x256xi32, #tpu.memory_space<hbm>>
    %dma_start3A_388 = arith.constant 0 : i32
    %dma_start3A_389 = arith.constant 0 : i32
    %dma_start3A_390 = tpu.memref_slice %arg3[%add3A_378, %dma_start3A_388, %dma_start3A_389] : memref<288x12x256xi32, #tpu.memory_space<hbm>> -> memref<1x12x256xi32, #tpu.memory_space<hbm>>
    %dma_start3A_391 = tpu.memref_squeeze %dma_start3A_390 : memref<1x12x256xi32, #tpu.memory_space<hbm>> -> memref<12x256xi32, #tpu.memory_space<hbm>>
    %dma_start3A_392 = arith.constant 0 : i32
    %dma_start3A_393 = arith.constant 0 : i32
    %dma_start3A_394 = tpu.memref_slice %arg5[%dma_start3A_379, %dma_start3A_392, %dma_start3A_393] : memref<9x12x256xi32, #tpu.memory_space<vmem>> -> memref<1x12x256xi32, #tpu.memory_space<vmem>>
    %dma_start3A_395 = tpu.memref_squeeze %dma_start3A_394 : memref<1x12x256xi32, #tpu.memory_space<vmem>> -> memref<12x256xi32, #tpu.memory_space<vmem>>
    tpu.enqueue_dma source(%dma_start3A_395 : memref<12x256xi32, #tpu.memory_space<vmem>>) target(%dma_start3A_391 : memref<12x256xi32, #tpu.memory_space<hbm>>) target_semaphore(%arg7 : memref<!tpu.dma_semaphore, #tpu.memory_space<semaphore_mem>>)
    %dma_wait3A_396 = arith.constant 0 : i32
    %dma_wait3A_397 = arith.constant 0 : i32
    %dma_wait3A_398 = arith.constant 0 : i32
    %dma_wait3A_399 = tpu.memref_slice %arg5[%dma_wait3A_396, %dma_wait3A_397, %dma_wait3A_398] : memref<9x12x256xi32, #tpu.memory_space<vmem>> -> memref<1x12x256xi32, #tpu.memory_space<vmem>>
    %dma_wait3A_400 = tpu.memref_squeeze %dma_wait3A_399 : memref<1x12x256xi32, #tpu.memory_space<vmem>> -> memref<12x256xi32, #tpu.memory_space<vmem>>
    %dma_wait3A_401 = arith.constant 0 : i32
    %dma_wait3A_402 = arith.constant 0 : i32
    %dma_wait3A_403 = tpu.memref_slice %arg3[%add3A_114, %dma_wait3A_401, %dma_wait3A_402] : memref<288x12x256xi32, #tpu.memory_space<hbm>> -> memref<1x12x256xi32, #tpu.memory_space<hbm>>
    %dma_wait3A_404 = tpu.memref_squeeze %dma_wait3A_403 : memref<1x12x256xi32, #tpu.memory_space<hbm>> -> memref<12x256xi32, #tpu.memory_space<hbm>>
    %dma_wait3A_405 = arith.constant 0 : i32
    %dma_wait3A_406 = arith.constant 0 : i32
    %dma_wait3A_407 = tpu.memref_slice %arg3[%add3A_114, %dma_wait3A_405, %dma_wait3A_406] : memref<288x12x256xi32, #tpu.memory_space<hbm>> -> memref<1x12x256xi32, #tpu.memory_space<hbm>>
    %dma_wait3A_408 = tpu.memref_squeeze %dma_wait3A_407 : memref<1x12x256xi32, #tpu.memory_space<hbm>> -> memref<12x256xi32, #tpu.memory_space<hbm>>
    %dma_wait3A_409 = arith.constant 0 : i32
    %dma_wait3A_410 = arith.constant 0 : i32
    %dma_wait3A_411 = tpu.memref_slice %arg5[%dma_wait3A_396, %dma_wait3A_409, %dma_wait3A_410] : memref<9x12x256xi32, #tpu.memory_space<vmem>> -> memref<1x12x256xi32, #tpu.memory_space<vmem>>
    %dma_wait3A_412 = tpu.memref_squeeze %dma_wait3A_411 : memref<1x12x256xi32, #tpu.memory_space<vmem>> -> memref<12x256xi32, #tpu.memory_space<vmem>>
    tpu.wait_dma2 semaphore(%arg7 : memref<!tpu.dma_semaphore, #tpu.memory_space<semaphore_mem>>) src(%dma_wait3A_412 : memref<12x256xi32, #tpu.memory_space<vmem>>) dst(%dma_wait3A_408 : memref<12x256xi32, #tpu.memory_space<hbm>>)
    %dma_wait3A_413 = arith.constant 1 : i32
    %dma_wait3A_414 = arith.constant 0 : i32
    %dma_wait3A_415 = arith.constant 0 : i32
    %dma_wait3A_416 = tpu.memref_slice %arg5[%dma_wait3A_413, %dma_wait3A_414, %dma_wait3A_415] : memref<9x12x256xi32, #tpu.memory_space<vmem>> -> memref<1x12x256xi32, #tpu.memory_space<vmem>>
    %dma_wait3A_417 = tpu.memref_squeeze %dma_wait3A_416 : memref<1x12x256xi32, #tpu.memory_space<vmem>> -> memref<12x256xi32, #tpu.memory_space<vmem>>
    %dma_wait3A_418 = arith.constant 0 : i32
    %dma_wait3A_419 = arith.constant 0 : i32
    %dma_wait3A_420 = tpu.memref_slice %arg3[%add3A_147, %dma_wait3A_418, %dma_wait3A_419] : memref<288x12x256xi32, #tpu.memory_space<hbm>> -> memref<1x12x256xi32, #tpu.memory_space<hbm>>
    %dma_wait3A_421 = tpu.memref_squeeze %dma_wait3A_420 : memref<1x12x256xi32, #tpu.memory_space<hbm>> -> memref<12x256xi32, #tpu.memory_space<hbm>>
    %dma_wait3A_422 = arith.constant 0 : i32
    %dma_wait3A_423 = arith.constant 0 : i32
    %dma_wait3A_424 = tpu.memref_slice %arg3[%add3A_147, %dma_wait3A_422, %dma_wait3A_423] : memref<288x12x256xi32, #tpu.memory_space<hbm>> -> memref<1x12x256xi32, #tpu.memory_space<hbm>>
    %dma_wait3A_425 = tpu.memref_squeeze %dma_wait3A_424 : memref<1x12x256xi32, #tpu.memory_space<hbm>> -> memref<12x256xi32, #tpu.memory_space<hbm>>
    %dma_wait3A_426 = arith.constant 0 : i32
    %dma_wait3A_427 = arith.constant 0 : i32
    %dma_wait3A_428 = tpu.memref_slice %arg5[%dma_wait3A_413, %dma_wait3A_426, %dma_wait3A_427] : memref<9x12x256xi32, #tpu.memory_space<vmem>> -> memref<1x12x256xi32, #tpu.memory_space<vmem>>
    %dma_wait3A_429 = tpu.memref_squeeze %dma_wait3A_428 : memref<1x12x256xi32, #tpu.memory_space<vmem>> -> memref<12x256xi32, #tpu.memory_space<vmem>>
    tpu.wait_dma2 semaphore(%arg7 : memref<!tpu.dma_semaphore, #tpu.memory_space<semaphore_mem>>) src(%dma_wait3A_429 : memref<12x256xi32, #tpu.memory_space<vmem>>) dst(%dma_wait3A_425 : memref<12x256xi32, #tpu.memory_space<hbm>>)
    %dma_wait3A_430 = arith.constant 2 : i32
    %dma_wait3A_431 = arith.constant 0 : i32
    %dma_wait3A_432 = arith.constant 0 : i32
    %dma_wait3A_433 = tpu.memref_slice %arg5[%dma_wait3A_430, %dma_wait3A_431, %dma_wait3A_432] : memref<9x12x256xi32, #tpu.memory_space<vmem>> -> memref<1x12x256xi32, #tpu.memory_space<vmem>>
    %dma_wait3A_434 = tpu.memref_squeeze %dma_wait3A_433 : memref<1x12x256xi32, #tpu.memory_space<vmem>> -> memref<12x256xi32, #tpu.memory_space<vmem>>
    %dma_wait3A_435 = arith.constant 0 : i32
    %dma_wait3A_436 = arith.constant 0 : i32
    %dma_wait3A_437 = tpu.memref_slice %arg3[%add3A_180, %dma_wait3A_435, %dma_wait3A_436] : memref<288x12x256xi32, #tpu.memory_space<hbm>> -> memref<1x12x256xi32, #tpu.memory_space<hbm>>
    %dma_wait3A_438 = tpu.memref_squeeze %dma_wait3A_437 : memref<1x12x256xi32, #tpu.memory_space<hbm>> -> memref<12x256xi32, #tpu.memory_space<hbm>>
    %dma_wait3A_439 = arith.constant 0 : i32
    %dma_wait3A_440 = arith.constant 0 : i32
    %dma_wait3A_441 = tpu.memref_slice %arg3[%add3A_180, %dma_wait3A_439, %dma_wait3A_440] : memref<288x12x256xi32, #tpu.memory_space<hbm>> -> memref<1x12x256xi32, #tpu.memory_space<hbm>>
    %dma_wait3A_442 = tpu.memref_squeeze %dma_wait3A_441 : memref<1x12x256xi32, #tpu.memory_space<hbm>> -> memref<12x256xi32, #tpu.memory_space<hbm>>
    %dma_wait3A_443 = arith.constant 0 : i32
    %dma_wait3A_444 = arith.constant 0 : i32
    %dma_wait3A_445 = tpu.memref_slice %arg5[%dma_wait3A_430, %dma_wait3A_443, %dma_wait3A_444] : memref<9x12x256xi32, #tpu.memory_space<vmem>> -> memref<1x12x256xi32, #tpu.memory_space<vmem>>
    %dma_wait3A_446 = tpu.memref_squeeze %dma_wait3A_445 : memref<1x12x256xi32, #tpu.memory_space<vmem>> -> memref<12x256xi32, #tpu.memory_space<vmem>>
    tpu.wait_dma2 semaphore(%arg7 : memref<!tpu.dma_semaphore, #tpu.memory_space<semaphore_mem>>) src(%dma_wait3A_446 : memref<12x256xi32, #tpu.memory_space<vmem>>) dst(%dma_wait3A_442 : memref<12x256xi32, #tpu.memory_space<hbm>>)
    %dma_wait3A_447 = arith.constant 3 : i32
    %dma_wait3A_448 = arith.constant 0 : i32
    %dma_wait3A_449 = arith.constant 0 : i32
    %dma_wait3A_450 = tpu.memref_slice %arg5[%dma_wait3A_447, %dma_wait3A_448, %dma_wait3A_449] : memref<9x12x256xi32, #tpu.memory_space<vmem>> -> memref<1x12x256xi32, #tpu.memory_space<vmem>>
    %dma_wait3A_451 = tpu.memref_squeeze %dma_wait3A_450 : memref<1x12x256xi32, #tpu.memory_space<vmem>> -> memref<12x256xi32, #tpu.memory_space<vmem>>
    %dma_wait3A_452 = arith.constant 0 : i32
    %dma_wait3A_453 = arith.constant 0 : i32
    %dma_wait3A_454 = tpu.memref_slice %arg3[%add3A_213, %dma_wait3A_452, %dma_wait3A_453] : memref<288x12x256xi32, #tpu.memory_space<hbm>> -> memref<1x12x256xi32, #tpu.memory_space<hbm>>
    %dma_wait3A_455 = tpu.memref_squeeze %dma_wait3A_454 : memref<1x12x256xi32, #tpu.memory_space<hbm>> -> memref<12x256xi32, #tpu.memory_space<hbm>>
    %dma_wait3A_456 = arith.constant 0 : i32
    %dma_wait3A_457 = arith.constant 0 : i32
    %dma_wait3A_458 = tpu.memref_slice %arg3[%add3A_213, %dma_wait3A_456, %dma_wait3A_457] : memref<288x12x256xi32, #tpu.memory_space<hbm>> -> memref<1x12x256xi32, #tpu.memory_space<hbm>>
    %dma_wait3A_459 = tpu.memref_squeeze %dma_wait3A_458 : memref<1x12x256xi32, #tpu.memory_space<hbm>> -> memref<12x256xi32, #tpu.memory_space<hbm>>
    %dma_wait3A_460 = arith.constant 0 : i32
    %dma_wait3A_461 = arith.constant 0 : i32
    %dma_wait3A_462 = tpu.memref_slice %arg5[%dma_wait3A_447, %dma_wait3A_460, %dma_wait3A_461] : memref<9x12x256xi32, #tpu.memory_space<vmem>> -> memref<1x12x256xi32, #tpu.memory_space<vmem>>
    %dma_wait3A_463 = tpu.memref_squeeze %dma_wait3A_462 : memref<1x12x256xi32, #tpu.memory_space<vmem>> -> memref<12x256xi32, #tpu.memory_space<vmem>>
    tpu.wait_dma2 semaphore(%arg7 : memref<!tpu.dma_semaphore, #tpu.memory_space<semaphore_mem>>) src(%dma_wait3A_463 : memref<12x256xi32, #tpu.memory_space<vmem>>) dst(%dma_wait3A_459 : memref<12x256xi32, #tpu.memory_space<hbm>>)
    %dma_wait3A_464 = arith.constant 4 : i32
    %dma_wait3A_465 = arith.constant 0 : i32
    %dma_wait3A_466 = arith.constant 0 : i32
    %dma_wait3A_467 = tpu.memref_slice %arg5[%dma_wait3A_464, %dma_wait3A_465, %dma_wait3A_466] : memref<9x12x256xi32, #tpu.memory_space<vmem>> -> memref<1x12x256xi32, #tpu.memory_space<vmem>>
    %dma_wait3A_468 = tpu.memref_squeeze %dma_wait3A_467 : memref<1x12x256xi32, #tpu.memory_space<vmem>> -> memref<12x256xi32, #tpu.memory_space<vmem>>
    %dma_wait3A_469 = arith.constant 0 : i32
    %dma_wait3A_470 = arith.constant 0 : i32
    %dma_wait3A_471 = tpu.memref_slice %arg3[%add3A_246, %dma_wait3A_469, %dma_wait3A_470] : memref<288x12x256xi32, #tpu.memory_space<hbm>> -> memref<1x12x256xi32, #tpu.memory_space<hbm>>
    %dma_wait3A_472 = tpu.memref_squeeze %dma_wait3A_471 : memref<1x12x256xi32, #tpu.memory_space<hbm>> -> memref<12x256xi32, #tpu.memory_space<hbm>>
    %dma_wait3A_473 = arith.constant 0 : i32
    %dma_wait3A_474 = arith.constant 0 : i32
    %dma_wait3A_475 = tpu.memref_slice %arg3[%add3A_246, %dma_wait3A_473, %dma_wait3A_474] : memref<288x12x256xi32, #tpu.memory_space<hbm>> -> memref<1x12x256xi32, #tpu.memory_space<hbm>>
    %dma_wait3A_476 = tpu.memref_squeeze %dma_wait3A_475 : memref<1x12x256xi32, #tpu.memory_space<hbm>> -> memref<12x256xi32, #tpu.memory_space<hbm>>
    %dma_wait3A_477 = arith.constant 0 : i32
    %dma_wait3A_478 = arith.constant 0 : i32
    %dma_wait3A_479 = tpu.memref_slice %arg5[%dma_wait3A_464, %dma_wait3A_477, %dma_wait3A_478] : memref<9x12x256xi32, #tpu.memory_space<vmem>> -> memref<1x12x256xi32, #tpu.memory_space<vmem>>
    %dma_wait3A_480 = tpu.memref_squeeze %dma_wait3A_479 : memref<1x12x256xi32, #tpu.memory_space<vmem>> -> memref<12x256xi32, #tpu.memory_space<vmem>>
    tpu.wait_dma2 semaphore(%arg7 : memref<!tpu.dma_semaphore, #tpu.memory_space<semaphore_mem>>) src(%dma_wait3A_480 : memref<12x256xi32, #tpu.memory_space<vmem>>) dst(%dma_wait3A_476 : memref<12x256xi32, #tpu.memory_space<hbm>>)
    %dma_wait3A_481 = arith.constant 5 : i32
    %dma_wait3A_482 = arith.constant 0 : i32
    %dma_wait3A_483 = arith.constant 0 : i32
    %dma_wait3A_484 = tpu.memref_slice %arg5[%dma_wait3A_481, %dma_wait3A_482, %dma_wait3A_483] : memref<9x12x256xi32, #tpu.memory_space<vmem>> -> memref<1x12x256xi32, #tpu.memory_space<vmem>>
    %dma_wait3A_485 = tpu.memref_squeeze %dma_wait3A_484 : memref<1x12x256xi32, #tpu.memory_space<vmem>> -> memref<12x256xi32, #tpu.memory_space<vmem>>
    %dma_wait3A_486 = arith.constant 0 : i32
    %dma_wait3A_487 = arith.constant 0 : i32
    %dma_wait3A_488 = tpu.memref_slice %arg3[%add3A_279, %dma_wait3A_486, %dma_wait3A_487] : memref<288x12x256xi32, #tpu.memory_space<hbm>> -> memref<1x12x256xi32, #tpu.memory_space<hbm>>
    %dma_wait3A_489 = tpu.memref_squeeze %dma_wait3A_488 : memref<1x12x256xi32, #tpu.memory_space<hbm>> -> memref<12x256xi32, #tpu.memory_space<hbm>>
    %dma_wait3A_490 = arith.constant 0 : i32
    %dma_wait3A_491 = arith.constant 0 : i32
    %dma_wait3A_492 = tpu.memref_slice %arg3[%add3A_279, %dma_wait3A_490, %dma_wait3A_491] : memref<288x12x256xi32, #tpu.memory_space<hbm>> -> memref<1x12x256xi32, #tpu.memory_space<hbm>>
    %dma_wait3A_493 = tpu.memref_squeeze %dma_wait3A_492 : memref<1x12x256xi32, #tpu.memory_space<hbm>> -> memref<12x256xi32, #tpu.memory_space<hbm>>
    %dma_wait3A_494 = arith.constant 0 : i32
    %dma_wait3A_495 = arith.constant 0 : i32
    %dma_wait3A_496 = tpu.memref_slice %arg5[%dma_wait3A_481, %dma_wait3A_494, %dma_wait3A_495] : memref<9x12x256xi32, #tpu.memory_space<vmem>> -> memref<1x12x256xi32, #tpu.memory_space<vmem>>
    %dma_wait3A_497 = tpu.memref_squeeze %dma_wait3A_496 : memref<1x12x256xi32, #tpu.memory_space<vmem>> -> memref<12x256xi32, #tpu.memory_space<vmem>>
    tpu.wait_dma2 semaphore(%arg7 : memref<!tpu.dma_semaphore, #tpu.memory_space<semaphore_mem>>) src(%dma_wait3A_497 : memref<12x256xi32, #tpu.memory_space<vmem>>) dst(%dma_wait3A_493 : memref<12x256xi32, #tpu.memory_space<hbm>>)
    %dma_wait3A_498 = arith.constant 6 : i32
    %dma_wait3A_499 = arith.constant 0 : i32
    %dma_wait3A_500 = arith.constant 0 : i32
    %dma_wait3A_501 = tpu.memref_slice %arg5[%dma_wait3A_498, %dma_wait3A_499, %dma_wait3A_500] : memref<9x12x256xi32, #tpu.memory_space<vmem>> -> memref<1x12x256xi32, #tpu.memory_space<vmem>>
    %dma_wait3A_502 = tpu.memref_squeeze %dma_wait3A_501 : memref<1x12x256xi32, #tpu.memory_space<vmem>> -> memref<12x256xi32, #tpu.memory_space<vmem>>
    %dma_wait3A_503 = arith.constant 0 : i32
    %dma_wait3A_504 = arith.constant 0 : i32
    %dma_wait3A_505 = tpu.memref_slice %arg3[%add3A_312, %dma_wait3A_503, %dma_wait3A_504] : memref<288x12x256xi32, #tpu.memory_space<hbm>> -> memref<1x12x256xi32, #tpu.memory_space<hbm>>
    %dma_wait3A_506 = tpu.memref_squeeze %dma_wait3A_505 : memref<1x12x256xi32, #tpu.memory_space<hbm>> -> memref<12x256xi32, #tpu.memory_space<hbm>>
    %dma_wait3A_507 = arith.constant 0 : i32
    %dma_wait3A_508 = arith.constant 0 : i32
    %dma_wait3A_509 = tpu.memref_slice %arg3[%add3A_312, %dma_wait3A_507, %dma_wait3A_508] : memref<288x12x256xi32, #tpu.memory_space<hbm>> -> memref<1x12x256xi32, #tpu.memory_space<hbm>>
    %dma_wait3A_510 = tpu.memref_squeeze %dma_wait3A_509 : memref<1x12x256xi32, #tpu.memory_space<hbm>> -> memref<12x256xi32, #tpu.memory_space<hbm>>
    %dma_wait3A_511 = arith.constant 0 : i32
    %dma_wait3A_512 = arith.constant 0 : i32
    %dma_wait3A_513 = tpu.memref_slice %arg5[%dma_wait3A_498, %dma_wait3A_511, %dma_wait3A_512] : memref<9x12x256xi32, #tpu.memory_space<vmem>> -> memref<1x12x256xi32, #tpu.memory_space<vmem>>
    %dma_wait3A_514 = tpu.memref_squeeze %dma_wait3A_513 : memref<1x12x256xi32, #tpu.memory_space<vmem>> -> memref<12x256xi32, #tpu.memory_space<vmem>>
    tpu.wait_dma2 semaphore(%arg7 : memref<!tpu.dma_semaphore, #tpu.memory_space<semaphore_mem>>) src(%dma_wait3A_514 : memref<12x256xi32, #tpu.memory_space<vmem>>) dst(%dma_wait3A_510 : memref<12x256xi32, #tpu.memory_space<hbm>>)
    %dma_wait3A_515 = arith.constant 7 : i32
    %dma_wait3A_516 = arith.constant 0 : i32
    %dma_wait3A_517 = arith.constant 0 : i32
    %dma_wait3A_518 = tpu.memref_slice %arg5[%dma_wait3A_515, %dma_wait3A_516, %dma_wait3A_517] : memref<9x12x256xi32, #tpu.memory_space<vmem>> -> memref<1x12x256xi32, #tpu.memory_space<vmem>>
    %dma_wait3A_519 = tpu.memref_squeeze %dma_wait3A_518 : memref<1x12x256xi32, #tpu.memory_space<vmem>> -> memref<12x256xi32, #tpu.memory_space<vmem>>
    %dma_wait3A_520 = arith.constant 0 : i32
    %dma_wait3A_521 = arith.constant 0 : i32
    %dma_wait3A_522 = tpu.memref_slice %arg3[%add3A_345, %dma_wait3A_520, %dma_wait3A_521] : memref<288x12x256xi32, #tpu.memory_space<hbm>> -> memref<1x12x256xi32, #tpu.memory_space<hbm>>
    %dma_wait3A_523 = tpu.memref_squeeze %dma_wait3A_522 : memref<1x12x256xi32, #tpu.memory_space<hbm>> -> memref<12x256xi32, #tpu.memory_space<hbm>>
    %dma_wait3A_524 = arith.constant 0 : i32
    %dma_wait3A_525 = arith.constant 0 : i32
    %dma_wait3A_526 = tpu.memref_slice %arg3[%add3A_345, %dma_wait3A_524, %dma_wait3A_525] : memref<288x12x256xi32, #tpu.memory_space<hbm>> -> memref<1x12x256xi32, #tpu.memory_space<hbm>>
    %dma_wait3A_527 = tpu.memref_squeeze %dma_wait3A_526 : memref<1x12x256xi32, #tpu.memory_space<hbm>> -> memref<12x256xi32, #tpu.memory_space<hbm>>
    %dma_wait3A_528 = arith.constant 0 : i32
    %dma_wait3A_529 = arith.constant 0 : i32
    %dma_wait3A_530 = tpu.memref_slice %arg5[%dma_wait3A_515, %dma_wait3A_528, %dma_wait3A_529] : memref<9x12x256xi32, #tpu.memory_space<vmem>> -> memref<1x12x256xi32, #tpu.memory_space<vmem>>
    %dma_wait3A_531 = tpu.memref_squeeze %dma_wait3A_530 : memref<1x12x256xi32, #tpu.memory_space<vmem>> -> memref<12x256xi32, #tpu.memory_space<vmem>>
    tpu.wait_dma2 semaphore(%arg7 : memref<!tpu.dma_semaphore, #tpu.memory_space<semaphore_mem>>) src(%dma_wait3A_531 : memref<12x256xi32, #tpu.memory_space<vmem>>) dst(%dma_wait3A_527 : memref<12x256xi32, #tpu.memory_space<hbm>>)
    %dma_wait3A_532 = arith.constant 8 : i32
    %dma_wait3A_533 = arith.constant 0 : i32
    %dma_wait3A_534 = arith.constant 0 : i32
    %dma_wait3A_535 = tpu.memref_slice %arg5[%dma_wait3A_532, %dma_wait3A_533, %dma_wait3A_534] : memref<9x12x256xi32, #tpu.memory_space<vmem>> -> memref<1x12x256xi32, #tpu.memory_space<vmem>>
    %dma_wait3A_536 = tpu.memref_squeeze %dma_wait3A_535 : memref<1x12x256xi32, #tpu.memory_space<vmem>> -> memref<12x256xi32, #tpu.memory_space<vmem>>
    %dma_wait3A_537 = arith.constant 0 : i32
    %dma_wait3A_538 = arith.constant 0 : i32
    %dma_wait3A_539 = tpu.memref_slice %arg3[%add3A_378, %dma_wait3A_537, %dma_wait3A_538] : memref<288x12x256xi32, #tpu.memory_space<hbm>> -> memref<1x12x256xi32, #tpu.memory_space<hbm>>
    %dma_wait3A_540 = tpu.memref_squeeze %dma_wait3A_539 : memref<1x12x256xi32, #tpu.memory_space<hbm>> -> memref<12x256xi32, #tpu.memory_space<hbm>>
    %dma_wait3A_541 = arith.constant 0 : i32
    %dma_wait3A_542 = arith.constant 0 : i32
    %dma_wait3A_543 = tpu.memref_slice %arg3[%add3A_378, %dma_wait3A_541, %dma_wait3A_542] : memref<288x12x256xi32, #tpu.memory_space<hbm>> -> memref<1x12x256xi32, #tpu.memory_space<hbm>>
    %dma_wait3A_544 = tpu.memref_squeeze %dma_wait3A_543 : memref<1x12x256xi32, #tpu.memory_space<hbm>> -> memref<12x256xi32, #tpu.memory_space<hbm>>
    %dma_wait3A_545 = arith.constant 0 : i32
    %dma_wait3A_546 = arith.constant 0 : i32
    %dma_wait3A_547 = tpu.memref_slice %arg5[%dma_wait3A_532, %dma_wait3A_545, %dma_wait3A_546] : memref<9x12x256xi32, #tpu.memory_space<vmem>> -> memref<1x12x256xi32, #tpu.memory_space<vmem>>
    %dma_wait3A_548 = tpu.memref_squeeze %dma_wait3A_547 : memref<1x12x256xi32, #tpu.memory_space<vmem>> -> memref<12x256xi32, #tpu.memory_space<vmem>>
    tpu.wait_dma2 semaphore(%arg7 : memref<!tpu.dma_semaphore, #tpu.memory_space<semaphore_mem>>) src(%dma_wait3A_548 : memref<12x256xi32, #tpu.memory_space<vmem>>) dst(%dma_wait3A_544 : memref<12x256xi32, #tpu.memory_space<hbm>>)
    return
  }
}

module attributes {stable_mosaic.version = 14 : i64} {
  func.func @body(%arg0: memref<288x12x256xi32, #tpu.memory_space<vmem>>, %arg1: memref<256x256xf32, #tpu.memory_space<vmem>>, %arg2: memref<144x256xf32, #tpu.memory_space<vmem>>, %arg3: memref<20x256xf32, #tpu.memory_space<vmem>>, %arg4: memref<4x145x256xf32, #tpu.memory_space<vmem>>) attributes {dimension_semantics = [], scalar_prefetch = 0 : i64, scratch_operands = 0 : i64, tpu.core_type = #tpu.core_type<tc>} {
    %get3A = arith.constant 0 : index
    %get3A_0 = arith.constant 0 : index
    %get3A_1 = arith.constant 0 : index
    %get3A_2 = vector.load %arg0[%get3A, %get3A_0, %get3A_1] : memref<288x12x256xi32, #tpu.memory_space<vmem>>, vector<288x12x256xi32>
    %convert_element_type3A = arith.sitofp %get3A_2 : vector<288x12x256xi32> to vector<288x12x256xf32>
    %reshape3A = vector.shape_cast %convert_element_type3A : vector<288x12x256xf32> to vector<4x3x12x2x12x256xf32>
    %reduce_sum3A = arith.constant dense<0.000000e+00> : vector<4x3x12x12x256xf32>
    %reduce_sum3A_3 = vector.multi_reduction <add>, %reshape3A, %reduce_sum3A [3] : vector<4x3x12x2x12x256xf32> to vector<4x3x12x12x256xf32>
    %reduce_sum3A_4 = arith.constant dense<0.000000e+00> : vector<4x12x12x256xf32>
    %reduce_sum3A_5 = vector.multi_reduction <add>, %reduce_sum3A_3, %reduce_sum3A_4 [1] : vector<4x3x12x12x256xf32> to vector<4x12x12x256xf32>
    %reshape3A_6 = vector.shape_cast %reduce_sum3A_5 : vector<4x12x12x256xf32> to vector<576x256xf32>
    %get3A_7 = arith.constant 0 : index
    %get3A_8 = arith.constant 0 : index
    %get3A_9 = vector.load %arg1[%get3A_7, %get3A_8] : memref<256x256xf32, #tpu.memory_space<vmem>>, vector<256x256xf32>
    %dot_general3A = arith.constant dense<0.000000e+00> : vector<576x256xf32>
    %dot_general3A_10 = tpu.matmul %reshape3A_6, %get3A_9, %dot_general3A {dimension_numbers = #tpu.dot_dimension_numbers<[1], [0], [0], [1], [0, 0, 1, 1], [], []>, transpose_lhs_hint = false} : vector<576x256xf32>, vector<256x256xf32>, vector<576x256xf32> -> vector<576x256xf32>
    %mul3A = arith.constant 8.33333353E-4 : f32
    %mul3A_11 = vector.broadcast %mul3A : f32 to vector<576x256xf32>
    %mul3A_12 = arith.mulf %dot_general3A_10, %mul3A_11 : vector<576x256xf32>
    %reshape3A_13 = vector.shape_cast %mul3A_12 : vector<576x256xf32> to vector<4x144x256xf32>
    %get3A_14 = arith.constant 0 : index
    %get3A_15 = arith.constant 0 : index
    %get3A_16 = vector.load %arg2[%get3A_14, %get3A_15] : memref<144x256xf32, #tpu.memory_space<vmem>>, vector<144x256xf32>
    %broadcast_in_dim3A = vector.shape_cast %get3A_16 : vector<144x256xf32> to vector<1x144x256xf32>
    %add3A = vector.broadcast %broadcast_in_dim3A : vector<1x144x256xf32> to vector<4x144x256xf32>
    %add3A_17 = arith.addf %reshape3A_13, %add3A : vector<4x144x256xf32>
    %broadcast_in_dim3A_18 = arith.constant 0.000000e+00 : f32
    %broadcast_in_dim3A_19 = vector.broadcast %broadcast_in_dim3A_18 : f32 to vector<4x1x256xf32>
    %concatenate3A = tpu.concatenate %broadcast_in_dim3A_19, %add3A_17 in 1 : vector<4x1x256xf32>, vector<4x144x256xf32> -> vector<4x145x256xf32>
    %get3A_20 = arith.constant 0 : index
    %get3A_21 = arith.constant 0 : index
    %get3A_22 = vector.load %arg3[%get3A_20, %get3A_21] : memref<20x256xf32, #tpu.memory_space<vmem>>, vector<4x256xf32>
    %broadcast_in_dim3A_23 = vector.shape_cast %get3A_22 : vector<4x256xf32> to vector<4x1x256xf32>
    %add3A_24 = vector.broadcast %broadcast_in_dim3A_23 : vector<4x1x256xf32> to vector<4x145x256xf32>
    %add3A_25 = arith.addf %concatenate3A, %add3A_24 : vector<4x145x256xf32>
    %swap3A = arith.constant 0 : index
    %swap3A_26 = arith.constant 0 : index
    %swap3A_27 = arith.constant 0 : index
    %swap3A_28 = vector.load %arg4[%swap3A, %swap3A_26, %swap3A_27] : memref<4x145x256xf32, #tpu.memory_space<vmem>>, vector<4x145x256xf32>
    tpu.vector_store %arg4[%swap3A, %swap3A_26, %swap3A_27], %add3A_25 {strides = array<i32>} : memref<4x145x256xf32, #tpu.memory_space<vmem>>, vector<4x145x256xf32>,
    return
  }
}

</mosaic_0001>

<sc_bundles>
// kernel: kernel.4.cloned.1.call-start
scs
__scs_entry_jumppad:
0x0: {  	(pc) =	sbr.rel $0x88, $3  }
0x1: {  	(tag) =	ssettag $0x0;
	lr =	simm.s32 $0x1  }
0x2: {  	[smem:$0x3F9D] =	sst lr;
	_ =	strace $0xD0000000  }
0x3: {  	_ = 	snop  }
0x4: {  	_ = 	snop  }
0x5: {  	_ = 	snop  }
0x6: {  	_ = 	snop  }
0x7: {  	_ = 	snop  }
__scs_overlays_trampoline_lowered:
0x8: {  	[smem:$0x3FAC] =	sst s0  }
0x9: {  	[smem:$0x3FAD] =	sst s1  }
0xa: {  	[smem:$0x3FAE] =	sst s2  }
0xb: {  	[smem:$0x3FAF] =	sst s3  }
0xc: {  	[smem:$0x3FB0] =	sst s4  }
0xd: {  	[smem:$0x3FB1] =	sst s5  }
0xe: {  	[smem:$0x3FB2] =	sst s6  }
0xf: {  	[smem:$0x3FB3] =	sst s7  }
0x10: {  	[smem:$0x3FB4] =	sst s8  }
0x11: {  	[smem:$0x3FB5] =	sst s9;
	s0 =	simm.s32 @!p0 $0x0  }
0x12: {  	s1 =	sld [smem:$0x3F9B];
	s0 =	simm.s32 @p0 $0x1  }
0x13: {  	[smem:$0x3FB6] =	sst s0;
	s0 =	simm.s32 @!p1 $0x0  }
0x14: {  	s2 =	sld [smem:$0x3F9A];
	s0 =	simm.s32 @p1 $0x1  }
0x15: {  	[smem:$0x3FB7] =	sst s0;
	s0 =	simm.s32 @!p2 $0x0  }
0x16: {  	s3 =	sld [smem:$0x3FDB];
	s0 =	simm.s32 @p2 $0x1  }
0x17: {  	s4 =	simm.s32 $0x1BF5;
	[smem:$0x3FB9] =	sst s0  }
0x18: {  	s0 =	sld [smem:$0x3F9C];
	_ =	swait.ge [sflag:s4], $0x0  }
0x19: {  	s7 =	sld [smem:$0x3F9D]  }
0x1a: {  	s8 =	sadd.s32 $0xFFFFE003, lr  }
0x1b: {  	s9 =	sadd.s32 $0xFFFFFEF7, lr;
	s5 =	simm.s32 $0xFFFFFFFF;
	p2 =	slt.u32 s8, $0xFFFFF086  }
0x1c: {  	p1 =	slt.u32 s9, $0xF7A;
	s5 =	simm.s32 @!p2 $0x0  }
0x1d: {  	s5 =	simm.s32 @p1 $0x1;
	p0 =	seq.s32 s7, s2  }
0x1e: {  	s7 =	smul.u32 @!p0 $0xF7A, s2;
	p2 =	seq.s32 @!p0 s5, $0x0  }
0x1f: {  	s9 =	smul.u32 $0xF7A, s1;
	s8 =	simm.s32 @!p0 $0x1BF5;
	p2 =	por !p2, p0  }
0x20: {  	[sflag:s8] =	ssyncset.s32 @!p0 $0xFFFFF086;
	s6 =	sadd.s32 @!p0 s3, s7;
	s7 =	simm.s32 @!p0 $0x108  }
0x21: {  	s3 =	sadd.s32 s3, s9;
	s6 =	sadd.s32 @!p0 $0x88, s6;
	s7 =	simm.s32 @p2 $0x1082  }
0x22: {  	[simem:s7], [sflag:s8] =	dma.local @!p0 [hbm:s6], $0xF7A  }
0x23: {  	s9 =	sor.u32 $0xD0000000, s2;
	s6 =	simm.s32 $0x108;
	_ =	swait.ge @!p0 [sflag:s8], $0x0  }
0x24: {  	s3 =	sadd.s32 $0x88, s3;
	s6 =	simm.s32 @!p1 $0x1082;
	[sflag:s4] =	ssyncset.s32 $0xFFFFF086  }
0x25: {  	[simem:s6], [sflag:s4] =	dma.local [hbm:s3], $0xF7A  }
0x26: {  	[smem:$0x3F9D] =	sst s1;
	(tag) =	ssettag s2;
	_ =	strace s9  }
0x27: {  	s1 =	sld [smem:$0x3FAD]  }
0x28: {  	s2 =	sld [smem:$0x3FAE]  }
0x29: {  	s4 =	sld [smem:$0x3FB0]  }
0x2a: {  	p0 =	seq.s32 s5, $0x0;
	s5 =	sld [smem:$0x3FB1]  }
0x2b: {  	s6 =	sld [smem:$0x3FB2]  }
0x2c: {  	s7 =	sld [smem:$0x3FB3]  }
0x2d: {  	s3 =	simm.s32 $0x108;
	s8 =	sld [smem:$0x3FB4]  }
0x2e: {  	s3 =	simm.s32 @!p0 $0x1082;
	s9 =	sld [smem:$0x3FB5]  }
0x2f: {  	lr =	sadd.s32 s0, s3;
	s0 =	sld [smem:$0x3FAC]  }
0x30: {  	s3 =	sld [smem:$0x3FAF]  }
0x31: {  	[smem:$0x3FB8] =	sst s10  }
0x32: {  	s10 =	sld [smem:$0x3FB6];
	_ =	sdelay $0x3  }
0x33: {  	p0 =	seq.s32 s10, $0x1;
	s10 =	sld [smem:$0x3FB8];
	_ =	sdelay $0x3  }
0x34: {  	[smem:$0x3FB8] =	sst s10  }
0x35: {  	s10 =	sld [smem:$0x3FB7];
	_ =	sdelay $0x3  }
0x36: {  	p1 =	seq.s32 s10, $0x1;
	s10 =	sld [smem:$0x3FB8];
	_ =	sdelay $0x3  }
0x37: {  	[smem:$0x3FB8] =	sst s10  }
0x38: {  	s10 =	sld [smem:$0x3FB9]  }
0x39: {  	_ = 	snop;
	(pc) =	sbr.ind lr, $3  }
0x3a: {  	_ = 	snop  }
0x3b: {  	_ = 	snop  }
0x3c: {  	p2 =	seq.s32 s10, $0x1;
	s10 =	sld [smem:$0x3FB8]  }
0x3d: {  	_ =	shalt  }
0x3e: {  	_ =	shalt  }
0x3f: {  	_ =	shalt  }
0x40: {  	_ =	shalt  }
0x41: {  	_ =	shalt  }
0x42: {  	_ =	shalt  }
0x43: {  	_ =	shalt  }
0x44: {  	_ =	shalt  }
0x45: {  	_ =	shalt  }
0x46: {  	_ =	shalt  }
0x47: {  	_ =	shalt  }
0x48: {  	_ =	shalt  }
0x49: {  	_ =	shalt  }
0x4a: {  	_ =	shalt  }
0x4b: {  	_ =	shalt  }
0x4c: {  	_ =	shalt  }
0x4d: {  	_ =	shalt  }
0x4e: {  	_ =	shalt  }
0x4f: {  	_ =	shalt  }
0x50: {  	_ =	shalt  }
0x51: {  	_ =	shalt  }
0x52: {  	_ =	shalt  }
0x53: {  	_ =	shalt  }
0x54: {  	_ =	shalt  }
0x55: {  	_ =	shalt  }
0x56: {  	_ =	shalt  }
0x57: {  	_ =	shalt  }
0x58: {  	_ =	shalt  }
0x59: {  	_ =	shalt  }
0x5a: {  	_ =	shalt  }
0x5b: {  	_ =	shalt  }
0x5c: {  	_ =	shalt  }
0x5d: {  	_ =	shalt  }
0x5e: {  	_ =	shalt  }
0x5f: {  	_ =	shalt  }
0x60: {  	_ =	shalt  }
0x61: {  	_ =	shalt  }
0x62: {  	_ =	shalt  }
0x63: {  	_ =	shalt  }
0x64: {  	_ =	shalt  }
0x65: {  	_ =	shalt  }
0x66: {  	_ =	shalt  }
0x67: {  	_ =	shalt  }
0x68: {  	_ =	shalt  }
0x69: {  	_ =	shalt  }
0x6a: {  	_ =	shalt  }
0x6b: {  	_ =	shalt  }
0x6c: {  	_ =	shalt  }
0x6d: {  	_ =	shalt  }
0x6e: {  	_ =	shalt  }
0x6f: {  	_ =	shalt  }
0x70: {  	_ =	shalt  }
0x71: {  	_ =	shalt  }
0x72: {  	_ =	shalt  }
0x73: {  	_ =	shalt  }
0x74: {  	_ =	shalt  }
0x75: {  	_ =	shalt  }
0x76: {  	_ =	shalt  }
0x77: {  	_ =	shalt  }
0x78: {  	_ =	shalt  }
0x79: {  	_ =	shalt  }
0x7a: {  	_ =	shalt  }
0x7b: {  	_ =	shalt  }
0x7c: {  	_ =	shalt  }
0x7d: {  	_ =	shalt  }
0x7e: {  	_ =	shalt  }
0x7f: {  	_ =	shalt  }
0x80: {  	_ =	shalt  }
0x81: {  	_ =	shalt  }
0x82: {  	_ =	shalt  }
0x83: {  	_ =	shalt  }
0x84: {  	_ =	shalt  }
0x85: {  	_ =	shalt  }
0x86: {  	_ =	shalt  }
0x87: {  	_ =	shalt  }
.Lfunc_end0:
.L_simem_size_0:
called_computation_lowered:
.L_overlay_start_0:
0x88: {  	s2 =	sld [smem:$0x3FD9]  }
0x89: {  	s3 =	sld [smem:$0x3FFE];
	_ =	sdelay $0x1  }
0x8a: {  	s1 =	srdreg.scid  }
0x8b: {  	s0 =	sand.u32 $0x1, s1  }
0x8c: {  	s16 =	sshll.u32 s0, $0xA;
	s2 =	sadd.s32 s3, s2  }
0x8d: {  	s2 =	sadd.s32 s2, s16  }
0x8e: {  	[smem:$0x3FC4] =	sst s2  }
0x8f: {  	_ = 	snop  }
0x90: {  	(tm) =	ssettm $0x1  }
0x91: {  	s17 =	sld [smem:$0x3FFB];
	_ =	sdelay $0x3  }
0x92: {  	_ =	strace s17  }
0x93: {  	s2 =	sld [smem:$0x3FFC];
	_ =	sdelay $0x3  }
0x94: {  	_ =	strace s2  }
0x95: {  	s2 =	sld [smem:$0x3FFD];
	_ =	sdelay $0x3  }
0x96: {  	_ =	strace s2  }
0x97: {  	_ =	strace $0x8FFFFFFF  }
0x98: {  	s18 =	sld [smem:$0x3FDB];
	_ =	sdelay $0x1  }
0x99: {  	s19 =	simm.s32 $_scs_section_size  }
0x9a: {  	s4 =	simm.s32 $_size__tile_overlayer_lowered;
	s5 =	simm.s32 $_tile_overlayer_lowered  }
0x9b: {  	s22 =	simm.s32 $0x1BFF;
	s21 =	sshll.u32 s5, $0x1;
	s2 =	sadd.s32 s19, s18  }
0x9c: {  	s6 =	simm.s32 $0x0;
	s20 =	sshll.u32 s4, $0x1;
	s4 =	sadd.s32 s21, s2  }
0x9d: {  	[timem:s6], [sflag:s22] =	dma.local [hbm:s4], s20  }
0x9e: {  	_ =	swait.ge [sflag:s22], s20  }
0x9f: {  	s3 =	ssub.s32 $0x0, s20;
	[sflag:s22] =	ssyncset.done $0x0  }
0xa0: {  	[sflag:s22] =	ssyncadd.s32 s3;
	_ =	sdelay $0x1  }
0xa1: {  	s23 =	simm.s32 $0x1B8B  }
0xa2: {  	_ =	swait.ge [sflag:s23], $0x1  }
0xa3: {  	[sflag:s23] =	ssyncset.done $0x0  }
0xa4: {  	s25 =	simm.s32 $0x1B8E;
	s24 =	sld [smem:$0x3FFE];
	[sflag:s23] =	ssyncadd.s32 $0xFFFFFFFF  }
0xa5: {  	s26 =	simm.s32 $execute0_lowered;
	[smem:$0x3FD2] =	sst s25  }
0xa6: {  	s4 =	sshll.u32 s26, $0x1;
	_ =	strace $0x80000046;
	[dreg:$0x1] =	wrdreg $0xFFFFFFFF  }
0xa7: {  	s28 =	simm.s32 $_size_execute0_lowered;
	s2 =	sadd.s32 s2, s4;
	[dreg:$0x0] =	wrdreg $0x0  }
0xa8: {  	s4 =	sshll.u32 s28, $0x1;
	[dreg:$0x2] =	wrdreg s2  }
0xa9: {  	[dreg:$0x3] =	wrdreg s4  }
0xaa: {  	[dreg:$0x4] =	wrdreg $0xC0  }
0xab: {  	_ =	task [dreg:s6], $0x5FFFF  }
0xac: {  	[dreg:$0x1] =	wrdreg $0xFFFFFFFF  }
0xad: {  	[dreg:$0x0] =	wrdreg $0x60  }
0xae: {  	[dreg:$0x2] =	wrdreg s24  }
0xaf: {  	[dreg:$0x3] =	wrdreg $0x9  }
0xb0: {  	_ =	task.clear_ibuf [dreg:s6], $0x4FFFF;
	_ =	strace $0x90000046  }
0xb1: {  	s29 =	simm.s32 $0x9;
	_ =	strace $0x80000048  }
0xb2: {  	_ =	swait.ge [sflag:s29], $0x1  }
0xb3: {  	[sflag:s29] =	ssyncadd.s32 $0xFFFFFFFF  }
0xb4: {  	_ =	strace $0x90000048  }
0xb5: {  	_ =	sfence  }
0xb6: {  	s30 =	sld [smem:$0x0];
	_ =	sdelay $0x2  }
0xb7: {  	s31 =	sshll.u32 s1, $0xD;
	s1 =	sshrl.u32 s1, $0x2  }
0xb8: {  	s3 =	sand.u32 $0x4000, s31;
	s1 =	sadd.s32 s1, s30  }
0xb9: {  	s0 =	sor.u32 s3, s0;
	s1 =	sshll.u32 s1, $0x11  }
0xba: {  	s0 =	sor.u32 s1, s0  }
0xbb: {  	s0 =	sadd.s32 $0x8F2B, s0  }
0xbc: {  	[sflag:s0] =	ssyncadd.remote.s32 $0x1  }
0xbd: {  	_ =	sfence.sel $0xFFFF  }
0xbe: {  	[dreg:$0x0] =	wrdreg $0xFFFFFFFF;
	(pc) =	sbr.abs _section_cstart, $3  }
0xbf: {  	[dreg:$0x1] =	wrdreg $0xFFFFFFFF  }
0xc0: {  	_ =	task.clear_ibuf [dreg:s6], $0x2FFFF;
	_ =	strace $0x9FFFFFFF  }
0xc1: {  	(tm) =	ssettm $0x7FFFFFFF  }
tec
execute0_lowered:
.L_overlay_start_1:
0x0: {  	(tag) =	ssettag $0x1  }
0x1: {  	s0 =	srdreg.scid  }
0x2: {  	s1 =	stileid.u32;
	s3 =	rddreg [dreg:$0x0];
	s2 =	simm.s32 $0x0  }
0x3: {  	s31 =	simm.s32 $0x1;
	s0 =	sand.u32 $0x1, s0;
	s1 =	sshll.u32 s1, $0x1  }
0x4: {  	s28 =	simm.s32 $0xA860;
	s29 =	simm.s32 $0xB460;
	s1 =	sor.u32 s0, s1  }
0x5: {  	s30 =	simm.s32 $0x2;
	[smem:$0x7FF] =	sst s2;
	s4 =	smul.u32 $0x9, s1  }
0x6: {  	s6 =	sadd.s32 $0xA00, s3;
	s0 =	ssub.s32 $0x2, s0;
	s5 =	smul.u32 $0xA8C, s1  }
0x7: {  	s13 =	sadd.s32 $0x15C00, s3;
	s26 =	sshrl.u32 s0, $0x1;
	s1 =	smul.u32 $0xD80, s1  }
0x8: {  	_ =	strace $0x80000047;
	s0 =	ssub.s32 s0, s26;
	s26 =	simm.s32 $0x9C60  }
0x9: {  	s9 =	sadd.s32 $0x1, s4;
	s3 =	sadd.s32 s6, s5;
	s11 =	sadd.s32 s13, s1  }
0xa: {  	s21 =	smax.u32 s0, $0x1;
	s1 =	simm.s32 $0x5460;
	s0 =	simm.s32 $0x0  }
0xb: {  	s4 =	smul.u32 $0x12C, s9;
	s5 =	sadd.s32 $0x258, s3;
	s7 =	sadd.s32 $0x4B0, s3  }
0xc: {  	s8 =	sadd.s32 $0x5DC, s3;
	s14 =	smul.u32 $0x180, s9;
	s9 =	sadd.s32 $0x708, s3  }
0xd: {  	s10 =	sadd.s32 $0x834, s3;
	s12 =	sadd.s32 $0x960, s3;
	s15 =	sadd.s32 $0x480, s11  }
0xe: {  	s16 =	sadd.s32 $0x600, s11;
	s17 =	sadd.s32 $0x780, s11;
	s18 =	sadd.s32 $0x900, s11  }
0xf: {  	v1 =	vlaneseq.u32;
	s19 =	sadd.s32 $0xA80, s11;
	s20 =	sadd.s32 $0xC00, s11;
	s4 =	sadd.s32 s6, s4  }
0x10: {  	v0 =	vimm.s32 $0x0;
	v2 =	vimm.s32 $0x1;
	v1 =	vmul.u32 $0xCCD, v1;
	s6 =	sadd.s32 $0x384, s3;
	s13 =	sadd.s32 s13, s14;
	s14 =	sadd.s32 $0x300, s11  }
.LBB2_1:
0x11: {  	[tilespmem:s2], [sflag:$0x1] =	stream.linear.gather [hbm4b:s3+s2], $0x960, $0x38;
	[tilespmem:$0xC060] =	vst v63  }
0x12: {  	s22 =	simm.s32 $0x960  }
0x13: {  	[tilespmem:s22], [sflag:$0x1] =	stream.linear.gather [hbm4b:s4+s2], $0x960, $0x38;
	[tilespmem:$0xC060] =	vst v63  }
0x14: {  	s25 =	simm.s32 $0x12C0  }
0x15: {  	[tilespmem:s25], [sflag:$0x1] =	stream.linear.gather [hbm4b:s5+s2], $0x960, $0x38;
	[tilespmem:$0xC060] =	vst v63  }
0x16: {  	s23 =	simm.s32 $0x1C20  }
0x17: {  	[tilespmem:s23], [sflag:$0x1] =	stream.linear.gather [hbm4b:s6+s2], $0x960, $0x38;
	[tilespmem:$0xC060] =	vst v63  }
0x18: {  	s24 =	simm.s32 $0x2580  }
0x19: {  	[tilespmem:s24], [sflag:$0x1] =	stream.linear.gather [hbm4b:s7+s2], $0x960, $0x38;
	[tilespmem:$0xC060] =	vst v63  }
0x1a: {  	s25 =	simm.s32 $0x2EE0  }
0x1b: {  	[tilespmem:s25], [sflag:$0x1] =	stream.linear.gather [hbm4b:s8+s2], $0x960, $0x38;
	[tilespmem:$0xC060] =	vst v63  }
0x1c: {  	s23 =	simm.s32 $0x3840  }
0x1d: {  	[tilespmem:s23], [sflag:$0x1] =	stream.linear.gather [hbm4b:s9+s2], $0x960, $0x38;
	[tilespmem:$0xC060] =	vst v63  }
0x1e: {  	s24 =	simm.s32 $0x41A0  }
0x1f: {  	[tilespmem:s24], [sflag:$0x1] =	stream.linear.gather [hbm4b:s10+s2], $0x960, $0x38;
	[tilespmem:$0xC060] =	vst v63  }
0x20: {  	s22 =	simm.s32 $0x5460;
	s25 =	simm.s32 $0x4B00;
	s23 =	simm.s32 $0x0  }
0x21: {  	[tilespmem:s25], [sflag:$0x1] =	stream.linear.gather [hbm4b:s12+s2], $0x960, $0x38;
	[tilespmem:$0xC060] =	vst v63  }
.LBB2_2:
0x22: {  	v3 =	vmov s22;
	_ =	sdelay $0x3  }
0x23: {  	s24 =	simm.s32 $0x0  }
0x24: {  	[tilespmem:v3+s24+$0x0 ss:$0x1] =	vst.idx.msk $0xffff, v0  }
0x25: {  	[tilespmem:v3+s24+$0x10 ss:$0x1] =	vst.idx.msk $0xffff, v0  }
0x26: {  	[tilespmem:v3+s24+$0x20 ss:$0x1] =	vst.idx.msk $0xffff, v0  }
0x27: {  	[tilespmem:v3+s24+$0x30 ss:$0x1] =	vst.idx.msk $0xffff, v0  }
0x28: {  	[tilespmem:v3+s24+$0x40 ss:$0x1] =	vst.idx.msk $0xffff, v0  }
0x29: {  	[tilespmem:v3+s24+$0x50 ss:$0x1] =	vst.idx.msk $0xffff, v0  }
0x2a: {  	[tilespmem:v3+s24+$0x60 ss:$0x1] =	vst.idx.msk $0xffff, v0  }
0x2b: {  	[tilespmem:v3+s24+$0x70 ss:$0x1] =	vst.idx.msk $0xffff, v0  }
0x2c: {  	[tilespmem:v3+s24+$0x80 ss:$0x1] =	vst.idx.msk $0xffff, v0  }
0x2d: {  	[tilespmem:v3+s24+$0x90 ss:$0x1] =	vst.idx.msk $0xffff, v0  }
0x2e: {  	[tilespmem:v3+s24+$0xA0 ss:$0x1] =	vst.idx.msk $0xffff, v0  }
0x2f: {  	[tilespmem:v3+s24+$0xB0 ss:$0x1] =	vst.idx.msk $0xffff, v0  }
0x30: {  	[tilespmem:v3+s24+$0xC0 ss:$0x1] =	vst.idx.msk $0xffff, v0  }
0x31: {  	[tilespmem:v3+s24+$0xD0 ss:$0x1] =	vst.idx.msk $0xffff, v0  }
0x32: {  	s25 =	simm.s32 $0x400;
	[tilespmem:v3+s24+$0xE0 ss:$0x1] =	vst.idx.msk $0xffff, v0  }
.LBB2_3:
0x33: {  	p0 =	sne.s32 s25, $0x2C00;
	[tilespmem:v3+s24+$0xF0 ss:$0x1] =	vst.idx.msk $0xffff, v0;
	s24 =	sshra.s32 s25, $0x2;
	s25 =	sadd.s32 $0x400, s25  }
0x34: {  	[tilespmem:v3+s24+$0x0 ss:$0x1] =	vst.idx.msk $0xffff, v0  }
0x35: {  	[tilespmem:v3+s24+$0x10 ss:$0x1] =	vst.idx.msk $0xffff, v0  }
0x36: {  	[tilespmem:v3+s24+$0x20 ss:$0x1] =	vst.idx.msk $0xffff, v0  }
0x37: {  	[tilespmem:v3+s24+$0x30 ss:$0x1] =	vst.idx.msk $0xffff, v0  }
0x38: {  	[tilespmem:v3+s24+$0x40 ss:$0x1] =	vst.idx.msk $0xffff, v0  }
0x39: {  	[tilespmem:v3+s24+$0x50 ss:$0x1] =	vst.idx.msk $0xffff, v0  }
0x3a: {  	[tilespmem:v3+s24+$0x60 ss:$0x1] =	vst.idx.msk $0xffff, v0  }
0x3b: {  	[tilespmem:v3+s24+$0x70 ss:$0x1] =	vst.idx.msk $0xffff, v0  }
0x3c: {  	[tilespmem:v3+s24+$0x80 ss:$0x1] =	vst.idx.msk $0xffff, v0  }
0x3d: {  	[tilespmem:v3+s24+$0x90 ss:$0x1] =	vst.idx.msk $0xffff, v0  }
.Ltmp0:
0x3e: {  	[tilespmem:v3+s24+$0xA0 ss:$0x1] =	vst.idx.msk $0xffff, v0;
	(pc) =	sbr.rel @p0 .LBB2_3-.Ltmp0, $4  }
0x3f: {  	[tilespmem:v3+s24+$0xB0 ss:$0x1] =	vst.idx.msk $0xffff, v0  }
0x40: {  	[tilespmem:v3+s24+$0xC0 ss:$0x1] =	vst.idx.msk $0xffff, v0  }
0x41: {  	[tilespmem:v3+s24+$0xD0 ss:$0x1] =	vst.idx.msk $0xffff, v0  }
0x42: {  	[tilespmem:v3+s24+$0xE0 ss:$0x1] =	vst.idx.msk $0xffff, v0  }
0x43: {  	s23 =	sadd.s32 $0x1, s23  }
0x44: {  	p0 =	sne.s32 s23, $0x9  }
.Ltmp1:
0x45: {  	_ = 	snop;
	(pc) =	sbr.rel @p0 .LBB2_2-.Ltmp1, $2  }
0x46: {  	_ =	sdelay $0x2  }
0x47: {  	[tilespmem:v3+s24+$0xF0 ss:$0x1] =	vst.idx.msk $0xffff, v0;
	s22 =	sadd.s32 $0xC00, s22  }
0x48: {  	_ =	swait.ge [sflag:s31], $0x960  }
0x49: {  	[sflag:s31] =	ssyncset.done $0x0  }
0x4a: {  	s22 =	simm.s32 $0x4B0;
	[sflag:s31] =	ssyncadd.s32 $0xFFFFF6A0  }
0x4b: {  	v3 =	vld [tilespmem:s22+$0xFFFFFD30]  }
0x4c: {  	v5 =	vld [tilespmem:s22+$0xFFFFFF10]  }
0x4d: {  	v6 =	vld [tilespmem:s22+$0x1E0]  }
0x4e: {  	s23 =	simm.s32 $0x0;
	v7 =	vld [tilespmem:s22+$0xFFFFFB50]  }
0x4f: {  	v4 =	vmov s23;
	v8 =	vld [tilespmem:s22+$0xFFFFFC40]  }
0x50: {  	v4 =	vmul.u32 $0xCCD, v4;
	v10 =	vld [tilespmem:s22+$0x2D0];
	_ =	sdelay $0x1  }
0x51: {  	v4 =	vbroadcast v4, $0x0;
	v3 =	vmul.f32 $2.550000000e+02, v3  }
0x52: {  	v5 =	vmul.f32 $2.550000000e+02, v5;
	v6 =	vmul.f32 $2.550000000e+02, v6  }
0x53: {  	v7 =	vmul.f32 $2.550000000e+02, v7;
	v8 =	vmul.f32 $2.550000000e+02, v8  }
0x54: {  	v10 =	vmul.f32 $2.550000000e+02, v10;
	v3 =	vtrunc.f32 v3  }
0x55: {  	v5 =	vtrunc.f32 v5;
	v6 =	vtrunc.f32 v6  }
0x56: {  	v8 =	vtrunc.f32 v8;
	v10 =	vtrunc.f32 v10  }
0x57: {  	v4 =	vadd.s32 v1, v4;
	v3 =	vcvt.f32.s32 v3;
	v5 =	vcvt.f32.s32 v5  }
0x58: {  	v4 =	vshrl.u32 v4, $0x8;
	v6 =	vcvt.f32.s32 v6;
	v8 =	vcvt.f32.s32 v8  }
0x59: {  	v13 =	vld [tilespmem:s22+$0x0];
	v9 =	vand.u32 $0xFFFFFFF8, v3;
	v11 =	vand.u32 $0x7, v3;
	v3 =	vand.u32 $0xFFFF00, v4  }
0x5a: {  	v15 =	vld [tilespmem:s22+$0xF0];
	v4 =	vtrunc.f32 v7;
	v16 =	vand.u32 $0xFFFFFFF8, v6;
	v6 =	vand.u32 $0x7, v6  }
0x5b: {  	v7 =	vld [tilespmem:s22+$0x3C0];
	v12 =	vcvt.f32.s32 v4;
	v4 =	vand.u32 $0xFFFFFFF8, v5;
	v9 =	vadd.s32 v3, v9  }
0x5c: {  	v17 =	vld [tilespmem:s22+$0xFFFFFE20];
	v5 =	vand.u32 $0x7, v5;
	v16 =	vadd.s32 v3, v16;
	v4 =	vadd.s32 v3, v4  }
0x5d: {  	v14 =	vand.u32 $0xFFFFFFF8, v12;
	v18 =	vor.u32 v5, v4;
	v4 =	vor.u32 v6, v16  }
0x5e: {  	v5 =	vand.u32 $0x7, v12;
	v6 =	vor.u32 v11, v9;
	v12 =	vand.u32 $0xFFFFFFF8, v8  }
0x5f: {  	v9 =	vand.u32 $0x7, v8;
	v8 =	vcvt.f32.s32 v10;
	v14 =	vadd.s32 v3, v14  }
0x60: {  	v5 =	vor.u32 v5, v14;
	v11 =	vmul.f32 $2.550000000e+02, v7;
	v14 =	vmul.f32 $2.550000000e+02, v15  }
0x61: {  	v10 =	vadd.s32 v3, v12;
	v12 =	vmul.f32 $2.550000000e+02, v17;
	v7 =	vmul.f32 $2.550000000e+02, v13  }
0x62: {  	s23 =	simm.s32 $0x4C0;
	s22 =	simm.s32 $0x10;
	v13 =	vtrunc.f32 v11;
	v11 =	vtrunc.f32 v14;
	[tilespmem:v18+s1+$0x0] =	vst.idx.add.s32.msk $0xffff, v2  }
.LBB2_6:
0x63: {  	v14 =	vmov s22;
	p0 =	sne.s32 s22, $0xE0;
	s22 =	sadd.s32 $0x10, s22;
	[tilespmem:v6+s1+$0x0] =	vst.idx.add.s32.msk $0xffff, v2;
	v6 =	vand.u32 $0x7, v8;
	v13 =	vcvt.f32.s32 v13  }
0x64: {  	v9 =	vor.u32 v9, v10;
	v14 =	vmul.u32 $0xCCD, v14;
	v15 =	vld [tilespmem:s23+$0xFFFFFD30];
	v10 =	vtrunc.f32 v12  }
0x65: {  	v8 =	vand.u32 $0xFFFFFFF8, v8;
	[tilespmem:v5+s1+$0x0] =	vst.idx.add.s32.msk $0xffff, v2;
	v5 =	vtrunc.f32 v7;
	v7 =	vcvt.f32.s32 v11  }
0x66: {  	v10 =	vcvt.f32.s32 v10;
	v11 =	vbroadcast v14, $0x0;
	[tilespmem:v4+s1+$0x0] =	vst.idx.add.s32.msk $0xffff, v2;
	v4 =	vand.u32 $0xFFFFFFF8, v13  }
0x67: {  	v5 =	vcvt.f32.s32 v5;
	v13 =	vand.u32 $0x7, v13;
	v12 =	vld [tilespmem:s23+$0xFFFFFF10];
	v4 =	vadd.s32 v3, v4  }
0x68: {  	v8 =	vadd.s32 v3, v8;
	v11 =	vadd.s32 v1, v11;
	v14 =	vld [tilespmem:s23+$0x1E0];
	v4 =	vor.u32 v13, v4  }
0x69: {  	v6 =	vor.u32 v6, v8;
	v13 =	vld [tilespmem:s23+$0xFFFFFB50];
	v11 =	vshrl.u32 v11, $0x8;
	v15 =	vmul.f32 $2.550000000e+02, v15  }
0x6a: {  	v8 =	vand.u32 $0xFFFFFFF8, v5;
	v5 =	vand.u32 $0x7, v5;
	[tilespmem:v9+s1+$0x0] =	vst.idx.add.s32.msk $0xffff, v2;
	v9 =	vand.u32 $0xFFFFFFF8, v7  }
0x6b: {  	v8 =	vadd.s32 v3, v8;
	v15 =	vtrunc.f32 v15;
	v9 =	vadd.s32 v3, v9  }
0x6c: {  	v5 =	vor.u32 v5, v8;
	v7 =	vand.u32 $0x7, v7;
	v16 =	vld [tilespmem:s23+$0xFFFFFC40];
	v15 =	vcvt.f32.s32 v15  }
0x6d: {  	v8 =	vmul.f32 $2.550000000e+02, v12;
	v12 =	vand.u32 $0xFFFFFFF8, v10;
	v7 =	vor.u32 v7, v9;
	[tilespmem:v4+s1+$0x0] =	vst.idx.add.s32.msk $0xffff, v2  }
0x6e: {  	v9 =	vand.u32 $0x7, v10;
	v4 =	vmul.f32 $2.550000000e+02, v14;
	v3 =	vadd.s32 v3, v12;
	[tilespmem:v6+s1+$0x0] =	vst.idx.add.s32.msk $0xffff, v2  }
0x6f: {  	v6 =	vand.u32 $0xFFFFFFF8, v15;
	v9 =	vor.u32 v9, v3;
	v10 =	vld [tilespmem:s23+$0x2D0]  }
0x70: {  	v12 =	vmul.f32 $2.550000000e+02, v13;
	v13 =	vand.u32 $0x7, v15;
	v8 =	vtrunc.f32 v8;
	v14 =	vld [tilespmem:s23+$0x3C0]  }
0x71: {  	v3 =	vand.u32 $0xFFFF00, v11;
	v8 =	vcvt.f32.s32 v8;
	v11 =	vmul.f32 $2.550000000e+02, v16;
	[tilespmem:v5+s1+$0x0] =	vst.idx.add.s32.msk $0xffff, v2  }
0x72: {  	v6 =	vadd.s32 v3, v6;
	v4 =	vtrunc.f32 v4;
	v5 =	vtrunc.f32 v12;
	[tilespmem:v7+s1+$0x0] =	vst.idx.add.s32.msk $0xffff, v2  }
0x73: {  	v4 =	vcvt.f32.s32 v4;
	v5 =	vcvt.f32.s32 v5;
	v7 =	vand.u32 $0xFFFFFFF8, v8;
	v12 =	vld [tilespmem:s23+$0x0]  }
0x74: {  	v11 =	vtrunc.f32 v11;
	v7 =	vadd.s32 v3, v7;
	v10 =	vmul.f32 $2.550000000e+02, v10;
	[tilespmem:v9+s1+$0x0] =	vst.idx.add.s32.msk $0xffff, v2  }
0x75: {  	v16 =	vand.u32 $0xFFFFFFF8, v4;
	v4 =	vand.u32 $0x7, v4;
	v9 =	vand.u32 $0xFFFFFFF8, v5;
	v15 =	vld [tilespmem:s23+$0xF0]  }
0x76: {  	v8 =	vand.u32 $0x7, v8;
	v16 =	vadd.s32 v3, v16;
	v9 =	vadd.s32 v3, v9;
	v17 =	vld [tilespmem:s23+$0xFFFFFE20]  }
0x77: {  	v11 =	vcvt.f32.s32 v11;
	v18 =	vor.u32 v8, v7;
	v4 =	vor.u32 v4, v16  }
.Ltmp2:
0x78: {  	v6 =	vor.u32 v13, v6;
	v5 =	vand.u32 $0x7, v5;
	v8 =	vtrunc.f32 v10;
	(pc) =	sbr.rel @p0 .LBB2_6-.Ltmp2, $4  }
0x79: {  	v13 =	vmul.f32 $2.550000000e+02, v14;
	v5 =	vor.u32 v5, v9;
	v10 =	vand.u32 $0xFFFFFFF8, v11  }
0x7a: {  	v9 =	vand.u32 $0x7, v11;
	v7 =	vmul.f32 $2.550000000e+02, v12;
	v11 =	vmul.f32 $2.550000000e+02, v15  }
0x7b: {  	v10 =	vadd.s32 v3, v10;
	v8 =	vcvt.f32.s32 v8;
	v13 =	vtrunc.f32 v13  }
0x7c: {  	s23 =	sadd.s32 $0x10, s23;
	v12 =	vmul.f32 $2.550000000e+02, v17;
	[tilespmem:v18+s1+$0x0] =	vst.idx.add.s32.msk $0xffff, v2;
	v11 =	vtrunc.f32 v11  }
0x7d: {  	v14 =	vand.u32 $0x7, v8;
	v13 =	vcvt.f32.s32 v13  }
0x7e: {  	v9 =	vor.u32 v9, v10;
	v7 =	vtrunc.f32 v7;
	v11 =	vcvt.f32.s32 v11  }
0x7f: {  	v8 =	vand.u32 $0xFFFFFFF8, v8;
	v10 =	vtrunc.f32 v12;
	v7 =	vcvt.f32.s32 v7  }
0x80: {  	v8 =	vadd.s32 v3, v8;
	v12 =	vand.u32 $0xFFFFFFF8, v13;
	v13 =	vand.u32 $0x7, v13  }
0x81: {  	v10 =	vcvt.f32.s32 v10;
	v8 =	vor.u32 v14, v8;
	v12 =	vadd.s32 v3, v12  }
0x82: {  	v14 =	vand.u32 $0xFFFFFFF8, v11;
	v12 =	vor.u32 v13, v12;
	v13 =	vand.u32 $0xFFFFFFF8, v7  }
0x83: {  	[tilespmem:v6+s1+$0x0] =	vst.idx.add.s32.msk $0xffff, v2;
	v6 =	vand.u32 $0x7, v7;
	v7 =	vadd.s32 v3, v13;
	v13 =	vadd.s32 v3, v14  }
0x84: {  	[tilespmem:v5+s1+$0x0] =	vst.idx.add.s32.msk $0xffff, v2;
	v5 =	vor.u32 v6, v7;
	v6 =	vand.u32 $0x7, v11;
	v7 =	vand.u32 $0xFFFFFFF8, v10  }
0x85: {  	[tilespmem:v4+s1+$0x0] =	vst.idx.add.s32.msk $0xffff, v2;
	v4 =	vor.u32 v6, v13;
	v6 =	vand.u32 $0x7, v10;
	v3 =	vadd.s32 v3, v7  }
0x86: {  	[tilespmem:v9+s1+$0x0] =	vst.idx.add.s32.msk $0xffff, v2;
	v3 =	vor.u32 v6, v3  }
0x87: {  	[tilespmem:v8+s1+$0x0] =	vst.idx.add.s32.msk $0xffff, v2  }
0x88: {  	[tilespmem:v12+s1+$0x0] =	vst.idx.add.s32.msk $0xffff, v2  }
0x89: {  	[tilespmem:v5+s1+$0x0] =	vst.idx.add.s32.msk $0xffff, v2  }
0x8a: {  	[tilespmem:v4+s1+$0x0] =	vst.idx.add.s32.msk $0xffff, v2  }
0x8b: {  	s22 =	simm.s32 $0x0;
	[tilespmem:v3+s1+$0x0] =	vst.idx.add.s32.msk $0xffff, v2  }
0x8c: {  	[hbm4b:s11+s22] =	stream.linear.scatter [tilespmem:s1], [sflag:$0x2], $0xC00, $0x38;
	[tilespmem:$0xC060] =	vst v63  }
0x8d: {  	_ =	swait.ge [sflag:s31], $0x960  }
0x8e: {  	[sflag:s31] =	ssyncset.done $0x0  }
0x8f: {  	s23 =	simm.s32 $0x960;
	[sflag:s31] =	ssyncadd.s32 $0xFFFFF6A0  }
0x90: {  	v3 =	vld [tilespmem:s23+$0x780];
	_ =	sdelay $0x1  }
0x91: {  	v4 =	vmov s22  }
0x92: {  	v4 =	vmul.u32 $0xCCD, v4;
	_ =	sdelay $0x1  }
0x93: {  	v4 =	vbroadcast v4, $0x0;
	v5 =	vld [tilespmem:s23+$0x3C0];
	v3 =	vmul.f32 $2.550000000e+02, v3  }
0x94: {  	v8 =	vld [tilespmem:s23+$0x4B0]  }
0x95: {  	v4 =	vadd.s32 v1, v4;
	v9 =	vld [tilespmem:s23+$0xF0];
	v3 =	vtrunc.f32 v3  }
0x96: {  	v6 =	vcvt.f32.s32 v3;
	v3 =	vshrl.u32 v4, $0x8;
	v4 =	vld [tilespmem:s23+$0x1E0]  }
0x97: {  	v3 =	vand.u32 $0xFFFF00, v3  }
0x98: {  	v7 =	vand.u32 $0xFFFFFFF8, v6;
	v3 =	vadd.s32 $0xC00, v3  }
0x99: {  	v13 =	vld [tilespmem:s23+$0x690];
	v8 =	vmul.f32 $2.550000000e+02, v8;
	v6 =	vand.u32 $0x7, v6;
	v7 =	vadd.s32 v3, v7  }
0x9a: {  	v5 =	vmul.f32 $2.550000000e+02, v5;
	v9 =	vmul.f32 $2.550000000e+02, v9;
	v6 =	vor.u32 v6, v7  }
0x9b: {  	v8 =	vtrunc.f32 v8;
	v7 =	vld [tilespmem:s23+$0x5A0];
	v4 =	vmul.f32 $2.550000000e+02, v4  }
0x9c: {  	v5 =	vtrunc.f32 v5;
	v8 =	vcvt.f32.s32 v8  }
0x9d: {  	v5 =	vcvt.f32.s32 v5;
	v4 =	vtrunc.f32 v4  }
0x9e: {  	v13 =	vmul.f32 $2.550000000e+02, v13;
	v12 =	vand.u32 $0xFFFFFFF8, v8;
	v4 =	vcvt.f32.s32 v4  }
0x9f: {  	s22 =	simm.s32 $0x970;
	v8 =	vand.u32 $0x7, v8;
	[tilespmem:v6+s1+$0x0] =	vst.idx.add.s32.msk $0xffff, v2;
	v6 =	vand.u32 $0xFFFFFFF8, v5;
	v5 =	vand.u32 $0x7, v5  }
0xa0: {  	s24 =	simm.s32 $0x10;
	v7 =	vmul.f32 $2.550000000e+02, v7;
	v10 =	vld [tilespmem:s22+$0x780];
	v11 =	vand.u32 $0xFFFFFFF8, v4;
	v6 =	vadd.s32 v3, v6  }
0xa1: {  	v4 =	vand.u32 $0x7, v4;
	v5 =	vor.u32 v5, v6;
	v6 =	vmov s24  }
0xa2: {  	v11 =	vadd.s32 v3, v11;
	v7 =	vtrunc.f32 v7;
	v6 =	vmul.u32 $0xCCD, v6  }
0xa3: {  	v11 =	vor.u32 v4, v11;
	v4 =	vadd.s32 v3, v12;
	v12 =	vld [tilespmem:s23+$0x870];
	v7 =	vcvt.f32.s32 v7  }
0xa4: {  	v13 =	vtrunc.f32 v13;
	v8 =	vor.u32 v8, v4;
	v4 =	vbroadcast v6, $0x0  }
0xa5: {  	v6 =	vtrunc.f32 v9;
	v14 =	vand.u32 $0xFFFFFFF8, v7;
	v10 =	vmul.f32 $2.550000000e+02, v10  }
0xa6: {  	v13 =	vcvt.f32.s32 v13;
	v9 =	vld [tilespmem:s23+$0x0];
	v6 =	vcvt.f32.s32 v6;
	v14 =	vadd.s32 v3, v14  }
0xa7: {  	v4 =	vadd.s32 v1, v4;
	[tilespmem:v5+s1+$0x0] =	vst.idx.add.s32.msk $0xffff, v2;
	v5 =	vand.u32 $0x7, v7;
	v10 =	vtrunc.f32 v10  }
0xa8: {  	v15 =	vld [tilespmem:s23+$0x2D0];
	v4 =	vshrl.u32 v4, $0x8;
	v7 =	vmul.f32 $2.550000000e+02, v12;
	v10 =	vcvt.f32.s32 v10  }
0xa9: {  	v12 =	vld [tilespmem:s22+$0x3C0];
	v62 =	vand.u32 $0xFFFFFFF8, v6;
	v6 =	vand.u32 $0x7, v6;
	v4 =	vand.u32 $0xFFFF00, v4  }
0xaa: {  	[tilespmem:v11+s1+$0x0] =	vst.idx.add.s32.msk $0xffff, v2;
	v14 =	vor.u32 v5, v14;
	v4 =	vadd.s32 $0xC00, v4;
	v16 =	vand.u32 $0xFFFFFFF8, v10  }
0xab: {  	[tilespmem:v8+s1+$0x0] =	vst.idx.add.s32.msk $0xffff, v2;
	v9 =	vmul.f32 $2.550000000e+02, v9;
	v8 =	vadd.s32 v4, v16;
	v16 =	vadd.s32 v3, v62  }
0xac: {  	v7 =	vtrunc.f32 v7;
	v17 =	vld [tilespmem:s22+$0x4B0];
	v10 =	vand.u32 $0x7, v10;
	v11 =	vor.u32 v6, v16  }
0xad: {  	v7 =	vcvt.f32.s32 v7;
	v63 =	vtrunc.f32 v9;
	v9 =	vand.u32 $0xFFFFFFF8, v13  }
0xae: {  	v6 =	vmul.f32 $2.550000000e+02, v15;
	v15 =	vld [tilespmem:s22+$0x1E0];
	v12 =	vmul.f32 $2.550000000e+02, v12;
	v5 =	vor.u32 v10, v8  }
0xaf: {  	v10 =	vand.u32 $0x7, v7;
	v9 =	vadd.s32 v3, v9;
	v7 =	vand.u32 $0xFFFFFFF8, v7  }
0xb0: {  	v7 =	vadd.s32 v3, v7;
	v8 =	vtrunc.f32 v6;
	v6 =	vtrunc.f32 v12  }
0xb1: {  	v17 =	vmul.f32 $2.550000000e+02, v17;
	v6 =	vcvt.f32.s32 v6;
	[tilespmem:v11+s1+$0x0] =	vst.idx.add.s32.msk $0xffff, v2;
	v11 =	vand.u32 $0x7, v13  }
0xb2: {  	[tilespmem:v14+s1+$0x0] =	vst.idx.add.s32.msk $0xffff, v2;
	v14 =	vcvt.f32.s32 v63;
	v7 =	vor.u32 v10, v7;
	v11 =	vor.u32 v11, v9  }
0xb3: {  	s24 =	simm.s32 $0x980;
	s23 =	simm.s32 $0x20;
	v12 =	vmul.f32 $2.550000000e+02, v15;
	v10 =	vand.u32 $0xFFFFFFF8, v6;
	v13 =	vtrunc.f32 v17;
	v9 =	vld [tilespmem:s22+$0x5A0]  }
.LBB2_8:
0xb4: {  	p0 =	sne.s32 s23, $0xE0;
	v6 =	vand.u32 $0x7, v6;
	v13 =	vcvt.f32.s32 v13;
	[tilespmem:v5+s1+$0x0] =	vst.idx.add.s32.msk $0xffff, v2;
	v5 =	vcvt.f32.s32 v8;
	s25 =	smov.u32 s23;
	s23 =	sadd.s32 $0x10, s23  }
0xb5: {  	v12 =	vtrunc.f32 v12;
	v8 =	vld [tilespmem:s22+$0xF0];
	v15 =	vand.u32 $0xFFFFFFF8, v14;
	v14 =	vand.u32 $0x7, v14  }
0xb6: {  	v12 =	vcvt.f32.s32 v12;
	v16 =	vld [tilespmem:s24+$0x780];
	v15 =	vadd.s32 v3, v15;
	v17 =	vand.u32 $0xFFFFFFF8, v5  }
0xb7: {  	v10 =	vadd.s32 v4, v10;
	v5 =	vand.u32 $0x7, v5;
	v14 =	vor.u32 v14, v15;
	[tilespmem:v11+s1+$0x0] =	vst.idx.add.s32.msk $0xffff, v2  }
0xb8: {  	v11 =	vand.u32 $0xFFFFFFF8, v12;
	v15 =	vadd.s32 v3, v17;
	v3 =	vmovc v4;
	v9 =	vmul.f32 $2.550000000e+02, v9;
	[tilespmem:v7+s1+$0x0] =	vst.idx.add.s32.msk $0xffff, v2  }
0xb9: {  	v6 =	vor.u32 v6, v10;
	v4 =	vadd.s32 v3, v11;
	v5 =	vor.u32 v5, v15  }
0xba: {  	v10 =	vand.u32 $0x7, v12;
	v7 =	vmov s25;
	v11 =	vand.u32 $0xFFFFFFF8, v13;
	v12 =	vld [tilespmem:s22+$0x690]  }
0xbb: {  	v7 =	vmul.u32 $0xCCD, v7;
	v10 =	vor.u32 v10, v4;
	v4 =	vadd.s32 v3, v11;
	v11 =	vld [tilespmem:s22+$0x870]  }
0xbc: {  	v13 =	vand.u32 $0x7, v13;
	v8 =	vmul.f32 $2.550000000e+02, v8;
	v9 =	vtrunc.f32 v9;
	[tilespmem:v14+s1+$0x0] =	vst.idx.add.s32.msk $0xffff, v2  }
0xbd: {  	v4 =	vor.u32 v13, v4;
	v9 =	vcvt.f32.s32 v9;
	v14 =	vmul.f32 $2.550000000e+02, v16;
	v15 =	vld [tilespmem:s22+$0x0]  }
0xbe: {  	v7 =	vbroadcast v7, $0x0;
	v8 =	vtrunc.f32 v8;
	[tilespmem:v5+s1+$0x0] =	vst.idx.add.s32.msk $0xffff, v2  }
0xbf: {  	v8 =	vcvt.f32.s32 v8;
	v5 =	vtrunc.f32 v14;
	v14 =	vand.u32 $0xFFFFFFF8, v9;
	v13 =	vld [tilespmem:s22+$0x2D0];
	s22 =	smov.u32 s24  }
0xc0: {  	v7 =	vadd.s32 v1, v7;
	v5 =	vcvt.f32.s32 v5;
	[tilespmem:v6+s1+$0x0] =	vst.idx.add.s32.msk $0xffff, v2;
	v6 =	vmul.f32 $2.550000000e+02, v12  }
0xc1: {  	v7 =	vshrl.u32 v7, $0x8;
	v9 =	vand.u32 $0x7, v9;
	v11 =	vmul.f32 $2.550000000e+02, v11;
	v12 =	vld [tilespmem:s24+$0x3C0]  }
0xc2: {  	v7 =	vand.u32 $0xFFFF00, v7;
	v14 =	vadd.s32 v3, v14;
	v16 =	vand.u32 $0xFFFFFFF8, v5;
	[tilespmem:v4+s1+$0x0] =	vst.idx.add.s32.msk $0xffff, v2  }
0xc3: {  	v5 =	vand.u32 $0x7, v5;
	v4 =	vadd.s32 $0xC00, v7;
	v11 =	vtrunc.f32 v11;
	v7 =	vld [tilespmem:s24+$0x4B0]  }
0xc4: {  	v17 =	vand.u32 $0xFFFFFFF8, v8;
	v8 =	vand.u32 $0x7, v8;
	v16 =	vadd.s32 v4, v16;
	[tilespmem:v10+s1+$0x0] =	vst.idx.add.s32.msk $0xffff, v2  }
0xc5: {  	v6 =	vtrunc.f32 v6;
	v10 =	vmul.f32 $2.550000000e+02, v15;
	v15 =	vadd.s32 v3, v17  }
0xc6: {  	v15 =	vor.u32 v8, v15;
	v8 =	vmul.f32 $2.550000000e+02, v13;
	v13 =	vcvt.f32.s32 v6  }
0xc7: {  	v9 =	vor.u32 v9, v14;
	v11 =	vcvt.f32.s32 v11;
	v6 =	vmul.f32 $2.550000000e+02, v12;
	v17 =	vld [tilespmem:s24+$0x1E0]  }
0xc8: {  	v5 =	vor.u32 v5, v16;
	v14 =	vtrunc.f32 v10;
	v8 =	vtrunc.f32 v8  }
.Ltmp3:
0xc9: {  	v16 =	vand.u32 $0x7, v11;
	v10 =	vand.u32 $0xFFFFFFF8, v13;
	v6 =	vtrunc.f32 v6;
	(pc) =	sbr.rel @p0 .LBB2_8-.Ltmp3, $4  }
0xca: {  	v11 =	vand.u32 $0xFFFFFFF8, v11;
	v10 =	vadd.s32 v3, v10;
	v6 =	vcvt.f32.s32 v6  }
0xcb: {  	v18 =	vmul.f32 $2.550000000e+02, v7;
	v7 =	vand.u32 $0x7, v13;
	v13 =	vadd.s32 v3, v11;
	[tilespmem:v15+s1+$0x0] =	vst.idx.add.s32.msk $0xffff, v2  }
0xcc: {  	v11 =	vor.u32 v7, v10;
	v7 =	vor.u32 v16, v13;
	v12 =	vmul.f32 $2.550000000e+02, v17;
	[tilespmem:v9+s1+$0x0] =	vst.idx.add.s32.msk $0xffff, v2  }
0xcd: {  	s24 =	sadd.s32 $0x10, s24;
	v14 =	vcvt.f32.s32 v14;
	v13 =	vtrunc.f32 v18;
	v10 =	vand.u32 $0xFFFFFFF8, v6;
	v9 =	vld [tilespmem:s22+$0x5A0]  }
0xce: {  	_ =	sdelay $0x2  }
0xcf: {  	v16 =	vld [tilespmem:s22+$0xF0]  }
0xd0: {  	v8 =	vcvt.f32.s32 v8;
	[tilespmem:v11+s1+$0x0] =	vst.idx.add.s32.msk $0xffff, v2;
	v15 =	vand.u32 $0xFFFFFFF8, v14  }
0xd1: {  	[tilespmem:v7+s1+$0x0] =	vst.idx.add.s32.msk $0xffff, v2;
	v14 =	vand.u32 $0x7, v14;
	v15 =	vadd.s32 v3, v15  }
0xd2: {  	v11 =	vtrunc.f32 v12;
	v12 =	vld [tilespmem:s22+$0x870];
	v17 =	vand.u32 $0xFFFFFFF8, v8;
	v14 =	vor.u32 v14, v15  }
0xd3: {  	v6 =	vand.u32 $0x7, v6;
	v8 =	vand.u32 $0x7, v8;
	v3 =	vadd.s32 v3, v17  }
0xd4: {  	v10 =	vadd.s32 v4, v10;
	v7 =	vcvt.f32.s32 v11;
	v3 =	vor.u32 v8, v3  }
0xd5: {  	v11 =	vcvt.f32.s32 v13;
	v6 =	vor.u32 v6, v10;
	v8 =	vld [tilespmem:s22+$0x690];
	v9 =	vmul.f32 $2.550000000e+02, v9  }
0xd6: {  	v13 =	vand.u32 $0xFFFFFFF8, v7;
	v7 =	vand.u32 $0x7, v7;
	v15 =	vmul.f32 $2.550000000e+02, v16  }
0xd7: {  	v13 =	vadd.s32 v4, v13;
	v9 =	vtrunc.f32 v9;
	v12 =	vmul.f32 $2.550000000e+02, v12;
	[tilespmem:v14+s1+$0x0] =	vst.idx.add.s32.msk $0xffff, v2  }
0xd8: {  	v7 =	vor.u32 v7, v13;
	v9 =	vcvt.f32.s32 v9;
	v14 =	vand.u32 $0xFFFFFFF8, v11;
	v10 =	vld [tilespmem:s22+$0x0]  }
0xd9: {  	v11 =	vand.u32 $0x7, v11;
	v12 =	vtrunc.f32 v12;
	[tilespmem:v3+s1+$0x0] =	vst.idx.add.s32.msk $0xffff, v2;
	v3 =	vadd.s32 v4, v14  }
0xda: {  	v8 =	vmul.f32 $2.550000000e+02, v8;
	v14 =	vld [tilespmem:s22+$0x2D0];
	v3 =	vor.u32 v11, v3;
	v11 =	vtrunc.f32 v15  }
0xdb: {  	v13 =	vand.u32 $0xFFFFFFF8, v9;
	v9 =	vand.u32 $0x7, v9;
	v11 =	vcvt.f32.s32 v11  }
0xdc: {  	v12 =	vcvt.f32.s32 v12;
	v13 =	vadd.s32 v4, v13;
	v8 =	vtrunc.f32 v8  }
0xdd: {  	v9 =	vor.u32 v9, v13;
	v8 =	vcvt.f32.s32 v8;
	v15 =	vand.u32 $0xFFFFFFF8, v11  }
0xde: {  	v11 =	vand.u32 $0x7, v11;
	v10 =	vmul.f32 $2.550000000e+02, v10;
	v15 =	vadd.s32 v4, v15  }
0xdf: {  	[tilespmem:v5+s1+$0x0] =	vst.idx.add.s32.msk $0xffff, v2;
	v5 =	vand.u32 $0x7, v8;
	v14 =	vmul.f32 $2.550000000e+02, v14;
	v11 =	vor.u32 v11, v15  }
0xe0: {  	v15 =	vand.u32 $0x7, v12;
	v12 =	vand.u32 $0xFFFFFFF8, v12;
	v10 =	vtrunc.f32 v10  }
0xe1: {  	v13 =	vtrunc.f32 v14;
	v14 =	vand.u32 $0xFFFFFFF8, v8;
	v10 =	vcvt.f32.s32 v10  }
0xe2: {  	v8 =	vadd.s32 v4, v12;
	v14 =	vadd.s32 v4, v14;
	v12 =	vcvt.f32.s32 v13  }
0xe3: {  	[tilespmem:v6+s1+$0x0] =	vst.idx.add.s32.msk $0xffff, v2;
	v6 =	vor.u32 v15, v8;
	v5 =	vor.u32 v5, v14;
	v8 =	vand.u32 $0xFFFFFFF8, v10  }
0xe4: {  	[tilespmem:v3+s1+$0x0] =	vst.idx.add.s32.msk $0xffff, v2;
	v3 =	vand.u32 $0x7, v10;
	v8 =	vadd.s32 v4, v8;
	v10 =	vand.u32 $0xFFFFFFF8, v12  }
0xe5: {  	[tilespmem:v7+s1+$0x0] =	vst.idx.add.s32.msk $0xffff, v2;
	v7 =	vand.u32 $0x7, v12;
	v3 =	vor.u32 v3, v8;
	v4 =	vadd.s32 v4, v10  }
0xe6: {  	[tilespmem:v9+s1+$0x0] =	vst.idx.add.s32.msk $0xffff, v2;
	v4 =	vor.u32 v7, v4  }
0xe7: {  	[tilespmem:v11+s1+$0x0] =	vst.idx.add.s32.msk $0xffff, v2  }
0xe8: {  	[tilespmem:v6+s1+$0x0] =	vst.idx.add.s32.msk $0xffff, v2  }
0xe9: {  	[tilespmem:v5+s1+$0x0] =	vst.idx.add.s32.msk $0xffff, v2  }
0xea: {  	[tilespmem:v3+s1+$0x0] =	vst.idx.add.s32.msk $0xffff, v2  }
0xeb: {  	s24 =	simm.s32 $0x0;
	s23 =	simm.s32 $0x6060;
	[tilespmem:v4+s1+$0x0] =	vst.idx.add.s32.msk $0xffff, v2  }
0xec: {  	[hbm4b:s13+s24] =	stream.linear.scatter [tilespmem:s23], [sflag:$0x2], $0xC00, $0x38;
	[tilespmem:$0xC060] =	vst v63  }
0xed: {  	_ =	swait.ge [sflag:s31], $0x960  }
0xee: {  	[sflag:s31] =	ssyncset.done $0x0  }
0xef: {  	s25 =	simm.s32 $0x12C0;
	[sflag:s31] =	ssyncadd.s32 $0xFFFFF6A0  }
0xf0: {  	v3 =	vld [tilespmem:s25+$0x780];
	_ =	sdelay $0x1  }
0xf1: {  	v4 =	vmov s24  }
0xf2: {  	v4 =	vmul.u32 $0xCCD, v4;
	_ =	sdelay $0x1  }
0xf3: {  	v4 =	vbroadcast v4, $0x0;
	v5 =	vld [tilespmem:s25+$0x3C0];
	v3 =	vmul.f32 $2.550000000e+02, v3  }
0xf4: {  	v8 =	vld [tilespmem:s25+$0x4B0]  }
0xf5: {  	v4 =	vadd.s32 v1, v4;
	v9 =	vld [tilespmem:s25+$0xF0];
	v3 =	vtrunc.f32 v3  }
0xf6: {  	v6 =	vcvt.f32.s32 v3;
	v3 =	vshrl.u32 v4, $0x8;
	v4 =	vld [tilespmem:s25+$0x1E0]  }
0xf7: {  	v3 =	vand.u32 $0xFFFF00, v3  }
0xf8: {  	v7 =	vand.u32 $0xFFFFFFF8, v6;
	v3 =	vadd.s32 $0x1800, v3  }
0xf9: {  	v13 =	vld [tilespmem:s25+$0x690];
	v8 =	vmul.f32 $2.550000000e+02, v8;
	v6 =	vand.u32 $0x7, v6;
	v7 =	vadd.s32 v3, v7  }
0xfa: {  	v5 =	vmul.f32 $2.550000000e+02, v5;
	v9 =	vmul.f32 $2.550000000e+02, v9;
	v6 =	vor.u32 v6, v7  }
0xfb: {  	v8 =	vtrunc.f32 v8;
	v7 =	vld [tilespmem:s25+$0x5A0];
	v4 =	vmul.f32 $2.550000000e+02, v4  }
0xfc: {  	v5 =	vtrunc.f32 v5;
	v8 =	vcvt.f32.s32 v8  }
0xfd: {  	v5 =	vcvt.f32.s32 v5;
	v4 =	vtrunc.f32 v4  }
0xfe: {  	v13 =	vmul.f32 $2.550000000e+02, v13;
	v12 =	vand.u32 $0xFFFFFFF8, v8;
	v4 =	vcvt.f32.s32 v4  }
0xff: {  	s22 =	simm.s32 $0x12D0;
	v8 =	vand.u32 $0x7, v8;
	[tilespmem:v6+s1+$0x0] =	vst.idx.add.s32.msk $0xffff, v2;
	v6 =	vand.u32 $0xFFFFFFF8, v5;
	v5 =	vand.u32 $0x7, v5  }
0x100: {  	s24 =	simm.s32 $0x10;
	v7 =	vmul.f32 $2.550000000e+02, v7;
	v10 =	vld [tilespmem:s22+$0x780];
	v11 =	vand.u32 $0xFFFFFFF8, v4;
	v6 =	vadd.s32 v3, v6  }
0x101: {  	v4 =	vand.u32 $0x7, v4;
	v5 =	vor.u32 v5, v6;
	v6 =	vmov s24  }
0x102: {  	v11 =	vadd.s32 v3, v11;
	v7 =	vtrunc.f32 v7;
	v6 =	vmul.u32 $0xCCD, v6  }
0x103: {  	v11 =	vor.u32 v4, v11;
	v4 =	vadd.s32 v3, v12;
	v12 =	vld [tilespmem:s25+$0x870];
	v7 =	vcvt.f32.s32 v7  }
0x104: {  	v13 =	vtrunc.f32 v13;
	v8 =	vor.u32 v8, v4;
	v4 =	vbroadcast v6, $0x0  }
0x105: {  	v15 =	vld [tilespmem:s25+$0x2D0];
	v6 =	vtrunc.f32 v9;
	v14 =	vand.u32 $0xFFFFFFF8, v7;
	v10 =	vmul.f32 $2.550000000e+02, v10  }
0x106: {  	v13 =	vcvt.f32.s32 v13;
	v9 =	vld [tilespmem:s25+$0x0];
	v6 =	vcvt.f32.s32 v6;
	v14 =	vadd.s32 v3, v14  }
0x107: {  	v4 =	vadd.s32 v1, v4;
	[tilespmem:v5+s1+$0x0] =	vst.idx.add.s32.msk $0xffff, v2;
	v5 =	vand.u32 $0x7, v7;
	v10 =	vtrunc.f32 v10  }
0x108: {  	v4 =	vshrl.u32 v4, $0x8;
	v7 =	vmul.f32 $2.550000000e+02, v12;
	v61 =	vand.u32 $0xFFFFFFF8, v6  }
0x109: {  	v12 =	vld [tilespmem:s22+$0x3C0];
	v6 =	vand.u32 $0x7, v6;
	v14 =	vor.u32 v5, v14;
	v4 =	vand.u32 $0xFFFF00, v4  }
0x10a: {  	[tilespmem:v11+s1+$0x0] =	vst.idx.add.s32.msk $0xffff, v2;
	v10 =	vcvt.f32.s32 v10;
	v16 =	vadd.s32 v3, v61;
	v4 =	vadd.s32 $0x1800, v4  }
0x10b: {  	[tilespmem:v8+s1+$0x0] =	vst.idx.add.s32.msk $0xffff, v2;
	v7 =	vtrunc.f32 v7;
	v9 =	vmul.f32 $2.550000000e+02, v9;
	v11 =	vor.u32 v6, v16  }
0x10c: {  	v62 =	vld [tilespmem:s22+$0x4B0];
	v6 =	vmul.f32 $2.550000000e+02, v15;
	v60 =	vand.u32 $0xFFFFFFF8, v10;
	v10 =	vand.u32 $0x7, v10  }
0x10d: {  	v15 =	vld [tilespmem:s22+$0x1E0];
	v7 =	vcvt.f32.s32 v7;
	v8 =	vadd.s32 v4, v60;
	v63 =	vtrunc.f32 v9  }
0x10e: {  	v9 =	vand.u32 $0xFFFFFFF8, v13;
	v12 =	vmul.f32 $2.550000000e+02, v12;
	v5 =	vor.u32 v10, v8  }
0x10f: {  	v8 =	vtrunc.f32 v6;
	v10 =	vand.u32 $0x7, v7;
	v9 =	vadd.s32 v3, v9  }
0x110: {  	v7 =	vand.u32 $0xFFFFFFF8, v7;
	[tilespmem:v14+s1+$0x0] =	vst.idx.add.s32.msk $0xffff, v2;
	v14 =	vcvt.f32.s32 v63;
	v6 =	vtrunc.f32 v12  }
0x111: {  	v17 =	vmul.f32 $2.550000000e+02, v62;
	[tilespmem:v11+s1+$0x0] =	vst.idx.add.s32.msk $0xffff, v2;
	v11 =	vand.u32 $0x7, v13;
	v6 =	vcvt.f32.s32 v6  }
0x112: {  	v7 =	vadd.s32 v3, v7;
	v12 =	vmul.f32 $2.550000000e+02, v15;
	v11 =	vor.u32 v11, v9  }
0x113: {  	s23 =	simm.s32 $0x20;
	s24 =	simm.s32 $0x12E0;
	v7 =	vor.u32 v10, v7;
	v9 =	vld [tilespmem:s22+$0x5A0];
	v13 =	vtrunc.f32 v17;
	v10 =	vand.u32 $0xFFFFFFF8, v6  }
.LBB2_10:
0x114: {  	p0 =	sne.s32 s23, $0xE0;
	v6 =	vand.u32 $0x7, v6;
	v13 =	vcvt.f32.s32 v13;
	[tilespmem:v5+s1+$0x0] =	vst.idx.add.s32.msk $0xffff, v2;
	v5 =	vcvt.f32.s32 v8;
	s25 =	smov.u32 s23;
	s23 =	sadd.s32 $0x10, s23  }
0x115: {  	v12 =	vtrunc.f32 v12;
	v8 =	vld [tilespmem:s22+$0xF0];
	v15 =	vand.u32 $0xFFFFFFF8, v14;
	v14 =	vand.u32 $0x7, v14  }
0x116: {  	v12 =	vcvt.f32.s32 v12;
	v16 =	vld [tilespmem:s24+$0x780];
	v15 =	vadd.s32 v3, v15;
	v17 =	vand.u32 $0xFFFFFFF8, v5  }
0x117: {  	v10 =	vadd.s32 v4, v10;
	v5 =	vand.u32 $0x7, v5;
	v14 =	vor.u32 v14, v15;
	[tilespmem:v11+s1+$0x0] =	vst.idx.add.s32.msk $0xffff, v2  }
0x118: {  	v11 =	vand.u32 $0xFFFFFFF8, v12;
	v15 =	vadd.s32 v3, v17;
	v3 =	vmovc v4;
	v9 =	vmul.f32 $2.550000000e+02, v9;
	[tilespmem:v7+s1+$0x0] =	vst.idx.add.s32.msk $0xffff, v2  }
0x119: {  	v6 =	vor.u32 v6, v10;
	v4 =	vadd.s32 v3, v11;
	v5 =	vor.u32 v5, v15  }
0x11a: {  	v10 =	vand.u32 $0x7, v12;
	v7 =	vmov s25;
	v11 =	vand.u32 $0xFFFFFFF8, v13;
	v12 =	vld [tilespmem:s22+$0x690]  }
0x11b: {  	v7 =	vmul.u32 $0xCCD, v7;
	v10 =	vor.u32 v10, v4;
	v4 =	vadd.s32 v3, v11;
	v11 =	vld [tilespmem:s22+$0x870]  }
0x11c: {  	v13 =	vand.u32 $0x7, v13;
	v8 =	vmul.f32 $2.550000000e+02, v8;
	v9 =	vtrunc.f32 v9;
	[tilespmem:v14+s1+$0x0] =	vst.idx.add.s32.msk $0xffff, v2  }
0x11d: {  	v4 =	vor.u32 v13, v4;
	v9 =	vcvt.f32.s32 v9;
	v14 =	vmul.f32 $2.550000000e+02, v16;
	v15 =	vld [tilespmem:s22+$0x0]  }
0x11e: {  	v7 =	vbroadcast v7, $0x0;
	v8 =	vtrunc.f32 v8;
	[tilespmem:v5+s1+$0x0] =	vst.idx.add.s32.msk $0xffff, v2  }
0x11f: {  	v8 =	vcvt.f32.s32 v8;
	v5 =	vtrunc.f32 v14;
	v14 =	vand.u32 $0xFFFFFFF8, v9;
	v13 =	vld [tilespmem:s22+$0x2D0];
	s22 =	smov.u32 s24  }
0x120: {  	v7 =	vadd.s32 v1, v7;
	v5 =	vcvt.f32.s32 v5;
	[tilespmem:v6+s1+$0x0] =	vst.idx.add.s32.msk $0xffff, v2;
	v6 =	vmul.f32 $2.550000000e+02, v12  }
0x121: {  	v7 =	vshrl.u32 v7, $0x8;
	v9 =	vand.u32 $0x7, v9;
	v11 =	vmul.f32 $2.550000000e+02, v11;
	v12 =	vld [tilespmem:s24+$0x3C0]  }
0x122: {  	v7 =	vand.u32 $0xFFFF00, v7;
	v14 =	vadd.s32 v3, v14;
	v16 =	vand.u32 $0xFFFFFFF8, v5;
	[tilespmem:v4+s1+$0x0] =	vst.idx.add.s32.msk $0xffff, v2  }
0x123: {  	v5 =	vand.u32 $0x7, v5;
	v4 =	vadd.s32 $0x1800, v7;
	v11 =	vtrunc.f32 v11;
	v7 =	vld [tilespmem:s24+$0x4B0]  }
0x124: {  	v17 =	vand.u32 $0xFFFFFFF8, v8;
	v8 =	vand.u32 $0x7, v8;
	v16 =	vadd.s32 v4, v16;
	[tilespmem:v10+s1+$0x0] =	vst.idx.add.s32.msk $0xffff, v2  }
0x125: {  	v6 =	vtrunc.f32 v6;
	v10 =	vmul.f32 $2.550000000e+02, v15;
	v15 =	vadd.s32 v3, v17  }
0x126: {  	v15 =	vor.u32 v8, v15;
	v8 =	vmul.f32 $2.550000000e+02, v13;
	v13 =	vcvt.f32.s32 v6  }
0x127: {  	v9 =	vor.u32 v9, v14;
	v11 =	vcvt.f32.s32 v11;
	v6 =	vmul.f32 $2.550000000e+02, v12;
	v17 =	vld [tilespmem:s24+$0x1E0]  }
0x128: {  	v5 =	vor.u32 v5, v16;
	v14 =	vtrunc.f32 v10;
	v8 =	vtrunc.f32 v8  }
.Ltmp4:
0x129: {  	v16 =	vand.u32 $0x7, v11;
	v10 =	vand.u32 $0xFFFFFFF8, v13;
	v6 =	vtrunc.f32 v6;
	(pc) =	sbr.rel @p0 .LBB2_10-.Ltmp4, $4  }
0x12a: {  	v11 =	vand.u32 $0xFFFFFFF8, v11;
	v10 =	vadd.s32 v3, v10;
	v6 =	vcvt.f32.s32 v6  }
0x12b: {  	v18 =	vmul.f32 $2.550000000e+02, v7;
	v7 =	vand.u32 $0x7, v13;
	v13 =	vadd.s32 v3, v11;
	[tilespmem:v15+s1+$0x0] =	vst.idx.add.s32.msk $0xffff, v2  }
0x12c: {  	v11 =	vor.u32 v7, v10;
	v7 =	vor.u32 v16, v13;
	v12 =	vmul.f32 $2.550000000e+02, v17;
	[tilespmem:v9+s1+$0x0] =	vst.idx.add.s32.msk $0xffff, v2  }
0x12d: {  	s24 =	sadd.s32 $0x10, s24;
	v14 =	vcvt.f32.s32 v14;
	v13 =	vtrunc.f32 v18;
	v10 =	vand.u32 $0xFFFFFFF8, v6;
	v9 =	vld [tilespmem:s22+$0x5A0]  }
0x12e: {  	_ =	sdelay $0x2  }
0x12f: {  	v16 =	vld [tilespmem:s22+$0xF0]  }
0x130: {  	v8 =	vcvt.f32.s32 v8;
	[tilespmem:v11+s1+$0x0] =	vst.idx.add.s32.msk $0xffff, v2;
	v15 =	vand.u32 $0xFFFFFFF8, v14  }
0x131: {  	[tilespmem:v7+s1+$0x0] =	vst.idx.add.s32.msk $0xffff, v2;
	v14 =	vand.u32 $0x7, v14;
	v15 =	vadd.s32 v3, v15  }
0x132: {  	v11 =	vtrunc.f32 v12;
	v12 =	vld [tilespmem:s22+$0x870];
	v17 =	vand.u32 $0xFFFFFFF8, v8;
	v14 =	vor.u32 v14, v15  }
0x133: {  	v6 =	vand.u32 $0x7, v6;
	v8 =	vand.u32 $0x7, v8;
	v3 =	vadd.s32 v3, v17  }
0x134: {  	v10 =	vadd.s32 v4, v10;
	v7 =	vcvt.f32.s32 v11;
	v3 =	vor.u32 v8, v3  }
0x135: {  	v11 =	vcvt.f32.s32 v13;
	v6 =	vor.u32 v6, v10;
	v8 =	vld [tilespmem:s22+$0x690];
	v9 =	vmul.f32 $2.550000000e+02, v9  }
0x136: {  	v13 =	vand.u32 $0xFFFFFFF8, v7;
	v7 =	vand.u32 $0x7, v7;
	v15 =	vmul.f32 $2.550000000e+02, v16  }
0x137: {  	v13 =	vadd.s32 v4, v13;
	v9 =	vtrunc.f32 v9;
	v12 =	vmul.f32 $2.550000000e+02, v12;
	[tilespmem:v14+s1+$0x0] =	vst.idx.add.s32.msk $0xffff, v2  }
0x138: {  	v7 =	vor.u32 v7, v13;
	v9 =	vcvt.f32.s32 v9;
	v14 =	vand.u32 $0xFFFFFFF8, v11;
	v10 =	vld [tilespmem:s22+$0x0]  }
0x139: {  	v11 =	vand.u32 $0x7, v11;
	v12 =	vtrunc.f32 v12;
	[tilespmem:v3+s1+$0x0] =	vst.idx.add.s32.msk $0xffff, v2;
	v3 =	vadd.s32 v4, v14  }
0x13a: {  	v8 =	vmul.f32 $2.550000000e+02, v8;
	v14 =	vld [tilespmem:s22+$0x2D0];
	v3 =	vor.u32 v11, v3;
	v11 =	vtrunc.f32 v15  }
0x13b: {  	v13 =	vand.u32 $0xFFFFFFF8, v9;
	v9 =	vand.u32 $0x7, v9;
	v11 =	vcvt.f32.s32 v11  }
0x13c: {  	v12 =	vcvt.f32.s32 v12;
	v13 =	vadd.s32 v4, v13;
	v8 =	vtrunc.f32 v8  }
0x13d: {  	v9 =	vor.u32 v9, v13;
	v8 =	vcvt.f32.s32 v8;
	v15 =	vand.u32 $0xFFFFFFF8, v11  }
0x13e: {  	v11 =	vand.u32 $0x7, v11;
	v10 =	vmul.f32 $2.550000000e+02, v10;
	v15 =	vadd.s32 v4, v15  }
0x13f: {  	[tilespmem:v5+s1+$0x0] =	vst.idx.add.s32.msk $0xffff, v2;
	v5 =	vand.u32 $0x7, v8;
	v14 =	vmul.f32 $2.550000000e+02, v14;
	v11 =	vor.u32 v11, v15  }
0x140: {  	v15 =	vand.u32 $0x7, v12;
	v12 =	vand.u32 $0xFFFFFFF8, v12;
	v10 =	vtrunc.f32 v10  }
0x141: {  	v13 =	vtrunc.f32 v14;
	v14 =	vand.u32 $0xFFFFFFF8, v8;
	v10 =	vcvt.f32.s32 v10  }
0x142: {  	v8 =	vadd.s32 v4, v12;
	v14 =	vadd.s32 v4, v14;
	v12 =	vcvt.f32.s32 v13  }
0x143: {  	[tilespmem:v6+s1+$0x0] =	vst.idx.add.s32.msk $0xffff, v2;
	v6 =	vor.u32 v15, v8;
	v5 =	vor.u32 v5, v14;
	v8 =	vand.u32 $0xFFFFFFF8, v10  }
0x144: {  	[tilespmem:v3+s1+$0x0] =	vst.idx.add.s32.msk $0xffff, v2;
	v3 =	vand.u32 $0x7, v10;
	v8 =	vadd.s32 v4, v8;
	v10 =	vand.u32 $0xFFFFFFF8, v12  }
0x145: {  	[tilespmem:v7+s1+$0x0] =	vst.idx.add.s32.msk $0xffff, v2;
	v7 =	vand.u32 $0x7, v12;
	v3 =	vor.u32 v3, v8;
	v4 =	vadd.s32 v4, v10  }
0x146: {  	[tilespmem:v9+s1+$0x0] =	vst.idx.add.s32.msk $0xffff, v2;
	v4 =	vor.u32 v7, v4  }
0x147: {  	[tilespmem:v11+s1+$0x0] =	vst.idx.add.s32.msk $0xffff, v2  }
0x148: {  	[tilespmem:v6+s1+$0x0] =	vst.idx.add.s32.msk $0xffff, v2  }
0x149: {  	[tilespmem:v5+s1+$0x0] =	vst.idx.add.s32.msk $0xffff, v2  }
0x14a: {  	[tilespmem:v3+s1+$0x0] =	vst.idx.add.s32.msk $0xffff, v2  }
0x14b: {  	s24 =	simm.s32 $0x0;
	s23 =	simm.s32 $0x6C60;
	[tilespmem:v4+s1+$0x0] =	vst.idx.add.s32.msk $0xffff, v2  }
0x14c: {  	[hbm4b:s14+s24] =	stream.linear.scatter [tilespmem:s23], [sflag:$0x2], $0xC00, $0x38;
	[tilespmem:$0xC060] =	vst v63  }
0x14d: {  	_ =	swait.ge [sflag:s31], $0x960  }
0x14e: {  	[sflag:s31] =	ssyncset.done $0x0  }
0x14f: {  	s25 =	simm.s32 $0x1C20;
	[sflag:s31] =	ssyncadd.s32 $0xFFFFF6A0  }
0x150: {  	v3 =	vld [tilespmem:s25+$0x780];
	_ =	sdelay $0x1  }
0x151: {  	v4 =	vmov s24  }
0x152: {  	v4 =	vmul.u32 $0xCCD, v4;
	_ =	sdelay $0x1  }
0x153: {  	v4 =	vbroadcast v4, $0x0;
	v5 =	vld [tilespmem:s25+$0x3C0];
	v3 =	vmul.f32 $2.550000000e+02, v3  }
0x154: {  	v8 =	vld [tilespmem:s25+$0x4B0]  }
0x155: {  	v4 =	vadd.s32 v1, v4;
	v9 =	vld [tilespmem:s25+$0xF0];
	v3 =	vtrunc.f32 v3  }
0x156: {  	v6 =	vcvt.f32.s32 v3;
	v3 =	vshrl.u32 v4, $0x8;
	v4 =	vld [tilespmem:s25+$0x1E0]  }
0x157: {  	v3 =	vand.u32 $0xFFFF00, v3  }
0x158: {  	v7 =	vand.u32 $0xFFFFFFF8, v6;
	v3 =	vadd.s32 $0x2400, v3  }
0x159: {  	v13 =	vld [tilespmem:s25+$0x690];
	v8 =	vmul.f32 $2.550000000e+02, v8;
	v6 =	vand.u32 $0x7, v6;
	v7 =	vadd.s32 v3, v7  }
0x15a: {  	v5 =	vmul.f32 $2.550000000e+02, v5;
	v9 =	vmul.f32 $2.550000000e+02, v9;
	v6 =	vor.u32 v6, v7  }
0x15b: {  	v8 =	vtrunc.f32 v8;
	v7 =	vld [tilespmem:s25+$0x5A0];
	v4 =	vmul.f32 $2.550000000e+02, v4  }
0x15c: {  	v5 =	vtrunc.f32 v5;
	v8 =	vcvt.f32.s32 v8  }
0x15d: {  	v5 =	vcvt.f32.s32 v5;
	v4 =	vtrunc.f32 v4  }
0x15e: {  	v13 =	vmul.f32 $2.550000000e+02, v13;
	v12 =	vand.u32 $0xFFFFFFF8, v8;
	v4 =	vcvt.f32.s32 v4  }
0x15f: {  	s22 =	simm.s32 $0x1C30;
	v8 =	vand.u32 $0x7, v8;
	[tilespmem:v6+s1+$0x0] =	vst.idx.add.s32.msk $0xffff, v2;
	v6 =	vand.u32 $0xFFFFFFF8, v5;
	v5 =	vand.u32 $0x7, v5  }
0x160: {  	s24 =	simm.s32 $0x10;
	v7 =	vmul.f32 $2.550000000e+02, v7;
	v10 =	vld [tilespmem:s22+$0x780];
	v11 =	vand.u32 $0xFFFFFFF8, v4;
	v6 =	vadd.s32 v3, v6  }
0x161: {  	v4 =	vand.u32 $0x7, v4;
	v5 =	vor.u32 v5, v6;
	v6 =	vmov s24  }
0x162: {  	v11 =	vadd.s32 v3, v11;
	v7 =	vtrunc.f32 v7;
	v6 =	vmul.u32 $0xCCD, v6  }
0x163: {  	v11 =	vor.u32 v4, v11;
	v4 =	vadd.s32 v3, v12;
	v12 =	vld [tilespmem:s25+$0x870];
	v7 =	vcvt.f32.s32 v7  }
0x164: {  	v13 =	vtrunc.f32 v13;
	v8 =	vor.u32 v8, v4;
	v4 =	vbroadcast v6, $0x0  }
0x165: {  	v15 =	vld [tilespmem:s25+$0x2D0];
	v6 =	vtrunc.f32 v9;
	v14 =	vand.u32 $0xFFFFFFF8, v7;
	v10 =	vmul.f32 $2.550000000e+02, v10  }
0x166: {  	v13 =	vcvt.f32.s32 v13;
	v9 =	vld [tilespmem:s25+$0x0];
	v6 =	vcvt.f32.s32 v6;
	v14 =	vadd.s32 v3, v14  }
0x167: {  	v4 =	vadd.s32 v1, v4;
	[tilespmem:v5+s1+$0x0] =	vst.idx.add.s32.msk $0xffff, v2;
	v5 =	vand.u32 $0x7, v7;
	v10 =	vtrunc.f32 v10  }
0x168: {  	v4 =	vshrl.u32 v4, $0x8;
	v7 =	vmul.f32 $2.550000000e+02, v12;
	v61 =	vand.u32 $0xFFFFFFF8, v6  }
0x169: {  	v12 =	vld [tilespmem:s22+$0x3C0];
	v6 =	vand.u32 $0x7, v6;
	v14 =	vor.u32 v5, v14;
	v4 =	vand.u32 $0xFFFF00, v4  }
0x16a: {  	[tilespmem:v11+s1+$0x0] =	vst.idx.add.s32.msk $0xffff, v2;
	v10 =	vcvt.f32.s32 v10;
	v16 =	vadd.s32 v3, v61;
	v4 =	vadd.s32 $0x2400, v4  }
0x16b: {  	[tilespmem:v8+s1+$0x0] =	vst.idx.add.s32.msk $0xffff, v2;
	v7 =	vtrunc.f32 v7;
	v9 =	vmul.f32 $2.550000000e+02, v9;
	v11 =	vor.u32 v6, v16  }
0x16c: {  	v62 =	vld [tilespmem:s22+$0x4B0];
	v6 =	vmul.f32 $2.550000000e+02, v15;
	v60 =	vand.u32 $0xFFFFFFF8, v10;
	v10 =	vand.u32 $0x7, v10  }
0x16d: {  	v15 =	vld [tilespmem:s22+$0x1E0];
	v7 =	vcvt.f32.s32 v7;
	v8 =	vadd.s32 v4, v60;
	v63 =	vtrunc.f32 v9  }
0x16e: {  	v9 =	vand.u32 $0xFFFFFFF8, v13;
	v12 =	vmul.f32 $2.550000000e+02, v12;
	v5 =	vor.u32 v10, v8  }
0x16f: {  	v8 =	vtrunc.f32 v6;
	v10 =	vand.u32 $0x7, v7;
	v9 =	vadd.s32 v3, v9  }
0x170: {  	v7 =	vand.u32 $0xFFFFFFF8, v7;
	[tilespmem:v14+s1+$0x0] =	vst.idx.add.s32.msk $0xffff, v2;
	v14 =	vcvt.f32.s32 v63;
	v6 =	vtrunc.f32 v12  }
0x171: {  	v17 =	vmul.f32 $2.550000000e+02, v62;
	[tilespmem:v11+s1+$0x0] =	vst.idx.add.s32.msk $0xffff, v2;
	v11 =	vand.u32 $0x7, v13;
	v6 =	vcvt.f32.s32 v6  }
0x172: {  	v7 =	vadd.s32 v3, v7;
	v12 =	vmul.f32 $2.550000000e+02, v15;
	v11 =	vor.u32 v11, v9  }
0x173: {  	s23 =	simm.s32 $0x20;
	s24 =	simm.s32 $0x1C40;
	v7 =	vor.u32 v10, v7;
	v9 =	vld [tilespmem:s22+$0x5A0];
	v13 =	vtrunc.f32 v17;
	v10 =	vand.u32 $0xFFFFFFF8, v6  }
.LBB2_12:
0x174: {  	p0 =	sne.s32 s23, $0xE0;
	v6 =	vand.u32 $0x7, v6;
	v13 =	vcvt.f32.s32 v13;
	[tilespmem:v5+s1+$0x0] =	vst.idx.add.s32.msk $0xffff, v2;
	v5 =	vcvt.f32.s32 v8;
	s25 =	smov.u32 s23;
	s23 =	sadd.s32 $0x10, s23  }
0x175: {  	v12 =	vtrunc.f32 v12;
	v8 =	vld [tilespmem:s22+$0xF0];
	v15 =	vand.u32 $0xFFFFFFF8, v14;
	v14 =	vand.u32 $0x7, v14  }
0x176: {  	v12 =	vcvt.f32.s32 v12;
	v16 =	vld [tilespmem:s24+$0x780];
	v15 =	vadd.s32 v3, v15;
	v17 =	vand.u32 $0xFFFFFFF8, v5  }
0x177: {  	v10 =	vadd.s32 v4, v10;
	v5 =	vand.u32 $0x7, v5;
	v14 =	vor.u32 v14, v15;
	[tilespmem:v11+s1+$0x0] =	vst.idx.add.s32.msk $0xffff, v2  }
0x178: {  	v11 =	vand.u32 $0xFFFFFFF8, v12;
	v15 =	vadd.s32 v3, v17;
	v3 =	vmovc v4;
	v9 =	vmul.f32 $2.550000000e+02, v9;
	[tilespmem:v7+s1+$0x0] =	vst.idx.add.s32.msk $0xffff, v2  }
0x179: {  	v6 =	vor.u32 v6, v10;
	v4 =	vadd.s32 v3, v11;
	v5 =	vor.u32 v5, v15  }
0x17a: {  	v10 =	vand.u32 $0x7, v12;
	v7 =	vmov s25;
	v11 =	vand.u32 $0xFFFFFFF8, v13;
	v12 =	vld [tilespmem:s22+$0x690]  }
0x17b: {  	v7 =	vmul.u32 $0xCCD, v7;
	v10 =	vor.u32 v10, v4;
	v4 =	vadd.s32 v3, v11;
	v11 =	vld [tilespmem:s22+$0x870]  }
0x17c: {  	v13 =	vand.u32 $0x7, v13;
	v8 =	vmul.f32 $2.550000000e+02, v8;
	v9 =	vtrunc.f32 v9;
	[tilespmem:v14+s1+$0x0] =	vst.idx.add.s32.msk $0xffff, v2  }
0x17d: {  	v4 =	vor.u32 v13, v4;
	v9 =	vcvt.f32.s32 v9;
	v14 =	vmul.f32 $2.550000000e+02, v16;
	v15 =	vld [tilespmem:s22+$0x0]  }
0x17e: {  	v7 =	vbroadcast v7, $0x0;
	v8 =	vtrunc.f32 v8;
	[tilespmem:v5+s1+$0x0] =	vst.idx.add.s32.msk $0xffff, v2  }
0x17f: {  	v8 =	vcvt.f32.s32 v8;
	v5 =	vtrunc.f32 v14;
	v14 =	vand.u32 $0xFFFFFFF8, v9;
	v13 =	vld [tilespmem:s22+$0x2D0];
	s22 =	smov.u32 s24  }
0x180: {  	v7 =	vadd.s32 v1, v7;
	v5 =	vcvt.f32.s32 v5;
	[tilespmem:v6+s1+$0x0] =	vst.idx.add.s32.msk $0xffff, v2;
	v6 =	vmul.f32 $2.550000000e+02, v12  }
0x181: {  	v7 =	vshrl.u32 v7, $0x8;
	v9 =	vand.u32 $0x7, v9;
	v11 =	vmul.f32 $2.550000000e+02, v11;
	v12 =	vld [tilespmem:s24+$0x3C0]  }
0x182: {  	v7 =	vand.u32 $0xFFFF00, v7;
	v14 =	vadd.s32 v3, v14;
	v16 =	vand.u32 $0xFFFFFFF8, v5;
	[tilespmem:v4+s1+$0x0] =	vst.idx.add.s32.msk $0xffff, v2  }
0x183: {  	v5 =	vand.u32 $0x7, v5;
	v4 =	vadd.s32 $0x2400, v7;
	v11 =	vtrunc.f32 v11;
	v7 =	vld [tilespmem:s24+$0x4B0]  }
0x184: {  	v17 =	vand.u32 $0xFFFFFFF8, v8;
	v8 =	vand.u32 $0x7, v8;
	v16 =	vadd.s32 v4, v16;
	[tilespmem:v10+s1+$0x0] =	vst.idx.add.s32.msk $0xffff, v2  }
0x185: {  	v6 =	vtrunc.f32 v6;
	v10 =	vmul.f32 $2.550000000e+02, v15;
	v15 =	vadd.s32 v3, v17  }
0x186: {  	v15 =	vor.u32 v8, v15;
	v8 =	vmul.f32 $2.550000000e+02, v13;
	v13 =	vcvt.f32.s32 v6  }
0x187: {  	v9 =	vor.u32 v9, v14;
	v11 =	vcvt.f32.s32 v11;
	v6 =	vmul.f32 $2.550000000e+02, v12;
	v17 =	vld [tilespmem:s24+$0x1E0]  }
0x188: {  	v5 =	vor.u32 v5, v16;
	v14 =	vtrunc.f32 v10;
	v8 =	vtrunc.f32 v8  }
.Ltmp5:
0x189: {  	v16 =	vand.u32 $0x7, v11;
	v10 =	vand.u32 $0xFFFFFFF8, v13;
	v6 =	vtrunc.f32 v6;
	(pc) =	sbr.rel @p0 .LBB2_12-.Ltmp5, $4  }
0x18a: {  	v11 =	vand.u32 $0xFFFFFFF8, v11;
	v10 =	vadd.s32 v3, v10;
	v6 =	vcvt.f32.s32 v6  }
0x18b: {  	v18 =	vmul.f32 $2.550000000e+02, v7;
	v7 =	vand.u32 $0x7, v13;
	v13 =	vadd.s32 v3, v11;
	[tilespmem:v15+s1+$0x0] =	vst.idx.add.s32.msk $0xffff, v2  }
0x18c: {  	v11 =	vor.u32 v7, v10;
	v7 =	vor.u32 v16, v13;
	v12 =	vmul.f32 $2.550000000e+02, v17;
	[tilespmem:v9+s1+$0x0] =	vst.idx.add.s32.msk $0xffff, v2  }
0x18d: {  	s24 =	sadd.s32 $0x10, s24;
	v14 =	vcvt.f32.s32 v14;
	v13 =	vtrunc.f32 v18;
	v10 =	vand.u32 $0xFFFFFFF8, v6;
	v9 =	vld [tilespmem:s22+$0x5A0]  }
0x18e: {  	_ =	sdelay $0x2  }
0x18f: {  	v16 =	vld [tilespmem:s22+$0xF0]  }
0x190: {  	v8 =	vcvt.f32.s32 v8;
	[tilespmem:v11+s1+$0x0] =	vst.idx.add.s32.msk $0xffff, v2;
	v15 =	vand.u32 $0xFFFFFFF8, v14  }
0x191: {  	[tilespmem:v7+s1+$0x0] =	vst.idx.add.s32.msk $0xffff, v2;
	v14 =	vand.u32 $0x7, v14;
	v15 =	vadd.s32 v3, v15  }
0x192: {  	v11 =	vtrunc.f32 v12;
	v12 =	vld [tilespmem:s22+$0x870];
	v17 =	vand.u32 $0xFFFFFFF8, v8;
	v14 =	vor.u32 v14, v15  }
0x193: {  	v6 =	vand.u32 $0x7, v6;
	v8 =	vand.u32 $0x7, v8;
	v3 =	vadd.s32 v3, v17  }
0x194: {  	v10 =	vadd.s32 v4, v10;
	v7 =	vcvt.f32.s32 v11;
	v3 =	vor.u32 v8, v3  }
0x195: {  	v11 =	vcvt.f32.s32 v13;
	v6 =	vor.u32 v6, v10;
	v8 =	vld [tilespmem:s22+$0x690];
	v9 =	vmul.f32 $2.550000000e+02, v9  }
0x196: {  	v13 =	vand.u32 $0xFFFFFFF8, v7;
	v7 =	vand.u32 $0x7, v7;
	v15 =	vmul.f32 $2.550000000e+02, v16  }
0x197: {  	v13 =	vadd.s32 v4, v13;
	v9 =	vtrunc.f32 v9;
	v12 =	vmul.f32 $2.550000000e+02, v12;
	[tilespmem:v14+s1+$0x0] =	vst.idx.add.s32.msk $0xffff, v2  }
0x198: {  	v7 =	vor.u32 v7, v13;
	v9 =	vcvt.f32.s32 v9;
	v14 =	vand.u32 $0xFFFFFFF8, v11;
	v10 =	vld [tilespmem:s22+$0x0]  }
0x199: {  	v11 =	vand.u32 $0x7, v11;
	v12 =	vtrunc.f32 v12;
	[tilespmem:v3+s1+$0x0] =	vst.idx.add.s32.msk $0xffff, v2;
	v3 =	vadd.s32 v4, v14  }
0x19a: {  	v8 =	vmul.f32 $2.550000000e+02, v8;
	v14 =	vld [tilespmem:s22+$0x2D0];
	v3 =	vor.u32 v11, v3;
	v11 =	vtrunc.f32 v15  }
0x19b: {  	v13 =	vand.u32 $0xFFFFFFF8, v9;
	v9 =	vand.u32 $0x7, v9;
	v11 =	vcvt.f32.s32 v11  }
0x19c: {  	v12 =	vcvt.f32.s32 v12;
	v13 =	vadd.s32 v4, v13;
	v8 =	vtrunc.f32 v8  }
0x19d: {  	v9 =	vor.u32 v9, v13;
	v8 =	vcvt.f32.s32 v8;
	v15 =	vand.u32 $0xFFFFFFF8, v11  }
0x19e: {  	v11 =	vand.u32 $0x7, v11;
	v10 =	vmul.f32 $2.550000000e+02, v10;
	v15 =	vadd.s32 v4, v15  }
0x19f: {  	[tilespmem:v5+s1+$0x0] =	vst.idx.add.s32.msk $0xffff, v2;
	v5 =	vand.u32 $0x7, v8;
	v14 =	vmul.f32 $2.550000000e+02, v14;
	v11 =	vor.u32 v11, v15  }
0x1a0: {  	v15 =	vand.u32 $0x7, v12;
	v12 =	vand.u32 $0xFFFFFFF8, v12;
	v10 =	vtrunc.f32 v10  }
0x1a1: {  	v13 =	vtrunc.f32 v14;
	v14 =	vand.u32 $0xFFFFFFF8, v8;
	v10 =	vcvt.f32.s32 v10  }
0x1a2: {  	v8 =	vadd.s32 v4, v12;
	v14 =	vadd.s32 v4, v14;
	v12 =	vcvt.f32.s32 v13  }
0x1a3: {  	[tilespmem:v6+s1+$0x0] =	vst.idx.add.s32.msk $0xffff, v2;
	v6 =	vor.u32 v15, v8;
	v5 =	vor.u32 v5, v14;
	v8 =	vand.u32 $0xFFFFFFF8, v10  }
0x1a4: {  	[tilespmem:v3+s1+$0x0] =	vst.idx.add.s32.msk $0xffff, v2;
	v3 =	vand.u32 $0x7, v10;
	v8 =	vadd.s32 v4, v8;
	v10 =	vand.u32 $0xFFFFFFF8, v12  }
0x1a5: {  	[tilespmem:v7+s1+$0x0] =	vst.idx.add.s32.msk $0xffff, v2;
	v7 =	vand.u32 $0x7, v12;
	v3 =	vor.u32 v3, v8;
	v4 =	vadd.s32 v4, v10  }
0x1a6: {  	[tilespmem:v9+s1+$0x0] =	vst.idx.add.s32.msk $0xffff, v2;
	v4 =	vor.u32 v7, v4  }
0x1a7: {  	[tilespmem:v11+s1+$0x0] =	vst.idx.add.s32.msk $0xffff, v2  }
0x1a8: {  	[tilespmem:v6+s1+$0x0] =	vst.idx.add.s32.msk $0xffff, v2  }
0x1a9: {  	[tilespmem:v5+s1+$0x0] =	vst.idx.add.s32.msk $0xffff, v2  }
0x1aa: {  	[tilespmem:v3+s1+$0x0] =	vst.idx.add.s32.msk $0xffff, v2  }
0x1ab: {  	s24 =	simm.s32 $0x0;
	s23 =	simm.s32 $0x7860;
	[tilespmem:v4+s1+$0x0] =	vst.idx.add.s32.msk $0xffff, v2  }
0x1ac: {  	[hbm4b:s15+s24] =	stream.linear.scatter [tilespmem:s23], [sflag:$0x2], $0xC00, $0x38;
	[tilespmem:$0xC060] =	vst v63  }
0x1ad: {  	_ =	swait.ge [sflag:s31], $0x960  }
0x1ae: {  	[sflag:s31] =	ssyncset.done $0x0  }
0x1af: {  	s25 =	simm.s32 $0x2580;
	[sflag:s31] =	ssyncadd.s32 $0xFFFFF6A0  }
0x1b0: {  	v3 =	vld [tilespmem:s25+$0x780];
	_ =	sdelay $0x1  }
0x1b1: {  	v4 =	vmov s24  }
0x1b2: {  	v4 =	vmul.u32 $0xCCD, v4;
	_ =	sdelay $0x1  }
0x1b3: {  	v4 =	vbroadcast v4, $0x0;
	v5 =	vld [tilespmem:s25+$0x3C0];
	v3 =	vmul.f32 $2.550000000e+02, v3  }
0x1b4: {  	v8 =	vld [tilespmem:s25+$0x4B0]  }
0x1b5: {  	v4 =	vadd.s32 v1, v4;
	v9 =	vld [tilespmem:s25+$0xF0];
	v3 =	vtrunc.f32 v3  }
0x1b6: {  	v6 =	vcvt.f32.s32 v3;
	v3 =	vshrl.u32 v4, $0x8;
	v4 =	vld [tilespmem:s25+$0x1E0]  }
0x1b7: {  	v3 =	vand.u32 $0xFFFF00, v3  }
0x1b8: {  	v7 =	vand.u32 $0xFFFFFFF8, v6;
	v3 =	vadd.s32 $0x3000, v3  }
0x1b9: {  	v13 =	vld [tilespmem:s25+$0x690];
	v8 =	vmul.f32 $2.550000000e+02, v8;
	v6 =	vand.u32 $0x7, v6;
	v7 =	vadd.s32 v3, v7  }
0x1ba: {  	v5 =	vmul.f32 $2.550000000e+02, v5;
	v9 =	vmul.f32 $2.550000000e+02, v9;
	v6 =	vor.u32 v6, v7  }
0x1bb: {  	v8 =	vtrunc.f32 v8;
	v7 =	vld [tilespmem:s25+$0x5A0];
	v4 =	vmul.f32 $2.550000000e+02, v4  }
0x1bc: {  	v5 =	vtrunc.f32 v5;
	v8 =	vcvt.f32.s32 v8  }
0x1bd: {  	v5 =	vcvt.f32.s32 v5;
	v4 =	vtrunc.f32 v4  }
0x1be: {  	v13 =	vmul.f32 $2.550000000e+02, v13;
	v12 =	vand.u32 $0xFFFFFFF8, v8;
	v4 =	vcvt.f32.s32 v4  }
0x1bf: {  	s22 =	simm.s32 $0x2590;
	v8 =	vand.u32 $0x7, v8;
	[tilespmem:v6+s1+$0x0] =	vst.idx.add.s32.msk $0xffff, v2;
	v6 =	vand.u32 $0xFFFFFFF8, v5;
	v5 =	vand.u32 $0x7, v5  }
0x1c0: {  	s24 =	simm.s32 $0x10;
	v7 =	vmul.f32 $2.550000000e+02, v7;
	v10 =	vld [tilespmem:s22+$0x780];
	v11 =	vand.u32 $0xFFFFFFF8, v4;
	v6 =	vadd.s32 v3, v6  }
0x1c1: {  	v4 =	vand.u32 $0x7, v4;
	v5 =	vor.u32 v5, v6;
	v6 =	vmov s24  }
0x1c2: {  	v11 =	vadd.s32 v3, v11;
	v7 =	vtrunc.f32 v7;
	v6 =	vmul.u32 $0xCCD, v6  }
0x1c3: {  	v11 =	vor.u32 v4, v11;
	v4 =	vadd.s32 v3, v12;
	v12 =	vld [tilespmem:s25+$0x870];
	v7 =	vcvt.f32.s32 v7  }
0x1c4: {  	v13 =	vtrunc.f32 v13;
	v8 =	vor.u32 v8, v4;
	v4 =	vbroadcast v6, $0x0  }
0x1c5: {  	v15 =	vld [tilespmem:s25+$0x2D0];
	v6 =	vtrunc.f32 v9;
	v14 =	vand.u32 $0xFFFFFFF8, v7;
	v10 =	vmul.f32 $2.550000000e+02, v10  }
0x1c6: {  	v13 =	vcvt.f32.s32 v13;
	v9 =	vld [tilespmem:s25+$0x0];
	v6 =	vcvt.f32.s32 v6;
	v14 =	vadd.s32 v3, v14  }
0x1c7: {  	v4 =	vadd.s32 v1, v4;
	[tilespmem:v5+s1+$0x0] =	vst.idx.add.s32.msk $0xffff, v2;
	v5 =	vand.u32 $0x7, v7;
	v10 =	vtrunc.f32 v10  }
0x1c8: {  	v4 =	vshrl.u32 v4, $0x8;
	v7 =	vmul.f32 $2.550000000e+02, v12;
	v61 =	vand.u32 $0xFFFFFFF8, v6  }
0x1c9: {  	v12 =	vld [tilespmem:s22+$0x3C0];
	v6 =	vand.u32 $0x7, v6;
	v14 =	vor.u32 v5, v14;
	v4 =	vand.u32 $0xFFFF00, v4  }
0x1ca: {  	[tilespmem:v11+s1+$0x0] =	vst.idx.add.s32.msk $0xffff, v2;
	v10 =	vcvt.f32.s32 v10;
	v16 =	vadd.s32 v3, v61;
	v4 =	vadd.s32 $0x3000, v4  }
0x1cb: {  	[tilespmem:v8+s1+$0x0] =	vst.idx.add.s32.msk $0xffff, v2;
	v7 =	vtrunc.f32 v7;
	v9 =	vmul.f32 $2.550000000e+02, v9;
	v11 =	vor.u32 v6, v16  }
0x1cc: {  	v62 =	vld [tilespmem:s22+$0x4B0];
	v6 =	vmul.f32 $2.550000000e+02, v15;
	v60 =	vand.u32 $0xFFFFFFF8, v10;
	v10 =	vand.u32 $0x7, v10  }
0x1cd: {  	v15 =	vld [tilespmem:s22+$0x1E0];
	v7 =	vcvt.f32.s32 v7;
	v8 =	vadd.s32 v4, v60;
	v63 =	vtrunc.f32 v9  }
0x1ce: {  	v9 =	vand.u32 $0xFFFFFFF8, v13;
	v12 =	vmul.f32 $2.550000000e+02, v12;
	v5 =	vor.u32 v10, v8  }
0x1cf: {  	v8 =	vtrunc.f32 v6;
	v10 =	vand.u32 $0x7, v7;
	v9 =	vadd.s32 v3, v9  }
0x1d0: {  	v7 =	vand.u32 $0xFFFFFFF8, v7;
	[tilespmem:v14+s1+$0x0] =	vst.idx.add.s32.msk $0xffff, v2;
	v14 =	vcvt.f32.s32 v63;
	v6 =	vtrunc.f32 v12  }
0x1d1: {  	v17 =	vmul.f32 $2.550000000e+02, v62;
	[tilespmem:v11+s1+$0x0] =	vst.idx.add.s32.msk $0xffff, v2;
	v11 =	vand.u32 $0x7, v13;
	v6 =	vcvt.f32.s32 v6  }
0x1d2: {  	v7 =	vadd.s32 v3, v7;
	v12 =	vmul.f32 $2.550000000e+02, v15;
	v11 =	vor.u32 v11, v9  }
0x1d3: {  	s23 =	simm.s32 $0x20;
	s24 =	simm.s32 $0x25A0;
	v7 =	vor.u32 v10, v7;
	v9 =	vld [tilespmem:s22+$0x5A0];
	v13 =	vtrunc.f32 v17;
	v10 =	vand.u32 $0xFFFFFFF8, v6  }
.LBB2_14:
0x1d4: {  	p0 =	sne.s32 s23, $0xE0;
	v6 =	vand.u32 $0x7, v6;
	v13 =	vcvt.f32.s32 v13;
	[tilespmem:v5+s1+$0x0] =	vst.idx.add.s32.msk $0xffff, v2;
	v5 =	vcvt.f32.s32 v8;
	s25 =	smov.u32 s23;
	s23 =	sadd.s32 $0x10, s23  }
0x1d5: {  	v12 =	vtrunc.f32 v12;
	v8 =	vld [tilespmem:s22+$0xF0];
	v15 =	vand.u32 $0xFFFFFFF8, v14;
	v14 =	vand.u32 $0x7, v14  }
0x1d6: {  	v12 =	vcvt.f32.s32 v12;
	v16 =	vld [tilespmem:s24+$0x780];
	v15 =	vadd.s32 v3, v15;
	v17 =	vand.u32 $0xFFFFFFF8, v5  }
0x1d7: {  	v10 =	vadd.s32 v4, v10;
	v5 =	vand.u32 $0x7, v5;
	v14 =	vor.u32 v14, v15;
	[tilespmem:v11+s1+$0x0] =	vst.idx.add.s32.msk $0xffff, v2  }
0x1d8: {  	v11 =	vand.u32 $0xFFFFFFF8, v12;
	v15 =	vadd.s32 v3, v17;
	v3 =	vmovc v4;
	v9 =	vmul.f32 $2.550000000e+02, v9;
	[tilespmem:v7+s1+$0x0] =	vst.idx.add.s32.msk $0xffff, v2  }
0x1d9: {  	v6 =	vor.u32 v6, v10;
	v4 =	vadd.s32 v3, v11;
	v5 =	vor.u32 v5, v15  }
0x1da: {  	v10 =	vand.u32 $0x7, v12;
	v7 =	vmov s25;
	v11 =	vand.u32 $0xFFFFFFF8, v13;
	v12 =	vld [tilespmem:s22+$0x690]  }
0x1db: {  	v7 =	vmul.u32 $0xCCD, v7;
	v10 =	vor.u32 v10, v4;
	v4 =	vadd.s32 v3, v11;
	v11 =	vld [tilespmem:s22+$0x870]  }
0x1dc: {  	v13 =	vand.u32 $0x7, v13;
	v8 =	vmul.f32 $2.550000000e+02, v8;
	v9 =	vtrunc.f32 v9;
	[tilespmem:v14+s1+$0x0] =	vst.idx.add.s32.msk $0xffff, v2  }
0x1dd: {  	v4 =	vor.u32 v13, v4;
	v9 =	vcvt.f32.s32 v9;
	v14 =	vmul.f32 $2.550000000e+02, v16;
	v15 =	vld [tilespmem:s22+$0x0]  }
0x1de: {  	v7 =	vbroadcast v7, $0x0;
	v8 =	vtrunc.f32 v8;
	[tilespmem:v5+s1+$0x0] =	vst.idx.add.s32.msk $0xffff, v2  }
0x1df: {  	v8 =	vcvt.f32.s32 v8;
	v5 =	vtrunc.f32 v14;
	v14 =	vand.u32 $0xFFFFFFF8, v9;
	v13 =	vld [tilespmem:s22+$0x2D0];
	s22 =	smov.u32 s24  }
0x1e0: {  	v7 =	vadd.s32 v1, v7;
	v5 =	vcvt.f32.s32 v5;
	[tilespmem:v6+s1+$0x0] =	vst.idx.add.s32.msk $0xffff, v2;
	v6 =	vmul.f32 $2.550000000e+02, v12  }
0x1e1: {  	v7 =	vshrl.u32 v7, $0x8;
	v9 =	vand.u32 $0x7, v9;
	v11 =	vmul.f32 $2.550000000e+02, v11;
	v12 =	vld [tilespmem:s24+$0x3C0]  }
0x1e2: {  	v7 =	vand.u32 $0xFFFF00, v7;
	v14 =	vadd.s32 v3, v14;
	v16 =	vand.u32 $0xFFFFFFF8, v5;
	[tilespmem:v4+s1+$0x0] =	vst.idx.add.s32.msk $0xffff, v2  }
0x1e3: {  	v5 =	vand.u32 $0x7, v5;
	v4 =	vadd.s32 $0x3000, v7;
	v11 =	vtrunc.f32 v11;
	v7 =	vld [tilespmem:s24+$0x4B0]  }
0x1e4: {  	v17 =	vand.u32 $0xFFFFFFF8, v8;
	v8 =	vand.u32 $0x7, v8;
	v16 =	vadd.s32 v4, v16;
	[tilespmem:v10+s1+$0x0] =	vst.idx.add.s32.msk $0xffff, v2  }
0x1e5: {  	v6 =	vtrunc.f32 v6;
	v10 =	vmul.f32 $2.550000000e+02, v15;
	v15 =	vadd.s32 v3, v17  }
0x1e6: {  	v15 =	vor.u32 v8, v15;
	v8 =	vmul.f32 $2.550000000e+02, v13;
	v13 =	vcvt.f32.s32 v6  }
0x1e7: {  	v9 =	vor.u32 v9, v14;
	v11 =	vcvt.f32.s32 v11;
	v6 =	vmul.f32 $2.550000000e+02, v12;
	v17 =	vld [tilespmem:s24+$0x1E0]  }
0x1e8: {  	v5 =	vor.u32 v5, v16;
	v14 =	vtrunc.f32 v10;
	v8 =	vtrunc.f32 v8  }
.Ltmp6:
0x1e9: {  	v16 =	vand.u32 $0x7, v11;
	v10 =	vand.u32 $0xFFFFFFF8, v13;
	v6 =	vtrunc.f32 v6;
	(pc) =	sbr.rel @p0 .LBB2_14-.Ltmp6, $4  }
0x1ea: {  	v11 =	vand.u32 $0xFFFFFFF8, v11;
	v10 =	vadd.s32 v3, v10;
	v6 =	vcvt.f32.s32 v6  }
0x1eb: {  	v18 =	vmul.f32 $2.550000000e+02, v7;
	v7 =	vand.u32 $0x7, v13;
	v13 =	vadd.s32 v3, v11;
	[tilespmem:v15+s1+$0x0] =	vst.idx.add.s32.msk $0xffff, v2  }
0x1ec: {  	v11 =	vor.u32 v7, v10;
	v7 =	vor.u32 v16, v13;
	v12 =	vmul.f32 $2.550000000e+02, v17;
	[tilespmem:v9+s1+$0x0] =	vst.idx.add.s32.msk $0xffff, v2  }
0x1ed: {  	s24 =	sadd.s32 $0x10, s24;
	v14 =	vcvt.f32.s32 v14;
	v13 =	vtrunc.f32 v18;
	v10 =	vand.u32 $0xFFFFFFF8, v6;
	v9 =	vld [tilespmem:s22+$0x5A0]  }
0x1ee: {  	_ =	sdelay $0x2  }
0x1ef: {  	v16 =	vld [tilespmem:s22+$0xF0]  }
0x1f0: {  	v8 =	vcvt.f32.s32 v8;
	[tilespmem:v11+s1+$0x0] =	vst.idx.add.s32.msk $0xffff, v2;
	v15 =	vand.u32 $0xFFFFFFF8, v14  }
0x1f1: {  	[tilespmem:v7+s1+$0x0] =	vst.idx.add.s32.msk $0xffff, v2;
	v14 =	vand.u32 $0x7, v14;
	v15 =	vadd.s32 v3, v15  }
0x1f2: {  	v11 =	vtrunc.f32 v12;
	v12 =	vld [tilespmem:s22+$0x870];
	v17 =	vand.u32 $0xFFFFFFF8, v8;
	v14 =	vor.u32 v14, v15  }
0x1f3: {  	v6 =	vand.u32 $0x7, v6;
	v8 =	vand.u32 $0x7, v8;
	v3 =	vadd.s32 v3, v17  }
0x1f4: {  	v10 =	vadd.s32 v4, v10;
	v7 =	vcvt.f32.s32 v11;
	v3 =	vor.u32 v8, v3  }
0x1f5: {  	v11 =	vcvt.f32.s32 v13;
	v6 =	vor.u32 v6, v10;
	v8 =	vld [tilespmem:s22+$0x690];
	v9 =	vmul.f32 $2.550000000e+02, v9  }
0x1f6: {  	v13 =	vand.u32 $0xFFFFFFF8, v7;
	v7 =	vand.u32 $0x7, v7;
	v15 =	vmul.f32 $2.550000000e+02, v16  }
0x1f7: {  	v13 =	vadd.s32 v4, v13;
	v9 =	vtrunc.f32 v9;
	v12 =	vmul.f32 $2.550000000e+02, v12;
	[tilespmem:v14+s1+$0x0] =	vst.idx.add.s32.msk $0xffff, v2  }
0x1f8: {  	v7 =	vor.u32 v7, v13;
	v9 =	vcvt.f32.s32 v9;
	v14 =	vand.u32 $0xFFFFFFF8, v11;
	v10 =	vld [tilespmem:s22+$0x0]  }
0x1f9: {  	v11 =	vand.u32 $0x7, v11;
	v12 =	vtrunc.f32 v12;
	[tilespmem:v3+s1+$0x0] =	vst.idx.add.s32.msk $0xffff, v2;
	v3 =	vadd.s32 v4, v14  }
0x1fa: {  	v8 =	vmul.f32 $2.550000000e+02, v8;
	v14 =	vld [tilespmem:s22+$0x2D0];
	v3 =	vor.u32 v11, v3;
	v11 =	vtrunc.f32 v15  }
0x1fb: {  	v13 =	vand.u32 $0xFFFFFFF8, v9;
	v9 =	vand.u32 $0x7, v9;
	v11 =	vcvt.f32.s32 v11  }
0x1fc: {  	v12 =	vcvt.f32.s32 v12;
	v13 =	vadd.s32 v4, v13;
	v8 =	vtrunc.f32 v8  }
0x1fd: {  	v9 =	vor.u32 v9, v13;
	v8 =	vcvt.f32.s32 v8;
	v15 =	vand.u32 $0xFFFFFFF8, v11  }
0x1fe: {  	v11 =	vand.u32 $0x7, v11;
	v10 =	vmul.f32 $2.550000000e+02, v10;
	v15 =	vadd.s32 v4, v15  }
0x1ff: {  	[tilespmem:v5+s1+$0x0] =	vst.idx.add.s32.msk $0xffff, v2;
	v5 =	vand.u32 $0x7, v8;
	v14 =	vmul.f32 $2.550000000e+02, v14;
	v11 =	vor.u32 v11, v15  }
0x200: {  	v15 =	vand.u32 $0x7, v12;
	v12 =	vand.u32 $0xFFFFFFF8, v12;
	v10 =	vtrunc.f32 v10  }
0x201: {  	v13 =	vtrunc.f32 v14;
	v14 =	vand.u32 $0xFFFFFFF8, v8;
	v10 =	vcvt.f32.s32 v10  }
0x202: {  	v8 =	vadd.s32 v4, v12;
	v14 =	vadd.s32 v4, v14;
	v12 =	vcvt.f32.s32 v13  }
0x203: {  	[tilespmem:v6+s1+$0x0] =	vst.idx.add.s32.msk $0xffff, v2;
	v6 =	vor.u32 v15, v8;
	v5 =	vor.u32 v5, v14;
	v8 =	vand.u32 $0xFFFFFFF8, v10  }
0x204: {  	[tilespmem:v3+s1+$0x0] =	vst.idx.add.s32.msk $0xffff, v2;
	v3 =	vand.u32 $0x7, v10;
	v8 =	vadd.s32 v4, v8;
	v10 =	vand.u32 $0xFFFFFFF8, v12  }
0x205: {  	[tilespmem:v7+s1+$0x0] =	vst.idx.add.s32.msk $0xffff, v2;
	v7 =	vand.u32 $0x7, v12;
	v3 =	vor.u32 v3, v8;
	v4 =	vadd.s32 v4, v10  }
0x206: {  	[tilespmem:v9+s1+$0x0] =	vst.idx.add.s32.msk $0xffff, v2;
	v4 =	vor.u32 v7, v4  }
0x207: {  	[tilespmem:v11+s1+$0x0] =	vst.idx.add.s32.msk $0xffff, v2  }
0x208: {  	[tilespmem:v6+s1+$0x0] =	vst.idx.add.s32.msk $0xffff, v2  }
0x209: {  	[tilespmem:v5+s1+$0x0] =	vst.idx.add.s32.msk $0xffff, v2  }
0x20a: {  	[tilespmem:v3+s1+$0x0] =	vst.idx.add.s32.msk $0xffff, v2  }
0x20b: {  	s24 =	simm.s32 $0x0;
	s23 =	simm.s32 $0x8460;
	[tilespmem:v4+s1+$0x0] =	vst.idx.add.s32.msk $0xffff, v2  }
0x20c: {  	[hbm4b:s16+s24] =	stream.linear.scatter [tilespmem:s23], [sflag:$0x2], $0xC00, $0x38;
	[tilespmem:$0xC060] =	vst v63  }
0x20d: {  	_ =	swait.ge [sflag:s31], $0x960  }
0x20e: {  	[sflag:s31] =	ssyncset.done $0x0  }
0x20f: {  	s25 =	simm.s32 $0x2EE0;
	[sflag:s31] =	ssyncadd.s32 $0xFFFFF6A0  }
0x210: {  	v3 =	vld [tilespmem:s25+$0x780];
	_ =	sdelay $0x1  }
0x211: {  	v4 =	vmov s24  }
0x212: {  	v4 =	vmul.u32 $0xCCD, v4;
	_ =	sdelay $0x1  }
0x213: {  	v4 =	vbroadcast v4, $0x0;
	v5 =	vld [tilespmem:s25+$0x3C0];
	v3 =	vmul.f32 $2.550000000e+02, v3  }
0x214: {  	v8 =	vld [tilespmem:s25+$0x4B0]  }
0x215: {  	v4 =	vadd.s32 v1, v4;
	v9 =	vld [tilespmem:s25+$0xF0];
	v3 =	vtrunc.f32 v3  }
0x216: {  	v6 =	vcvt.f32.s32 v3;
	v3 =	vshrl.u32 v4, $0x8;
	v4 =	vld [tilespmem:s25+$0x1E0]  }
0x217: {  	v3 =	vand.u32 $0xFFFF00, v3  }
0x218: {  	v7 =	vand.u32 $0xFFFFFFF8, v6;
	v3 =	vadd.s32 $0x3C00, v3  }
0x219: {  	v13 =	vld [tilespmem:s25+$0x690];
	v8 =	vmul.f32 $2.550000000e+02, v8;
	v6 =	vand.u32 $0x7, v6;
	v7 =	vadd.s32 v3, v7  }
0x21a: {  	v5 =	vmul.f32 $2.550000000e+02, v5;
	v9 =	vmul.f32 $2.550000000e+02, v9;
	v6 =	vor.u32 v6, v7  }
0x21b: {  	v8 =	vtrunc.f32 v8;
	v7 =	vld [tilespmem:s25+$0x5A0];
	v4 =	vmul.f32 $2.550000000e+02, v4  }
0x21c: {  	v5 =	vtrunc.f32 v5;
	v8 =	vcvt.f32.s32 v8  }
0x21d: {  	v5 =	vcvt.f32.s32 v5;
	v4 =	vtrunc.f32 v4  }
0x21e: {  	v13 =	vmul.f32 $2.550000000e+02, v13;
	v12 =	vand.u32 $0xFFFFFFF8, v8;
	v4 =	vcvt.f32.s32 v4  }
0x21f: {  	s22 =	simm.s32 $0x2EF0;
	v8 =	vand.u32 $0x7, v8;
	[tilespmem:v6+s1+$0x0] =	vst.idx.add.s32.msk $0xffff, v2;
	v6 =	vand.u32 $0xFFFFFFF8, v5;
	v5 =	vand.u32 $0x7, v5  }
0x220: {  	s24 =	simm.s32 $0x10;
	v7 =	vmul.f32 $2.550000000e+02, v7;
	v10 =	vld [tilespmem:s22+$0x780];
	v11 =	vand.u32 $0xFFFFFFF8, v4;
	v6 =	vadd.s32 v3, v6  }
0x221: {  	v4 =	vand.u32 $0x7, v4;
	v5 =	vor.u32 v5, v6;
	v6 =	vmov s24  }
0x222: {  	v11 =	vadd.s32 v3, v11;
	v7 =	vtrunc.f32 v7;
	v6 =	vmul.u32 $0xCCD, v6  }
0x223: {  	v11 =	vor.u32 v4, v11;
	v4 =	vadd.s32 v3, v12;
	v12 =	vld [tilespmem:s25+$0x870];
	v7 =	vcvt.f32.s32 v7  }
0x224: {  	v13 =	vtrunc.f32 v13;
	v8 =	vor.u32 v8, v4;
	v4 =	vbroadcast v6, $0x0  }
0x225: {  	v15 =	vld [tilespmem:s25+$0x2D0];
	v6 =	vtrunc.f32 v9;
	v14 =	vand.u32 $0xFFFFFFF8, v7;
	v10 =	vmul.f32 $2.550000000e+02, v10  }
0x226: {  	v13 =	vcvt.f32.s32 v13;
	v9 =	vld [tilespmem:s25+$0x0];
	v6 =	vcvt.f32.s32 v6;
	v14 =	vadd.s32 v3, v14  }
0x227: {  	v4 =	vadd.s32 v1, v4;
	[tilespmem:v5+s1+$0x0] =	vst.idx.add.s32.msk $0xffff, v2;
	v5 =	vand.u32 $0x7, v7;
	v10 =	vtrunc.f32 v10  }
0x228: {  	v4 =	vshrl.u32 v4, $0x8;
	v7 =	vmul.f32 $2.550000000e+02, v12;
	v61 =	vand.u32 $0xFFFFFFF8, v6  }
0x229: {  	v12 =	vld [tilespmem:s22+$0x3C0];
	v6 =	vand.u32 $0x7, v6;
	v14 =	vor.u32 v5, v14;
	v4 =	vand.u32 $0xFFFF00, v4  }
0x22a: {  	[tilespmem:v11+s1+$0x0] =	vst.idx.add.s32.msk $0xffff, v2;
	v10 =	vcvt.f32.s32 v10;
	v16 =	vadd.s32 v3, v61;
	v4 =	vadd.s32 $0x3C00, v4  }
0x22b: {  	[tilespmem:v8+s1+$0x0] =	vst.idx.add.s32.msk $0xffff, v2;
	v7 =	vtrunc.f32 v7;
	v9 =	vmul.f32 $2.550000000e+02, v9;
	v11 =	vor.u32 v6, v16  }
0x22c: {  	v62 =	vld [tilespmem:s22+$0x4B0];
	v6 =	vmul.f32 $2.550000000e+02, v15;
	v60 =	vand.u32 $0xFFFFFFF8, v10;
	v10 =	vand.u32 $0x7, v10  }
0x22d: {  	v15 =	vld [tilespmem:s22+$0x1E0];
	v7 =	vcvt.f32.s32 v7;
	v8 =	vadd.s32 v4, v60;
	v63 =	vtrunc.f32 v9  }
0x22e: {  	v9 =	vand.u32 $0xFFFFFFF8, v13;
	v12 =	vmul.f32 $2.550000000e+02, v12;
	v5 =	vor.u32 v10, v8  }
0x22f: {  	v8 =	vtrunc.f32 v6;
	v10 =	vand.u32 $0x7, v7;
	v9 =	vadd.s32 v3, v9  }
0x230: {  	v7 =	vand.u32 $0xFFFFFFF8, v7;
	[tilespmem:v14+s1+$0x0] =	vst.idx.add.s32.msk $0xffff, v2;
	v14 =	vcvt.f32.s32 v63;
	v6 =	vtrunc.f32 v12  }
0x231: {  	v17 =	vmul.f32 $2.550000000e+02, v62;
	[tilespmem:v11+s1+$0x0] =	vst.idx.add.s32.msk $0xffff, v2;
	v11 =	vand.u32 $0x7, v13;
	v6 =	vcvt.f32.s32 v6  }
0x232: {  	v7 =	vadd.s32 v3, v7;
	v12 =	vmul.f32 $2.550000000e+02, v15;
	v11 =	vor.u32 v11, v9  }
0x233: {  	s23 =	simm.s32 $0x20;
	s24 =	simm.s32 $0x2F00;
	v7 =	vor.u32 v10, v7;
	v9 =	vld [tilespmem:s22+$0x5A0];
	v13 =	vtrunc.f32 v17;
	v10 =	vand.u32 $0xFFFFFFF8, v6  }
.LBB2_16:
0x234: {  	p0 =	sne.s32 s23, $0xE0;
	v6 =	vand.u32 $0x7, v6;
	v13 =	vcvt.f32.s32 v13;
	[tilespmem:v5+s1+$0x0] =	vst.idx.add.s32.msk $0xffff, v2;
	v5 =	vcvt.f32.s32 v8;
	s25 =	smov.u32 s23;
	s23 =	sadd.s32 $0x10, s23  }
0x235: {  	v12 =	vtrunc.f32 v12;
	v8 =	vld [tilespmem:s22+$0xF0];
	v15 =	vand.u32 $0xFFFFFFF8, v14;
	v14 =	vand.u32 $0x7, v14  }
0x236: {  	v12 =	vcvt.f32.s32 v12;
	v16 =	vld [tilespmem:s24+$0x780];
	v15 =	vadd.s32 v3, v15;
	v17 =	vand.u32 $0xFFFFFFF8, v5  }
0x237: {  	v10 =	vadd.s32 v4, v10;
	v5 =	vand.u32 $0x7, v5;
	v14 =	vor.u32 v14, v15;
	[tilespmem:v11+s1+$0x0] =	vst.idx.add.s32.msk $0xffff, v2  }
0x238: {  	v11 =	vand.u32 $0xFFFFFFF8, v12;
	v15 =	vadd.s32 v3, v17;
	v3 =	vmovc v4;
	v9 =	vmul.f32 $2.550000000e+02, v9;
	[tilespmem:v7+s1+$0x0] =	vst.idx.add.s32.msk $0xffff, v2  }
0x239: {  	v6 =	vor.u32 v6, v10;
	v4 =	vadd.s32 v3, v11;
	v5 =	vor.u32 v5, v15  }
0x23a: {  	v10 =	vand.u32 $0x7, v12;
	v7 =	vmov s25;
	v11 =	vand.u32 $0xFFFFFFF8, v13;
	v12 =	vld [tilespmem:s22+$0x690]  }
0x23b: {  	v7 =	vmul.u32 $0xCCD, v7;
	v10 =	vor.u32 v10, v4;
	v4 =	vadd.s32 v3, v11;
	v11 =	vld [tilespmem:s22+$0x870]  }
0x23c: {  	v13 =	vand.u32 $0x7, v13;
	v8 =	vmul.f32 $2.550000000e+02, v8;
	v9 =	vtrunc.f32 v9;
	[tilespmem:v14+s1+$0x0] =	vst.idx.add.s32.msk $0xffff, v2  }
0x23d: {  	v4 =	vor.u32 v13, v4;
	v9 =	vcvt.f32.s32 v9;
	v14 =	vmul.f32 $2.550000000e+02, v16;
	v15 =	vld [tilespmem:s22+$0x0]  }
0x23e: {  	v7 =	vbroadcast v7, $0x0;
	v8 =	vtrunc.f32 v8;
	[tilespmem:v5+s1+$0x0] =	vst.idx.add.s32.msk $0xffff, v2  }
0x23f: {  	v8 =	vcvt.f32.s32 v8;
	v5 =	vtrunc.f32 v14;
	v14 =	vand.u32 $0xFFFFFFF8, v9;
	v13 =	vld [tilespmem:s22+$0x2D0];
	s22 =	smov.u32 s24  }
0x240: {  	v7 =	vadd.s32 v1, v7;
	v5 =	vcvt.f32.s32 v5;
	[tilespmem:v6+s1+$0x0] =	vst.idx.add.s32.msk $0xffff, v2;
	v6 =	vmul.f32 $2.550000000e+02, v12  }
0x241: {  	v7 =	vshrl.u32 v7, $0x8;
	v9 =	vand.u32 $0x7, v9;
	v11 =	vmul.f32 $2.550000000e+02, v11;
	v12 =	vld [tilespmem:s24+$0x3C0]  }
0x242: {  	v7 =	vand.u32 $0xFFFF00, v7;
	v14 =	vadd.s32 v3, v14;
	v16 =	vand.u32 $0xFFFFFFF8, v5;
	[tilespmem:v4+s1+$0x0] =	vst.idx.add.s32.msk $0xffff, v2  }
0x243: {  	v5 =	vand.u32 $0x7, v5;
	v4 =	vadd.s32 $0x3C00, v7;
	v11 =	vtrunc.f32 v11;
	v7 =	vld [tilespmem:s24+$0x4B0]  }
0x244: {  	v17 =	vand.u32 $0xFFFFFFF8, v8;
	v8 =	vand.u32 $0x7, v8;
	v16 =	vadd.s32 v4, v16;
	[tilespmem:v10+s1+$0x0] =	vst.idx.add.s32.msk $0xffff, v2  }
0x245: {  	v6 =	vtrunc.f32 v6;
	v10 =	vmul.f32 $2.550000000e+02, v15;
	v15 =	vadd.s32 v3, v17  }
0x246: {  	v15 =	vor.u32 v8, v15;
	v8 =	vmul.f32 $2.550000000e+02, v13;
	v13 =	vcvt.f32.s32 v6  }
0x247: {  	v9 =	vor.u32 v9, v14;
	v11 =	vcvt.f32.s32 v11;
	v6 =	vmul.f32 $2.550000000e+02, v12;
	v17 =	vld [tilespmem:s24+$0x1E0]  }
0x248: {  	v5 =	vor.u32 v5, v16;
	v14 =	vtrunc.f32 v10;
	v8 =	vtrunc.f32 v8  }
.Ltmp7:
0x249: {  	v16 =	vand.u32 $0x7, v11;
	v10 =	vand.u32 $0xFFFFFFF8, v13;
	v6 =	vtrunc.f32 v6;
	(pc) =	sbr.rel @p0 .LBB2_16-.Ltmp7, $4  }
0x24a: {  	v11 =	vand.u32 $0xFFFFFFF8, v11;
	v10 =	vadd.s32 v3, v10;
	v6 =	vcvt.f32.s32 v6  }
0x24b: {  	v18 =	vmul.f32 $2.550000000e+02, v7;
	v7 =	vand.u32 $0x7, v13;
	v13 =	vadd.s32 v3, v11;
	[tilespmem:v15+s1+$0x0] =	vst.idx.add.s32.msk $0xffff, v2  }
0x24c: {  	v11 =	vor.u32 v7, v10;
	v7 =	vor.u32 v16, v13;
	v12 =	vmul.f32 $2.550000000e+02, v17;
	[tilespmem:v9+s1+$0x0] =	vst.idx.add.s32.msk $0xffff, v2  }
0x24d: {  	s24 =	sadd.s32 $0x10, s24;
	v14 =	vcvt.f32.s32 v14;
	v13 =	vtrunc.f32 v18;
	v10 =	vand.u32 $0xFFFFFFF8, v6;
	v9 =	vld [tilespmem:s22+$0x5A0]  }
0x24e: {  	_ =	sdelay $0x2  }
0x24f: {  	v16 =	vld [tilespmem:s22+$0xF0]  }
0x250: {  	v8 =	vcvt.f32.s32 v8;
	[tilespmem:v11+s1+$0x0] =	vst.idx.add.s32.msk $0xffff, v2;
	v15 =	vand.u32 $0xFFFFFFF8, v14  }
0x251: {  	[tilespmem:v7+s1+$0x0] =	vst.idx.add.s32.msk $0xffff, v2;
	v14 =	vand.u32 $0x7, v14;
	v15 =	vadd.s32 v3, v15  }
0x252: {  	v11 =	vtrunc.f32 v12;
	v12 =	vld [tilespmem:s22+$0x870];
	v17 =	vand.u32 $0xFFFFFFF8, v8;
	v14 =	vor.u32 v14, v15  }
0x253: {  	v6 =	vand.u32 $0x7, v6;
	v8 =	vand.u32 $0x7, v8;
	v3 =	vadd.s32 v3, v17  }
0x254: {  	v10 =	vadd.s32 v4, v10;
	v7 =	vcvt.f32.s32 v11;
	v3 =	vor.u32 v8, v3  }
0x255: {  	v11 =	vcvt.f32.s32 v13;
	v6 =	vor.u32 v6, v10;
	v8 =	vld [tilespmem:s22+$0x690];
	v9 =	vmul.f32 $2.550000000e+02, v9  }
0x256: {  	v13 =	vand.u32 $0xFFFFFFF8, v7;
	v7 =	vand.u32 $0x7, v7;
	v15 =	vmul.f32 $2.550000000e+02, v16  }
0x257: {  	v13 =	vadd.s32 v4, v13;
	v9 =	vtrunc.f32 v9;
	v12 =	vmul.f32 $2.550000000e+02, v12;
	[tilespmem:v14+s1+$0x0] =	vst.idx.add.s32.msk $0xffff, v2  }
0x258: {  	v7 =	vor.u32 v7, v13;
	v9 =	vcvt.f32.s32 v9;
	v14 =	vand.u32 $0xFFFFFFF8, v11;
	v10 =	vld [tilespmem:s22+$0x0]  }
0x259: {  	v11 =	vand.u32 $0x7, v11;
	v12 =	vtrunc.f32 v12;
	[tilespmem:v3+s1+$0x0] =	vst.idx.add.s32.msk $0xffff, v2;
	v3 =	vadd.s32 v4, v14  }
0x25a: {  	v8 =	vmul.f32 $2.550000000e+02, v8;
	v14 =	vld [tilespmem:s22+$0x2D0];
	v3 =	vor.u32 v11, v3;
	v11 =	vtrunc.f32 v15  }
0x25b: {  	v13 =	vand.u32 $0xFFFFFFF8, v9;
	v9 =	vand.u32 $0x7, v9;
	v11 =	vcvt.f32.s32 v11  }
0x25c: {  	v12 =	vcvt.f32.s32 v12;
	v13 =	vadd.s32 v4, v13;
	v8 =	vtrunc.f32 v8  }
0x25d: {  	v9 =	vor.u32 v9, v13;
	v8 =	vcvt.f32.s32 v8;
	v15 =	vand.u32 $0xFFFFFFF8, v11  }
0x25e: {  	v11 =	vand.u32 $0x7, v11;
	v10 =	vmul.f32 $2.550000000e+02, v10;
	v15 =	vadd.s32 v4, v15  }
0x25f: {  	[tilespmem:v5+s1+$0x0] =	vst.idx.add.s32.msk $0xffff, v2;
	v5 =	vand.u32 $0x7, v8;
	v14 =	vmul.f32 $2.550000000e+02, v14;
	v11 =	vor.u32 v11, v15  }
0x260: {  	v15 =	vand.u32 $0x7, v12;
	v12 =	vand.u32 $0xFFFFFFF8, v12;
	v10 =	vtrunc.f32 v10  }
0x261: {  	v13 =	vtrunc.f32 v14;
	v14 =	vand.u32 $0xFFFFFFF8, v8;
	v10 =	vcvt.f32.s32 v10  }
0x262: {  	v8 =	vadd.s32 v4, v12;
	v14 =	vadd.s32 v4, v14;
	v12 =	vcvt.f32.s32 v13  }
0x263: {  	[tilespmem:v6+s1+$0x0] =	vst.idx.add.s32.msk $0xffff, v2;
	v6 =	vor.u32 v15, v8;
	v5 =	vor.u32 v5, v14;
	v8 =	vand.u32 $0xFFFFFFF8, v10  }
0x264: {  	[tilespmem:v3+s1+$0x0] =	vst.idx.add.s32.msk $0xffff, v2;
	v3 =	vand.u32 $0x7, v10;
	v8 =	vadd.s32 v4, v8;
	v10 =	vand.u32 $0xFFFFFFF8, v12  }
0x265: {  	[tilespmem:v7+s1+$0x0] =	vst.idx.add.s32.msk $0xffff, v2;
	v7 =	vand.u32 $0x7, v12;
	v3 =	vor.u32 v3, v8;
	v4 =	vadd.s32 v4, v10  }
0x266: {  	[tilespmem:v9+s1+$0x0] =	vst.idx.add.s32.msk $0xffff, v2;
	v4 =	vor.u32 v7, v4  }
0x267: {  	[tilespmem:v11+s1+$0x0] =	vst.idx.add.s32.msk $0xffff, v2  }
0x268: {  	[tilespmem:v6+s1+$0x0] =	vst.idx.add.s32.msk $0xffff, v2  }
0x269: {  	[tilespmem:v5+s1+$0x0] =	vst.idx.add.s32.msk $0xffff, v2  }
0x26a: {  	[tilespmem:v3+s1+$0x0] =	vst.idx.add.s32.msk $0xffff, v2  }
0x26b: {  	s24 =	simm.s32 $0x0;
	s23 =	simm.s32 $0x9060;
	[tilespmem:v4+s1+$0x0] =	vst.idx.add.s32.msk $0xffff, v2  }
0x26c: {  	[hbm4b:s17+s24] =	stream.linear.scatter [tilespmem:s23], [sflag:$0x2], $0xC00, $0x38;
	[tilespmem:$0xC060] =	vst v63  }
0x26d: {  	_ =	swait.ge [sflag:s31], $0x960  }
0x26e: {  	[sflag:s31] =	ssyncset.done $0x0  }
0x26f: {  	s25 =	simm.s32 $0x40B0;
	[sflag:s31] =	ssyncadd.s32 $0xFFFFF6A0  }
0x270: {  	v3 =	vld [tilespmem:s25+$0xFFFFFF10];
	_ =	sdelay $0x1  }
0x271: {  	v4 =	vmov s24  }
0x272: {  	v4 =	vmul.u32 $0xCCD, v4;
	_ =	sdelay $0x1  }
0x273: {  	v4 =	vbroadcast v4, $0x0;
	v5 =	vld [tilespmem:s25+$0xFFFFFB50];
	v3 =	vmul.f32 $2.550000000e+02, v3  }
0x274: {  	v8 =	vld [tilespmem:s25+$0xFFFFFC40]  }
0x275: {  	v4 =	vadd.s32 v1, v4;
	v9 =	vld [tilespmem:s25+$0xFFFFF880];
	v3 =	vtrunc.f32 v3  }
0x276: {  	v6 =	vcvt.f32.s32 v3;
	v3 =	vshrl.u32 v4, $0x8;
	v4 =	vld [tilespmem:s25+$0xFFFFF970]  }
0x277: {  	v3 =	vand.u32 $0xFFFF00, v3  }
0x278: {  	v7 =	vand.u32 $0xFFFFFFF8, v6;
	v3 =	vadd.s32 $0x4800, v3  }
0x279: {  	v13 =	vld [tilespmem:s25+$0xFFFFFE20];
	v8 =	vmul.f32 $2.550000000e+02, v8;
	v6 =	vand.u32 $0x7, v6;
	v7 =	vadd.s32 v3, v7  }
0x27a: {  	v5 =	vmul.f32 $2.550000000e+02, v5;
	v9 =	vmul.f32 $2.550000000e+02, v9;
	v6 =	vor.u32 v6, v7  }
0x27b: {  	v8 =	vtrunc.f32 v8;
	v7 =	vld [tilespmem:s25+$0xFFFFFD30];
	v4 =	vmul.f32 $2.550000000e+02, v4  }
0x27c: {  	v5 =	vtrunc.f32 v5;
	v8 =	vcvt.f32.s32 v8  }
0x27d: {  	v5 =	vcvt.f32.s32 v5;
	v4 =	vtrunc.f32 v4  }
0x27e: {  	v13 =	vmul.f32 $2.550000000e+02, v13;
	v12 =	vand.u32 $0xFFFFFFF8, v8;
	v4 =	vcvt.f32.s32 v4  }
0x27f: {  	s22 =	simm.s32 $0x40C0;
	v8 =	vand.u32 $0x7, v8;
	[tilespmem:v6+s1+$0x0] =	vst.idx.add.s32.msk $0xffff, v2;
	v6 =	vand.u32 $0xFFFFFFF8, v5;
	v5 =	vand.u32 $0x7, v5  }
0x280: {  	s24 =	simm.s32 $0x10;
	v7 =	vmul.f32 $2.550000000e+02, v7;
	v10 =	vld [tilespmem:s22+$0xFFFFFF10];
	v11 =	vand.u32 $0xFFFFFFF8, v4;
	v6 =	vadd.s32 v3, v6  }
0x281: {  	v4 =	vand.u32 $0x7, v4;
	v5 =	vor.u32 v5, v6;
	v6 =	vmov s24  }
0x282: {  	v11 =	vadd.s32 v3, v11;
	v7 =	vtrunc.f32 v7;
	v6 =	vmul.u32 $0xCCD, v6  }
0x283: {  	v11 =	vor.u32 v4, v11;
	v4 =	vadd.s32 v3, v12;
	v12 =	vld [tilespmem:s25+$0x0];
	v7 =	vcvt.f32.s32 v7  }
0x284: {  	v13 =	vtrunc.f32 v13;
	v8 =	vor.u32 v8, v4;
	v4 =	vbroadcast v6, $0x0  }
0x285: {  	v15 =	vld [tilespmem:s25+$0xFFFFFA60];
	v6 =	vtrunc.f32 v9;
	v14 =	vand.u32 $0xFFFFFFF8, v7;
	v10 =	vmul.f32 $2.550000000e+02, v10  }
0x286: {  	v13 =	vcvt.f32.s32 v13;
	v9 =	vld [tilespmem:s25+$0xFFFFF790];
	v6 =	vcvt.f32.s32 v6;
	v14 =	vadd.s32 v3, v14  }
0x287: {  	v4 =	vadd.s32 v1, v4;
	[tilespmem:v5+s1+$0x0] =	vst.idx.add.s32.msk $0xffff, v2;
	v5 =	vand.u32 $0x7, v7;
	v10 =	vtrunc.f32 v10  }
0x288: {  	v4 =	vshrl.u32 v4, $0x8;
	v7 =	vmul.f32 $2.550000000e+02, v12;
	v61 =	vand.u32 $0xFFFFFFF8, v6  }
0x289: {  	v12 =	vld [tilespmem:s22+$0xFFFFFB50];
	v6 =	vand.u32 $0x7, v6;
	v14 =	vor.u32 v5, v14;
	v4 =	vand.u32 $0xFFFF00, v4  }
0x28a: {  	[tilespmem:v11+s1+$0x0] =	vst.idx.add.s32.msk $0xffff, v2;
	v10 =	vcvt.f32.s32 v10;
	v16 =	vadd.s32 v3, v61;
	v4 =	vadd.s32 $0x4800, v4  }
0x28b: {  	[tilespmem:v8+s1+$0x0] =	vst.idx.add.s32.msk $0xffff, v2;
	v7 =	vtrunc.f32 v7;
	v9 =	vmul.f32 $2.550000000e+02, v9;
	v11 =	vor.u32 v6, v16  }
0x28c: {  	v62 =	vld [tilespmem:s22+$0xFFFFFC40];
	v6 =	vmul.f32 $2.550000000e+02, v15;
	v60 =	vand.u32 $0xFFFFFFF8, v10;
	v10 =	vand.u32 $0x7, v10  }
0x28d: {  	v15 =	vld [tilespmem:s22+$0xFFFFF970];
	v7 =	vcvt.f32.s32 v7;
	v8 =	vadd.s32 v4, v60;
	v63 =	vtrunc.f32 v9  }
0x28e: {  	v9 =	vand.u32 $0xFFFFFFF8, v13;
	v12 =	vmul.f32 $2.550000000e+02, v12;
	v5 =	vor.u32 v10, v8  }
0x28f: {  	v8 =	vtrunc.f32 v6;
	v10 =	vand.u32 $0x7, v7;
	v9 =	vadd.s32 v3, v9  }
0x290: {  	v7 =	vand.u32 $0xFFFFFFF8, v7;
	[tilespmem:v14+s1+$0x0] =	vst.idx.add.s32.msk $0xffff, v2;
	v14 =	vcvt.f32.s32 v63;
	v6 =	vtrunc.f32 v12  }
0x291: {  	v17 =	vmul.f32 $2.550000000e+02, v62;
	[tilespmem:v11+s1+$0x0] =	vst.idx.add.s32.msk $0xffff, v2;
	v11 =	vand.u32 $0x7, v13;
	v6 =	vcvt.f32.s32 v6  }
0x292: {  	v7 =	vadd.s32 v3, v7;
	v12 =	vmul.f32 $2.550000000e+02, v15;
	v11 =	vor.u32 v11, v9  }
0x293: {  	s23 =	simm.s32 $0x20;
	s24 =	simm.s32 $0x40D0;
	v7 =	vor.u32 v10, v7;
	v9 =	vld [tilespmem:s22+$0xFFFFFD30];
	v13 =	vtrunc.f32 v17;
	v10 =	vand.u32 $0xFFFFFFF8, v6  }
.LBB2_18:
0x294: {  	p0 =	sne.s32 s23, $0xE0;
	v6 =	vand.u32 $0x7, v6;
	v13 =	vcvt.f32.s32 v13;
	[tilespmem:v5+s1+$0x0] =	vst.idx.add.s32.msk $0xffff, v2;
	v5 =	vcvt.f32.s32 v8;
	s25 =	smov.u32 s23;
	s23 =	sadd.s32 $0x10, s23  }
0x295: {  	v12 =	vtrunc.f32 v12;
	v8 =	vld [tilespmem:s22+$0xFFFFF880];
	v15 =	vand.u32 $0xFFFFFFF8, v14;
	v14 =	vand.u32 $0x7, v14  }
0x296: {  	v12 =	vcvt.f32.s32 v12;
	v16 =	vld [tilespmem:s24+$0xFFFFFF10];
	v15 =	vadd.s32 v3, v15;
	v17 =	vand.u32 $0xFFFFFFF8, v5  }
0x297: {  	v10 =	vadd.s32 v4, v10;
	v5 =	vand.u32 $0x7, v5;
	v14 =	vor.u32 v14, v15;
	[tilespmem:v11+s1+$0x0] =	vst.idx.add.s32.msk $0xffff, v2  }
0x298: {  	v11 =	vand.u32 $0xFFFFFFF8, v12;
	v15 =	vadd.s32 v3, v17;
	v3 =	vmovc v4;
	v9 =	vmul.f32 $2.550000000e+02, v9;
	[tilespmem:v7+s1+$0x0] =	vst.idx.add.s32.msk $0xffff, v2  }
0x299: {  	v6 =	vor.u32 v6, v10;
	v4 =	vadd.s32 v3, v11;
	v5 =	vor.u32 v5, v15  }
0x29a: {  	v10 =	vand.u32 $0x7, v12;
	v7 =	vmov s25;
	v11 =	vand.u32 $0xFFFFFFF8, v13;
	v12 =	vld [tilespmem:s22+$0xFFFFFE20]  }
0x29b: {  	v7 =	vmul.u32 $0xCCD, v7;
	v10 =	vor.u32 v10, v4;
	v4 =	vadd.s32 v3, v11;
	v11 =	vld [tilespmem:s22+$0x0]  }
0x29c: {  	v13 =	vand.u32 $0x7, v13;
	v8 =	vmul.f32 $2.550000000e+02, v8;
	v9 =	vtrunc.f32 v9;
	[tilespmem:v14+s1+$0x0] =	vst.idx.add.s32.msk $0xffff, v2  }
0x29d: {  	v4 =	vor.u32 v13, v4;
	v9 =	vcvt.f32.s32 v9;
	v14 =	vmul.f32 $2.550000000e+02, v16;
	v15 =	vld [tilespmem:s22+$0xFFFFF790]  }
0x29e: {  	v7 =	vbroadcast v7, $0x0;
	v8 =	vtrunc.f32 v8;
	[tilespmem:v5+s1+$0x0] =	vst.idx.add.s32.msk $0xffff, v2  }
0x29f: {  	v8 =	vcvt.f32.s32 v8;
	v5 =	vtrunc.f32 v14;
	v14 =	vand.u32 $0xFFFFFFF8, v9;
	v13 =	vld [tilespmem:s22+$0xFFFFFA60];
	s22 =	smov.u32 s24  }
0x2a0: {  	v7 =	vadd.s32 v1, v7;
	v5 =	vcvt.f32.s32 v5;
	[tilespmem:v6+s1+$0x0] =	vst.idx.add.s32.msk $0xffff, v2;
	v6 =	vmul.f32 $2.550000000e+02, v12  }
0x2a1: {  	v7 =	vshrl.u32 v7, $0x8;
	v9 =	vand.u32 $0x7, v9;
	v11 =	vmul.f32 $2.550000000e+02, v11;
	v12 =	vld [tilespmem:s24+$0xFFFFFB50]  }
0x2a2: {  	v7 =	vand.u32 $0xFFFF00, v7;
	v14 =	vadd.s32 v3, v14;
	v16 =	vand.u32 $0xFFFFFFF8, v5;
	[tilespmem:v4+s1+$0x0] =	vst.idx.add.s32.msk $0xffff, v2  }
0x2a3: {  	v5 =	vand.u32 $0x7, v5;
	v4 =	vadd.s32 $0x4800, v7;
	v11 =	vtrunc.f32 v11;
	v7 =	vld [tilespmem:s24+$0xFFFFFC40]  }
0x2a4: {  	v17 =	vand.u32 $0xFFFFFFF8, v8;
	v8 =	vand.u32 $0x7, v8;
	v16 =	vadd.s32 v4, v16;
	[tilespmem:v10+s1+$0x0] =	vst.idx.add.s32.msk $0xffff, v2  }
0x2a5: {  	v6 =	vtrunc.f32 v6;
	v10 =	vmul.f32 $2.550000000e+02, v15;
	v15 =	vadd.s32 v3, v17  }
0x2a6: {  	v15 =	vor.u32 v8, v15;
	v8 =	vmul.f32 $2.550000000e+02, v13;
	v13 =	vcvt.f32.s32 v6  }
0x2a7: {  	v9 =	vor.u32 v9, v14;
	v11 =	vcvt.f32.s32 v11;
	v6 =	vmul.f32 $2.550000000e+02, v12;
	v17 =	vld [tilespmem:s24+$0xFFFFF970]  }
0x2a8: {  	v5 =	vor.u32 v5, v16;
	v14 =	vtrunc.f32 v10;
	v8 =	vtrunc.f32 v8  }
.Ltmp8:
0x2a9: {  	v16 =	vand.u32 $0x7, v11;
	v10 =	vand.u32 $0xFFFFFFF8, v13;
	v6 =	vtrunc.f32 v6;
	(pc) =	sbr.rel @p0 .LBB2_18-.Ltmp8, $4  }
0x2aa: {  	v11 =	vand.u32 $0xFFFFFFF8, v11;
	v10 =	vadd.s32 v3, v10;
	v6 =	vcvt.f32.s32 v6  }
0x2ab: {  	v18 =	vmul.f32 $2.550000000e+02, v7;
	v7 =	vand.u32 $0x7, v13;
	v13 =	vadd.s32 v3, v11;
	[tilespmem:v15+s1+$0x0] =	vst.idx.add.s32.msk $0xffff, v2  }
0x2ac: {  	v11 =	vor.u32 v7, v10;
	v7 =	vor.u32 v16, v13;
	v12 =	vmul.f32 $2.550000000e+02, v17;
	[tilespmem:v9+s1+$0x0] =	vst.idx.add.s32.msk $0xffff, v2  }
0x2ad: {  	s24 =	sadd.s32 $0x10, s24;
	v14 =	vcvt.f32.s32 v14;
	v13 =	vtrunc.f32 v18;
	v10 =	vand.u32 $0xFFFFFFF8, v6;
	v9 =	vld [tilespmem:s22+$0xFFFFFD30]  }
0x2ae: {  	_ =	sdelay $0x2  }
0x2af: {  	v16 =	vld [tilespmem:s22+$0xFFFFF880]  }
0x2b0: {  	v8 =	vcvt.f32.s32 v8;
	[tilespmem:v11+s1+$0x0] =	vst.idx.add.s32.msk $0xffff, v2;
	v15 =	vand.u32 $0xFFFFFFF8, v14  }
0x2b1: {  	[tilespmem:v7+s1+$0x0] =	vst.idx.add.s32.msk $0xffff, v2;
	v14 =	vand.u32 $0x7, v14;
	v15 =	vadd.s32 v3, v15  }
0x2b2: {  	v11 =	vtrunc.f32 v12;
	v12 =	vld [tilespmem:s22+$0x0];
	v14 =	vor.u32 v14, v15;
	v15 =	vand.u32 $0xFFFFFFF8, v8  }
0x2b3: {  	v6 =	vand.u32 $0x7, v6;
	v8 =	vand.u32 $0x7, v8;
	v3 =	vadd.s32 v3, v15  }
0x2b4: {  	v10 =	vadd.s32 v4, v10;
	v7 =	vcvt.f32.s32 v11;
	v3 =	vor.u32 v8, v3  }
0x2b5: {  	v11 =	vcvt.f32.s32 v13;
	v6 =	vor.u32 v6, v10;
	v9 =	vmul.f32 $2.550000000e+02, v9;
	v8 =	vld [tilespmem:s22+$0xFFFFFE20]  }
0x2b6: {  	v13 =	vand.u32 $0xFFFFFFF8, v7;
	v7 =	vand.u32 $0x7, v7;
	v15 =	vmul.f32 $2.550000000e+02, v16  }
0x2b7: {  	v13 =	vadd.s32 v4, v13;
	v9 =	vtrunc.f32 v9;
	v12 =	vmul.f32 $2.550000000e+02, v12;
	[tilespmem:v14+s1+$0x0] =	vst.idx.add.s32.msk $0xffff, v2  }
0x2b8: {  	v7 =	vor.u32 v7, v13;
	v9 =	vcvt.f32.s32 v9;
	v14 =	vand.u32 $0xFFFFFFF8, v11;
	v10 =	vld [tilespmem:s22+$0xFFFFF790]  }
0x2b9: {  	v11 =	vand.u32 $0x7, v11;
	v12 =	vtrunc.f32 v12;
	[tilespmem:v3+s1+$0x0] =	vst.idx.add.s32.msk $0xffff, v2;
	v3 =	vadd.s32 v4, v14  }
0x2ba: {  	v8 =	vmul.f32 $2.550000000e+02, v8;
	v14 =	vld [tilespmem:s22+$0xFFFFFA60];
	v3 =	vor.u32 v11, v3;
	v11 =	vtrunc.f32 v15  }
0x2bb: {  	v13 =	vand.u32 $0xFFFFFFF8, v9;
	v9 =	vand.u32 $0x7, v9;
	v11 =	vcvt.f32.s32 v11  }
0x2bc: {  	v12 =	vcvt.f32.s32 v12;
	v13 =	vadd.s32 v4, v13;
	v8 =	vtrunc.f32 v8  }
0x2bd: {  	v9 =	vor.u32 v9, v13;
	v8 =	vcvt.f32.s32 v8;
	v15 =	vand.u32 $0xFFFFFFF8, v11  }
0x2be: {  	v10 =	vmul.f32 $2.550000000e+02, v10;
	v11 =	vand.u32 $0x7, v11;
	v15 =	vadd.s32 v4, v15  }
0x2bf: {  	[tilespmem:v5+s1+$0x0] =	vst.idx.add.s32.msk $0xffff, v2;
	v5 =	vand.u32 $0x7, v8;
	v14 =	vmul.f32 $2.550000000e+02, v14;
	v11 =	vor.u32 v11, v15  }
0x2c0: {  	v10 =	vtrunc.f32 v10;
	v15 =	vand.u32 $0x7, v12;
	v12 =	vand.u32 $0xFFFFFFF8, v12  }
0x2c1: {  	v10 =	vcvt.f32.s32 v10;
	v13 =	vtrunc.f32 v14;
	v14 =	vand.u32 $0xFFFFFFF8, v8  }
0x2c2: {  	[tilespmem:v6+s1+$0x0] =	vst.idx.add.s32.msk $0xffff, v2;
	v8 =	vadd.s32 v4, v12;
	v14 =	vadd.s32 v4, v14;
	v12 =	vcvt.f32.s32 v13  }
0x2c3: {  	[tilespmem:v3+s1+$0x0] =	vst.idx.add.s32.msk $0xffff, v2;
	v6 =	vor.u32 v15, v8;
	v8 =	vand.u32 $0xFFFFFFF8, v10;
	v3 =	vand.u32 $0x7, v10  }
0x2c4: {  	v5 =	vor.u32 v5, v14;
	v8 =	vadd.s32 v4, v8;
	v10 =	vand.u32 $0xFFFFFFF8, v12  }
0x2c5: {  	[tilespmem:v7+s1+$0x0] =	vst.idx.add.s32.msk $0xffff, v2;
	v3 =	vor.u32 v3, v8;
	v7 =	vand.u32 $0x7, v12;
	v4 =	vadd.s32 v4, v10  }
0x2c6: {  	[tilespmem:v9+s1+$0x0] =	vst.idx.add.s32.msk $0xffff, v2;
	v4 =	vor.u32 v7, v4  }
0x2c7: {  	[tilespmem:v11+s1+$0x0] =	vst.idx.add.s32.msk $0xffff, v2  }
0x2c8: {  	[tilespmem:v6+s1+$0x0] =	vst.idx.add.s32.msk $0xffff, v2  }
0x2c9: {  	[tilespmem:v5+s1+$0x0] =	vst.idx.add.s32.msk $0xffff, v2  }
0x2ca: {  	[tilespmem:v3+s1+$0x0] =	vst.idx.add.s32.msk $0xffff, v2  }
0x2cb: {  	s22 =	simm.s32 $0x0;
	[tilespmem:v4+s1+$0x0] =	vst.idx.add.s32.msk $0xffff, v2  }
0x2cc: {  	[hbm4b:s18+s22] =	stream.linear.scatter [tilespmem:s26], [sflag:$0x2], $0xC00, $0x38;
	[tilespmem:$0xC060] =	vst v63  }
0x2cd: {  	_ =	swait.ge [sflag:s31], $0x960  }
0x2ce: {  	[sflag:s31] =	ssyncset.done $0x0  }
0x2cf: {  	s23 =	simm.s32 $0x0;
	[sflag:s31] =	ssyncadd.s32 $0xFFFFF6A0  }
0x2d0: {  	v3 =	vld [tilespmem:s23+$0x4830]  }
0x2d1: {  	v5 =	vld [tilespmem:s23+$0x4470]  }
0x2d2: {  	v4 =	vmov s22;
	v6 =	vld [tilespmem:s23+$0x4A10]  }
0x2d3: {  	v4 =	vmul.u32 $0xCCD, v4  }
0x2d4: {  	v7 =	vld [tilespmem:s23+$0x4650]  }
0x2d5: {  	v4 =	vbroadcast v4, $0x0;
	v8 =	vld [tilespmem:s23+$0x4740]  }
0x2d6: {  	v3 =	vmul.f32 $2.550000000e+02, v3;
	v5 =	vmul.f32 $2.550000000e+02, v5  }
0x2d7: {  	v4 =	vadd.s32 v1, v4;
	v6 =	vmul.f32 $2.550000000e+02, v6  }
0x2d8: {  	v4 =	vshrl.u32 v4, $0x8;
	v3 =	vtrunc.f32 v3;
	v5 =	vtrunc.f32 v5  }
0x2d9: {  	v4 =	vand.u32 $0xFFFF00, v4;
	v6 =	vtrunc.f32 v6;
	v10 =	vcvt.f32.s32 v3  }
0x2da: {  	v9 =	vld [tilespmem:s23+$0x4920];
	v3 =	vadd.s32 $0x5400, v4;
	v4 =	vmul.f32 $2.550000000e+02, v7;
	v7 =	vmul.f32 $2.550000000e+02, v8  }
0x2db: {  	v6 =	vcvt.f32.s32 v6;
	v5 =	vcvt.f32.s32 v5  }
0x2dc: {  	v8 =	vand.u32 $0xFFFFFFF8, v10;
	v10 =	vand.u32 $0x7, v10;
	v11 =	vtrunc.f32 v4  }
0x2dd: {  	v15 =	vtrunc.f32 v7;
	v12 =	vand.u32 $0xFFFFFFF8, v5;
	v8 =	vadd.s32 v3, v8  }
0x2de: {  	v13 =	vand.u32 $0x7, v6;
	v7 =	vcvt.f32.s32 v11;
	v4 =	vor.u32 v10, v8;
	v8 =	vld [tilespmem:s23+$0x4380]  }
0x2df: {  	v11 =	vadd.s32 v3, v12;
	v12 =	vand.u32 $0xFFFFFFF8, v6;
	v10 =	vmul.f32 $2.550000000e+02, v9;
	v9 =	vld [tilespmem:s23+$0x4560]  }
0x2e0: {  	v5 =	vand.u32 $0x7, v5;
	v14 =	vadd.s32 v3, v12;
	v63 =	vand.u32 $0xFFFFFFF8, v7  }
0x2e1: {  	s25 =	simm.s32 $0x40;
	v6 =	vld [tilespmem:s23+$0x4290];
	v5 =	vor.u32 v5, v11;
	v11 =	vcvt.f32.s32 v15;
	v12 =	vadd.s32 v3, v63  }
.LBB2_20:
0x2e2: {  	s24 =	smov.u32 s25  }
0x2e3: {  	v15 =	vld [tilespmem:s23+$0x41A0];
	s23 =	sshra.s32 s25, $0x2;
	v8 =	vmul.f32 $2.550000000e+02, v8;
	v10 =	vtrunc.f32 v10;
	v13 =	vor.u32 v13, v14;
	s22 =	sadd.s32 $0x10, s22;
	s24 =	sadd.s32 $0x40, s25  }
0x2e4: {  	p0 =	sne.s32 s25, $0x380;
	v9 =	vmul.f32 $2.550000000e+02, v9;
	v14 =	vand.u32 $0xFFFFFFF8, v11;
	[tilespmem:v4+s1+$0x0] =	vst.idx.add.s32.msk $0xffff, v2;
	v4 =	vcvt.f32.s32 v10  }
0x2e5: {  	v7 =	vand.u32 $0x7, v7;
	v14 =	vadd.s32 v3, v14;
	v10 =	vld [tilespmem:s23+$0x4830]  }
0x2e6: {  	v7 =	vor.u32 v7, v12;
	v11 =	vand.u32 $0x7, v11;
	v12 =	vand.u32 $0xFFFFFFF8, v4  }
0x2e7: {  	v8 =	vtrunc.f32 v8;
	[tilespmem:v5+s1+$0x0] =	vst.idx.add.s32.msk $0xffff, v2;
	v5 =	vtrunc.f32 v9;
	v9 =	vor.u32 v11, v14  }
0x2e8: {  	v6 =	vmul.f32 $2.550000000e+02, v6;
	v8 =	vcvt.f32.s32 v8;
	v11 =	vmov s22;
	[tilespmem:v13+s1+$0x0] =	vst.idx.add.s32.msk $0xffff, v2  }
0x2e9: {  	v4 =	vand.u32 $0x7, v4;
	v11 =	vmul.u32 $0xCCD, v11;
	v5 =	vcvt.f32.s32 v5;
	v13 =	vld [tilespmem:s23+$0x4470]  }
0x2ea: {  	v15 =	vmul.f32 $2.550000000e+02, v15;
	v16 =	vand.u32 $0xFFFFFFF8, v8;
	v8 =	vand.u32 $0x7, v8;
	v14 =	vld [tilespmem:s23+$0x4A10]  }
0x2eb: {  	v16 =	vadd.s32 v3, v16;
	v17 =	vand.u32 $0xFFFFFFF8, v5;
	[tilespmem:v7+s1+$0x0] =	vst.idx.add.s32.msk $0xffff, v2;
	v7 =	vadd.s32 v3, v12  }
0x2ec: {  	v8 =	vor.u32 v8, v16;
	v11 =	vbroadcast v11, $0x0;
	[tilespmem:v9+s1+$0x0] =	vst.idx.add.s32.msk $0xffff, v2;
	v4 =	vor.u32 v4, v7  }
0x2ed: {  	v6 =	vtrunc.f32 v6;
	v12 =	vadd.s32 v3, v17;
	v9 =	vtrunc.f32 v15;
	v7 =	vld [tilespmem:s23+$0x4740]  }
0x2ee: {  	v6 =	vcvt.f32.s32 v6;
	v10 =	vmul.f32 $2.550000000e+02, v10;
	v11 =	vadd.s32 v1, v11;
	v15 =	vld [tilespmem:s23+$0x4650]  }
0x2ef: {  	v5 =	vand.u32 $0x7, v5;
	v11 =	vshrl.u32 v11, $0x8;
	v13 =	vmul.f32 $2.550000000e+02, v13  }
0x2f0: {  	v9 =	vcvt.f32.s32 v9;
	v11 =	vand.u32 $0xFFFF00, v11;
	v14 =	vmul.f32 $2.550000000e+02, v14  }
0x2f1: {  	v16 =	vand.u32 $0x7, v6;
	v10 =	vtrunc.f32 v10;
	v11 =	vadd.s32 $0x5400, v11;
	[tilespmem:v4+s1+$0x0] =	vst.idx.add.s32.msk $0xffff, v2  }
0x2f2: {  	v6 =	vand.u32 $0xFFFFFFF8, v6;
	v5 =	vor.u32 v5, v12;
	v4 =	vand.u32 $0xFFFFFFF8, v9;
	v17 =	vld [tilespmem:s23+$0x4920]  }
0x2f3: {  	v6 =	vadd.s32 v3, v6;
	v12 =	vtrunc.f32 v13;
	v13 =	vmul.f32 $2.550000000e+02, v15;
	[tilespmem:v8+s1+$0x0] =	vst.idx.add.s32.msk $0xffff, v2  }
0x2f4: {  	v6 =	vor.u32 v16, v6;
	v10 =	vcvt.f32.s32 v10;
	v14 =	vtrunc.f32 v14  }
0x2f5: {  	v9 =	vand.u32 $0x7, v9;
	v7 =	vmul.f32 $2.550000000e+02, v7;
	v14 =	vcvt.f32.s32 v14;
	v8 =	vld [tilespmem:s23+$0x4380]  }
0x2f6: {  	v12 =	vcvt.f32.s32 v12;
	v4 =	vadd.s32 v3, v4;
	v3 =	vmovc v11;
	v15 =	vand.u32 $0xFFFFFFF8, v10  }
0x2f7: {  	v10 =	vand.u32 $0x7, v10;
	v11 =	vadd.s32 v3, v15;
	v15 =	vor.u32 v9, v4;
	[tilespmem:v5+s1+$0x0] =	vst.idx.add.s32.msk $0xffff, v2  }
.Ltmp9:
0x2f8: {  	v16 =	vtrunc.f32 v7;
	v4 =	vor.u32 v10, v11;
	v5 =	vtrunc.f32 v13;
	v9 =	vld [tilespmem:s23+$0x4560];
	(pc) =	sbr.rel @p0 .LBB2_20-.Ltmp9, $4  }
0x2f9: {  	v11 =	vand.u32 $0xFFFFFFF8, v12;
	v10 =	vmul.f32 $2.550000000e+02, v17;
	v7 =	vcvt.f32.s32 v5;
	[tilespmem:v6+s1+$0x0] =	vst.idx.add.s32.msk $0xffff, v2  }
0x2fa: {  	v13 =	vand.u32 $0x7, v14;
	v5 =	vadd.s32 v3, v11;
	v11 =	vand.u32 $0xFFFFFFF8, v14;
	v6 =	vld [tilespmem:s23+$0x4290]  }
0x2fb: {  	v12 =	vand.u32 $0x7, v12;
	v14 =	vadd.s32 v3, v11;
	v17 =	vand.u32 $0xFFFFFFF8, v7  }
0x2fc: {  	s25 =	smov.u32 s24;
	v5 =	vor.u32 v12, v5;
	v11 =	vcvt.f32.s32 v16;
	v12 =	vadd.s32 v3, v17;
	[tilespmem:v15+s1+$0x0] =	vst.idx.add.s32.msk $0xffff, v2  }
0x2fd: {  	v8 =	vmul.f32 $2.550000000e+02, v8  }
0x2fe: {  	v10 =	vtrunc.f32 v10;
	v13 =	vor.u32 v13, v14;
	v9 =	vmul.f32 $2.550000000e+02, v9  }
0x2ff: {  	v14 =	vld [tilespmem:s23+$0x41A0];
	v7 =	vand.u32 $0x7, v7;
	v15 =	vand.u32 $0xFFFFFFF8, v11;
	v10 =	vcvt.f32.s32 v10  }
0x300: {  	v7 =	vor.u32 v7, v12;
	v11 =	vand.u32 $0x7, v11;
	v8 =	vtrunc.f32 v8  }
0x301: {  	v15 =	vadd.s32 v3, v15;
	v9 =	vtrunc.f32 v9;
	v6 =	vmul.f32 $2.550000000e+02, v6  }
0x302: {  	v12 =	vand.u32 $0xFFFFFFF8, v10;
	v8 =	vcvt.f32.s32 v8;
	v11 =	vor.u32 v11, v15  }
0x303: {  	v9 =	vcvt.f32.s32 v9;
	v10 =	vand.u32 $0x7, v10;
	v6 =	vtrunc.f32 v6  }
0x304: {  	v12 =	vadd.s32 v3, v12;
	v15 =	vand.u32 $0xFFFFFFF8, v8;
	v14 =	vmul.f32 $2.550000000e+02, v14  }
0x305: {  	[tilespmem:v4+s1+$0x0] =	vst.idx.add.s32.msk $0xffff, v2;
	v8 =	vand.u32 $0x7, v8;
	v6 =	vcvt.f32.s32 v6;
	v4 =	vor.u32 v10, v12  }
0x306: {  	[tilespmem:v5+s1+$0x0] =	vst.idx.add.s32.msk $0xffff, v2;
	v5 =	vand.u32 $0x7, v9;
	v15 =	vadd.s32 v3, v15;
	v14 =	vtrunc.f32 v14  }
0x307: {  	v8 =	vor.u32 v8, v15;
	v15 =	vand.u32 $0xFFFFFFF8, v9;
	v12 =	vcvt.f32.s32 v14  }
0x308: {  	v9 =	vand.u32 $0x7, v6;
	v6 =	vand.u32 $0xFFFFFFF8, v6;
	v10 =	vadd.s32 v3, v15  }
0x309: {  	[tilespmem:v13+s1+$0x0] =	vst.idx.add.s32.msk $0xffff, v2;
	v6 =	vadd.s32 v3, v6;
	v5 =	vor.u32 v5, v10;
	v13 =	vand.u32 $0xFFFFFFF8, v12  }
0x30a: {  	[tilespmem:v7+s1+$0x0] =	vst.idx.add.s32.msk $0xffff, v2;
	v6 =	vor.u32 v9, v6;
	v7 =	vand.u32 $0x7, v12;
	v3 =	vadd.s32 v3, v13  }
0x30b: {  	[tilespmem:v11+s1+$0x0] =	vst.idx.add.s32.msk $0xffff, v2;
	v3 =	vor.u32 v7, v3  }
0x30c: {  	[tilespmem:v4+s1+$0x0] =	vst.idx.add.s32.msk $0xffff, v2  }
0x30d: {  	[tilespmem:v8+s1+$0x0] =	vst.idx.add.s32.msk $0xffff, v2  }
0x30e: {  	[tilespmem:v5+s1+$0x0] =	vst.idx.add.s32.msk $0xffff, v2  }
0x30f: {  	[tilespmem:v6+s1+$0x0] =	vst.idx.add.s32.msk $0xffff, v2  }
0x310: {  	s22 =	simm.s32 $0x0;
	[tilespmem:v3+s1+$0x0] =	vst.idx.add.s32.msk $0xffff, v2  }
0x311: {  	[hbm4b:s19+s22] =	stream.linear.scatter [tilespmem:s28], [sflag:$0x2], $0xC00, $0x38;
	[tilespmem:$0xC060] =	vst v63  }
0x312: {  	_ =	swait.ge [sflag:s31], $0x960  }
0x313: {  	[sflag:s31] =	ssyncset.done $0x0  }
0x314: {  	s23 =	simm.s32 $0x0;
	[sflag:s31] =	ssyncadd.s32 $0xFFFFF6A0  }
0x315: {  	v3 =	vld [tilespmem:s23+$0x5190]  }
0x316: {  	v5 =	vld [tilespmem:s23+$0x4DD0]  }
0x317: {  	v4 =	vmov s22;
	v6 =	vld [tilespmem:s23+$0x5370]  }
0x318: {  	v4 =	vmul.u32 $0xCCD, v4  }
0x319: {  	v7 =	vld [tilespmem:s23+$0x4FB0]  }
0x31a: {  	v4 =	vbroadcast v4, $0x0;
	v8 =	vld [tilespmem:s23+$0x50A0]  }
0x31b: {  	v3 =	vmul.f32 $2.550000000e+02, v3;
	v5 =	vmul.f32 $2.550000000e+02, v5  }
0x31c: {  	v4 =	vadd.s32 v1, v4;
	v6 =	vmul.f32 $2.550000000e+02, v6  }
0x31d: {  	v4 =	vshrl.u32 v4, $0x8;
	v3 =	vtrunc.f32 v3;
	v5 =	vtrunc.f32 v5  }
0x31e: {  	v4 =	vand.u32 $0xFFFF00, v4;
	v6 =	vtrunc.f32 v6;
	v10 =	vcvt.f32.s32 v3  }
0x31f: {  	v9 =	vld [tilespmem:s23+$0x5280];
	v3 =	vadd.s32 $0x6000, v4;
	v4 =	vmul.f32 $2.550000000e+02, v7;
	v7 =	vmul.f32 $2.550000000e+02, v8  }
0x320: {  	v6 =	vcvt.f32.s32 v6;
	v5 =	vcvt.f32.s32 v5  }
0x321: {  	v8 =	vand.u32 $0xFFFFFFF8, v10;
	v10 =	vand.u32 $0x7, v10;
	v11 =	vtrunc.f32 v4  }
0x322: {  	v15 =	vtrunc.f32 v7;
	v12 =	vand.u32 $0xFFFFFFF8, v5;
	v8 =	vadd.s32 v3, v8  }
0x323: {  	v13 =	vand.u32 $0x7, v6;
	v7 =	vcvt.f32.s32 v11;
	v4 =	vor.u32 v10, v8;
	v8 =	vld [tilespmem:s23+$0x4CE0]  }
0x324: {  	v11 =	vadd.s32 v3, v12;
	v12 =	vand.u32 $0xFFFFFFF8, v6;
	v10 =	vmul.f32 $2.550000000e+02, v9;
	v9 =	vld [tilespmem:s23+$0x4EC0]  }
0x325: {  	v5 =	vand.u32 $0x7, v5;
	v14 =	vadd.s32 v3, v12;
	v16 =	vand.u32 $0xFFFFFFF8, v7  }
0x326: {  	s25 =	simm.s32 $0x40;
	v6 =	vld [tilespmem:s23+$0x4BF0];
	v5 =	vor.u32 v5, v11;
	v11 =	vcvt.f32.s32 v15;
	v12 =	vadd.s32 v3, v16  }
.LBB2_22:
0x327: {  	s24 =	smov.u32 s25  }
0x328: {  	v15 =	vld [tilespmem:s23+$0x4B00];
	s23 =	sshra.s32 s25, $0x2;
	v8 =	vmul.f32 $2.550000000e+02, v8;
	v10 =	vtrunc.f32 v10;
	v13 =	vor.u32 v13, v14;
	s22 =	sadd.s32 $0x10, s22;
	s24 =	sadd.s32 $0x40, s25  }
0x329: {  	p0 =	sne.s32 s25, $0x380;
	v9 =	vmul.f32 $2.550000000e+02, v9;
	v14 =	vand.u32 $0xFFFFFFF8, v11;
	[tilespmem:v4+s1+$0x0] =	vst.idx.add.s32.msk $0xffff, v2;
	v4 =	vcvt.f32.s32 v10  }
0x32a: {  	v7 =	vand.u32 $0x7, v7;
	v14 =	vadd.s32 v3, v14;
	v10 =	vld [tilespmem:s23+$0x5190]  }
0x32b: {  	v7 =	vor.u32 v7, v12;
	v11 =	vand.u32 $0x7, v11;
	v12 =	vand.u32 $0xFFFFFFF8, v4  }
0x32c: {  	v8 =	vtrunc.f32 v8;
	[tilespmem:v5+s1+$0x0] =	vst.idx.add.s32.msk $0xffff, v2;
	v5 =	vtrunc.f32 v9;
	v9 =	vor.u32 v11, v14  }
0x32d: {  	v6 =	vmul.f32 $2.550000000e+02, v6;
	v8 =	vcvt.f32.s32 v8;
	v11 =	vmov s22;
	[tilespmem:v13+s1+$0x0] =	vst.idx.add.s32.msk $0xffff, v2  }
0x32e: {  	v4 =	vand.u32 $0x7, v4;
	v11 =	vmul.u32 $0xCCD, v11;
	v5 =	vcvt.f32.s32 v5;
	v13 =	vld [tilespmem:s23+$0x4DD0]  }
0x32f: {  	v15 =	vmul.f32 $2.550000000e+02, v15;
	v16 =	vand.u32 $0xFFFFFFF8, v8;
	v8 =	vand.u32 $0x7, v8;
	v14 =	vld [tilespmem:s23+$0x5370]  }
0x330: {  	v16 =	vadd.s32 v3, v16;
	v17 =	vand.u32 $0xFFFFFFF8, v5;
	[tilespmem:v7+s1+$0x0] =	vst.idx.add.s32.msk $0xffff, v2;
	v7 =	vadd.s32 v3, v12  }
0x331: {  	v8 =	vor.u32 v8, v16;
	v11 =	vbroadcast v11, $0x0;
	[tilespmem:v9+s1+$0x0] =	vst.idx.add.s32.msk $0xffff, v2;
	v4 =	vor.u32 v4, v7  }
0x332: {  	v6 =	vtrunc.f32 v6;
	v12 =	vadd.s32 v3, v17;
	v9 =	vtrunc.f32 v15;
	v7 =	vld [tilespmem:s23+$0x50A0]  }
0x333: {  	v6 =	vcvt.f32.s32 v6;
	v10 =	vmul.f32 $2.550000000e+02, v10;
	v11 =	vadd.s32 v1, v11;
	v15 =	vld [tilespmem:s23+$0x4FB0]  }
0x334: {  	v5 =	vand.u32 $0x7, v5;
	v11 =	vshrl.u32 v11, $0x8;
	v13 =	vmul.f32 $2.550000000e+02, v13  }
0x335: {  	v9 =	vcvt.f32.s32 v9;
	v11 =	vand.u32 $0xFFFF00, v11;
	v14 =	vmul.f32 $2.550000000e+02, v14  }
0x336: {  	v16 =	vand.u32 $0x7, v6;
	v10 =	vtrunc.f32 v10;
	v11 =	vadd.s32 $0x6000, v11;
	[tilespmem:v4+s1+$0x0] =	vst.idx.add.s32.msk $0xffff, v2  }
0x337: {  	v6 =	vand.u32 $0xFFFFFFF8, v6;
	v5 =	vor.u32 v5, v12;
	v4 =	vand.u32 $0xFFFFFFF8, v9;
	v17 =	vld [tilespmem:s23+$0x5280]  }
0x338: {  	v6 =	vadd.s32 v3, v6;
	v12 =	vtrunc.f32 v13;
	v13 =	vmul.f32 $2.550000000e+02, v15;
	[tilespmem:v8+s1+$0x0] =	vst.idx.add.s32.msk $0xffff, v2  }
0x339: {  	v6 =	vor.u32 v16, v6;
	v10 =	vcvt.f32.s32 v10;
	v14 =	vtrunc.f32 v14  }
0x33a: {  	v9 =	vand.u32 $0x7, v9;
	v7 =	vmul.f32 $2.550000000e+02, v7;
	v14 =	vcvt.f32.s32 v14;
	v8 =	vld [tilespmem:s23+$0x4CE0]  }
0x33b: {  	v12 =	vcvt.f32.s32 v12;
	v4 =	vadd.s32 v3, v4;
	v3 =	vmovc v11;
	v15 =	vand.u32 $0xFFFFFFF8, v10  }
0x33c: {  	v10 =	vand.u32 $0x7, v10;
	v11 =	vadd.s32 v3, v15;
	v15 =	vor.u32 v9, v4;
	[tilespmem:v5+s1+$0x0] =	vst.idx.add.s32.msk $0xffff, v2  }
.Ltmp10:
0x33d: {  	v16 =	vtrunc.f32 v7;
	v4 =	vor.u32 v10, v11;
	v5 =	vtrunc.f32 v13;
	v9 =	vld [tilespmem:s23+$0x4EC0];
	(pc) =	sbr.rel @p0 .LBB2_22-.Ltmp10, $4  }
0x33e: {  	v11 =	vand.u32 $0xFFFFFFF8, v12;
	v10 =	vmul.f32 $2.550000000e+02, v17;
	v7 =	vcvt.f32.s32 v5;
	[tilespmem:v6+s1+$0x0] =	vst.idx.add.s32.msk $0xffff, v2  }
0x33f: {  	v13 =	vand.u32 $0x7, v14;
	v5 =	vadd.s32 v3, v11;
	v11 =	vand.u32 $0xFFFFFFF8, v14;
	v6 =	vld [tilespmem:s23+$0x4BF0]  }
0x340: {  	v12 =	vand.u32 $0x7, v12;
	v14 =	vadd.s32 v3, v11;
	v17 =	vand.u32 $0xFFFFFFF8, v7  }
0x341: {  	s25 =	smov.u32 s24;
	v5 =	vor.u32 v12, v5;
	v11 =	vcvt.f32.s32 v16;
	v12 =	vadd.s32 v3, v17;
	[tilespmem:v15+s1+$0x0] =	vst.idx.add.s32.msk $0xffff, v2  }
0x342: {  	v8 =	vmul.f32 $2.550000000e+02, v8  }
0x343: {  	v10 =	vtrunc.f32 v10;
	v13 =	vor.u32 v13, v14;
	v9 =	vmul.f32 $2.550000000e+02, v9  }
0x344: {  	v52 =	vld [tilespmem:s23+$0x4B00];
	v7 =	vand.u32 $0x7, v7;
	v15 =	vand.u32 $0xFFFFFFF8, v11;
	v10 =	vcvt.f32.s32 v10  }
0x345: {  	v7 =	vor.u32 v7, v12;
	v53 =	vand.u32 $0x7, v11;
	v8 =	vtrunc.f32 v8  }
0x346: {  	v15 =	vadd.s32 v3, v15;
	v9 =	vtrunc.f32 v9;
	v6 =	vmul.f32 $2.550000000e+02, v6  }
0x347: {  	v54 =	vand.u32 $0xFFFFFFF8, v10;
	v8 =	vcvt.f32.s32 v8;
	v11 =	vor.u32 v53, v15  }
0x348: {  	v9 =	vcvt.f32.s32 v9;
	v10 =	vand.u32 $0x7, v10;
	v6 =	vtrunc.f32 v6  }
0x349: {  	v12 =	vadd.s32 v3, v54;
	v55 =	vand.u32 $0xFFFFFFF8, v8;
	v14 =	vmul.f32 $2.550000000e+02, v52  }
0x34a: {  	v8 =	vand.u32 $0x7, v8;
	v56 =	vand.u32 $0xFFFFFFF8, v9;
	v6 =	vcvt.f32.s32 v6  }
0x34b: {  	v57 =	vor.u32 v10, v12;
	v60 =	vand.u32 $0x7, v9;
	v14 =	vtrunc.f32 v14  }
0x34c: {  	[tilespmem:v4+s1+$0x0] =	vst.idx.add.s32.msk $0xffff, v2;
	v15 =	vadd.s32 v3, v55;
	v58 =	vadd.s32 v3, v56;
	v59 =	vcvt.f32.s32 v14  }
0x34d: {  	[tilespmem:v5+s1+$0x0] =	vst.idx.add.s32.msk $0xffff, v2;
	v8 =	vor.u32 v8, v15;
	v61 =	vand.u32 $0x7, v6;
	v6 =	vand.u32 $0xFFFFFFF8, v6  }
0x34e: {  	[tilespmem:v13+s1+$0x0] =	vst.idx.add.s32.msk $0xffff, v2;
	v5 =	vor.u32 v60, v58;
	v6 =	vadd.s32 v3, v6;
	v62 =	vand.u32 $0xFFFFFFF8, v59  }
0x34f: {  	[tilespmem:v7+s1+$0x0] =	vst.idx.add.s32.msk $0xffff, v2;
	v6 =	vor.u32 v61, v6;
	v63 =	vand.u32 $0x7, v59;
	v3 =	vadd.s32 v3, v62  }
0x350: {  	[tilespmem:v11+s1+$0x0] =	vst.idx.add.s32.msk $0xffff, v2;
	v3 =	vor.u32 v63, v3  }
0x351: {  	[tilespmem:v57+s1+$0x0] =	vst.idx.add.s32.msk $0xffff, v2  }
0x352: {  	[tilespmem:v8+s1+$0x0] =	vst.idx.add.s32.msk $0xffff, v2  }
0x353: {  	[tilespmem:v5+s1+$0x0] =	vst.idx.add.s32.msk $0xffff, v2  }
0x354: {  	[tilespmem:v6+s1+$0x0] =	vst.idx.add.s32.msk $0xffff, v2  }
0x355: {  	[tilespmem:v3+s1+$0x0] =	vst.idx.add.s32.msk $0xffff, v2  }
0x356: {  	[hbm4b:s20+s2] =	stream.linear.scatter [tilespmem:s29], [sflag:$0x2], $0xC00, $0x38;
	[tilespmem:$0xC060] =	vst v63  }
0x357: {  	_ =	swait.ge [sflag:s30], $0xC00  }
0x358: {  	[sflag:s30] =	ssyncset.done $0x0  }
0x359: {  	[sflag:s30] =	ssyncadd.s32 $0xFFFFF400  }
0x35a: {  	_ =	swait.ge [sflag:s30], $0xC00  }
0x35b: {  	[sflag:s30] =	ssyncset.done $0x0  }
0x35c: {  	[sflag:s30] =	ssyncadd.s32 $0xFFFFF400  }
0x35d: {  	_ =	swait.ge [sflag:s30], $0xC00  }
0x35e: {  	[sflag:s30] =	ssyncset.done $0x0  }
0x35f: {  	[sflag:s30] =	ssyncadd.s32 $0xFFFFF400  }
0x360: {  	_ =	swait.ge [sflag:s30], $0xC00  }
0x361: {  	[sflag:s30] =	ssyncset.done $0x0  }
0x362: {  	[sflag:s30] =	ssyncadd.s32 $0xFFFFF400  }
0x363: {  	_ =	swait.ge [sflag:s30], $0xC00  }
0x364: {  	[sflag:s30] =	ssyncset.done $0x0  }
0x365: {  	[sflag:s30] =	ssyncadd.s32 $0xFFFFF400  }
0x366: {  	_ =	swait.ge [sflag:s30], $0xC00  }
0x367: {  	[sflag:s30] =	ssyncset.done $0x0  }
0x368: {  	[sflag:s30] =	ssyncadd.s32 $0xFFFFF400  }
0x369: {  	_ =	swait.ge [sflag:s30], $0xC00  }
0x36a: {  	[sflag:s30] =	ssyncset.done $0x0  }
0x36b: {  	s0 =	sadd.s32 $0x1, s0;
	[sflag:s30] =	ssyncadd.s32 $0xFFFFF400  }
0x36c: {  	p0 =	sne.s32 s0, s21;
	_ =	swait.ge [sflag:s30], $0xC00  }
.Ltmp11:
0x36d: {  	[sflag:s30] =	ssyncset.done $0x0;
	(pc) =	sbr.rel @p0 .LBB2_1-.Ltmp11, $4  }
0x36e: {  	[sflag:s30] =	ssyncadd.s32 $0xFFFFF400  }
0x36f: {  	_ =	swait.ge [sflag:s30], $0xC00  }
0x370: {  	[sflag:s30] =	ssyncset.done $0x0  }
0x371: {  	[sflag:s30] =	ssyncadd.s32 $0xFFFFF400  }
0x372: {  	_ =	sfence.sel $0x180000  }
0x373: {  	[bflag:$0x0] =	sbarrier.arrive $0xFFFF  }
0x374: {  	_ =	strace $0x90000047  }
0x375: {  	s0 =	stileid.u32;
	[bflag:$0x2] =	sbarrier.arrive $0xFFFF  }
0x376: {  	p0 =	sne.s32 s0, $0x0;
	s0 =	rddreg [dreg:$0x1]  }
0x377: {  	s0 =	sadd.s32 @!p0 $0x100000, s0  }
0x378: {  	[sflag:s0] =	ssyncadd.tile.s32 @!p0 $0x1;
	_ =	shalt  }
.Lfunc_end2:
_tile_overlayer_lowered:
.L_overlay_start_2:
0x379: {  	(tag) =	ssettag $0x2  }
0x37a: {  	s0 =	rddreg [dreg:$0x0];
	s2 =	stileid.u32  }
0x37b: {  	s1 =	rddreg [dreg:$0x1];
	p0 =	sne.s32 s2, $0x0  }
0x37c: {  	s3 =	rddreg [dreg:$0x2];
	[bflag:$0x3] =	sbarrier.arrive $0xFFFF;
	s2 =	simm.s32 @!p0 $0x1C03  }
0x37d: {  	[timem:s3], [sflag:s2] =	dma.local @!p0 [hbm:s0], s1  }
0x37e: {  	s0 =	simm.s32 @!p0 $0x3  }
0x37f: {  	_ =	swait.ge @!p0 [sflag:s0], s1  }
0x380: {  	s1 =	ssub.s32 @!p0 $0x0, s1;
	[sflag:s0] =	ssyncset.done @!p0 $0x0  }
0x381: {  	[sflag:s0] =	ssyncadd.s32 @!p0 s1  }
0x382: {  	[bflag:$0x3] =	sbarrier.arrive $0xFFFF  }
0x383: {  	_ =	shalt  }

</sc_bundles>
